<compile_context>
chip_gen: v7x
topology: tpu7x:2x2x1
jax: 0.10.2.dev20260603
libtpu: 0.0.44.dev20260713+nightly
codegen_flags: <defaults>
</compile_context>

<pallas_src>
import functools

import jax
import jax.numpy as jnp
from jax import lax
from jax.experimental import pallas as pl
from jax.experimental.pallas import tpu as pltpu
from jax.experimental.pallas import tpu_sc as plsc

SH_C0 = 0.28209479177387814
SH_C1 = 0.4886025119029199
SH_C2 = (1.0925484305920792, -1.0925484305920792, 0.31539156525252005, -1.0925484305920792, 0.5462742152960396)
SH_C3 = (-0.5900435899266435, 2.890611442640554, -0.4570457994644658, 0.3731763325901154, -0.4570457994644658, 1.445305721320277, -0.5900435899266435)

_W = 128
_H = 128
_NPIX = 512
_CH = 256


def _quat_to_rot(q):
    q = q / (jnp.linalg.norm(q, axis=1, keepdims=True) + 1e-8)
    r = q[:, 0]; x = q[:, 1]; y = q[:, 2]; z = q[:, 3]
    R = jnp.stack([
        1 - 2 * (y * y + z * z), 2 * (x * y - r * z), 2 * (x * z + r * y),
        2 * (x * y + r * z), 1 - 2 * (x * x + z * z), 2 * (y * z - r * x),
        2 * (x * z - r * y), 2 * (y * z + r * x), 1 - 2 * (x * x + y * y)], axis=1)
    return R.reshape(-1, 3, 3)


def _prep_body(pre7, g3, shsr, parr, attrs, aux):
    pxr = pre7[0]; pyr = pre7[1]
    c0 = pre7[2]; c1 = pre7[3]; c2 = pre7[4]
    op_eff = pre7[5]; depth = pre7[6]
    mx = g3[0]; my = g3[1]; mz = g3[2]
    cx = parr[0]; cy = parr[1]; cz = parr[2]
    ddx = mx - cx; ddy = my - cy; ddz = mz - cz
    di = 1.0 / (jnp.sqrt(ddx * ddx + ddy * ddy + ddz * ddz) + 1e-8)
    dxn = ddx * di; dyn = ddy * di; dzn = ddz * di
    xx = dxn * dxn; yy = dyn * dyn; zz = dzn * dzn
    xy = dxn * dyn; yz = dyn * dzn; xz = dxn * dzn
    bas = [None] * 16
    bas[1] = -SH_C1 * dyn; bas[2] = SH_C1 * dzn; bas[3] = -SH_C1 * dxn
    bas[4] = SH_C2[0] * xy; bas[5] = SH_C2[1] * yz
    bas[6] = SH_C2[2] * (2.0 * zz - xx - yy)
    bas[7] = SH_C2[3] * xz; bas[8] = SH_C2[4] * (xx - yy)
    bas[9] = SH_C3[0] * dyn * (3.0 * xx - yy)
    bas[10] = SH_C3[1] * xy * dzn
    bas[11] = SH_C3[2] * dyn * (4.0 * zz - xx - yy)
    bas[12] = SH_C3[3] * dzn * (2.0 * zz - 3.0 * xx - 3.0 * yy)
    bas[13] = SH_C3[4] * dxn * (4.0 * zz - xx - yy)
    bas[14] = SH_C3[5] * dzn * (xx - yy)
    bas[15] = SH_C3[6] * dxn * (xx - 3.0 * yy)
    rgb = []
    for ch in range(3):
        col = SH_C0 * shsr[ch]
        for i in range(1, 16):
            col = col + bas[i] * shsr[3 * i + ch]
        rgb.append(jnp.maximum(col + 0.5, 0.0))
    midc = 0.5 * (c0 + c2)
    detc = c0 * c2 - c1 * c1
    lminc = midc - jnp.sqrt(jnp.maximum(midc * midc - detc, 0.0))
    thresh = 2.0 * jnp.log(255.0 * jnp.maximum(op_eff, 1e-30))
    radc = jnp.sqrt(jnp.maximum(thresh, 0.0)
                    / jnp.maximum(lminc, 1e-30)) * 1.001 + 0.1
    okf = (op_eff > 0.0) & (thresh > 0.0) & (lminc > 0.0)
    badf = jnp.where(okf & jnp.logical_not(radc <= jnp.float32(_TILE)), 1.0, 0.0)
    inv_t = 1.0 / _TILE
    g = jnp.float32(_TGRID - 1)
    tx0 = jnp.clip(jnp.floor((pxr - radc) * inv_t), 0.0, g)
    tx1 = jnp.clip(jnp.floor((pxr + radc) * inv_t), 0.0, g)
    ty0 = jnp.clip(jnp.floor((pyr - radc) * inv_t), 0.0, g)
    ty1 = jnp.clip(jnp.floor((pyr + radc) * inv_t), 0.0, g)
    one = jnp.full_like(pxr, 1.0)
    for i, row in enumerate([pxr, pyr, c0, c1, c2, op_eff, rgb[0], rgb[1],
                             rgb[2], depth, one, tx0, tx1, ty0, ty1,
                             jnp.where(okf, 1.0, 0.0)]):
        attrs[i] = row
    aux[0] = badf


def _preprocess_nosh(width, height, means3D, opacities, scales, scale_modifier,
                     rotations, viewmatrix, projmatrix, tanfovx, tanfovy):
    P = means3D.shape[0]
    ones_col = jnp.ones((P, 1), dtype=jnp.float32)
    means_hom = jnp.concatenate([means3D, ones_col], axis=1)
    vm = viewmatrix.astype(jnp.float32)
    pm = projmatrix.astype(jnp.float32)
    focal_y = height / (2.0 * tanfovy)
    focal_x = width / (2.0 * tanfovx)
    p_view = means_hom @ vm
    depths = p_view[:, 2]
    p_hom = means_hom @ pm
    p_w = 1.0 / (p_hom[:, 3:4] + 1e-7)
    p_proj = p_hom[:, :3] * p_w
    Rm = _quat_to_rot(rotations)
    s = scales * scale_modifier
    Sigma = jnp.einsum('pij,pj,pkj->pik', Rm, s * s, Rm)
    t = p_view[:, :3]
    tz = t[:, 2]
    limx = 1.3 * tanfovx
    limy = 1.3 * tanfovy
    tx = jnp.clip(t[:, 0] / tz, -limx, limx) * tz
    ty = jnp.clip(t[:, 1] / tz, -limy, limy) * tz
    zero = jnp.zeros_like(tz)
    J0 = jnp.stack([focal_x / tz, zero, -focal_x * tx / (tz * tz)], axis=1)
    J1 = jnp.stack([zero, focal_y / tz, -focal_y * ty / (tz * tz)], axis=1)
    J = jnp.stack([J0, J1], axis=1)
    Wr = vm[:3, :3].T
    Tm = jnp.einsum('pij,jk->pik', J, Wr)
    cov2D = jnp.einsum('pij,pjk,plk->pil', Tm, Sigma, Tm)
    a = cov2D[:, 0, 0] + 0.3
    b = cov2D[:, 0, 1]
    c = cov2D[:, 1, 1] + 0.3
    det = a * c - b * b
    det_safe = jnp.where(jnp.abs(det) < 1e-12, 1.0, det)
    inv_det = 1.0 / det_safe
    conic = jnp.stack([c * inv_det, -b * inv_det, a * inv_det], axis=1)
    mid = 0.5 * (a + c)
    disc = jnp.sqrt(jnp.maximum(0.1, mid * mid - det))
    lam1 = mid + disc
    radius = jnp.ceil(3.0 * jnp.sqrt(jnp.maximum(lam1, 1e-8)))
    px = ((p_proj[:, 0] + 1.0) * width - 1.0) * 0.5
    py = ((p_proj[:, 1] + 1.0) * height - 1.0) * 0.5
    visible = (depths > 0.2) & (det > 0.0) & (radius > 0.0)
    radii = jnp.where(visible, radius, 0.0)
    return px, py, conic, opacities[:, 0], depths, visible, radii


def _keys_body(attrs_ref, keys_ref):
    tx0 = attrs_ref[11]; tx1 = attrs_ref[12]
    ty0 = attrs_ref[13]; ty1 = attrs_ref[14]
    ok = attrs_ref[15] > 0.5
    shp = tx0.shape
    rank = (jax.lax.broadcasted_iota(jnp.int32, shp, 0) * shp[1]
            + jax.lax.broadcasted_iota(jnp.int32, shp, 1))
    sent = jnp.int32(_NTILES << 13)
    for s in range(_KSLOT):
        txf = tx0 + jnp.float32(s % 3)
        tyf = ty0 + jnp.float32(s // 3)
        valid = ok & (txf <= tx1) & (tyf <= ty1)
        tile = (tyf * _TGRID + txf).astype(jnp.int32)
        keys_ref[s] = jnp.where(valid, (tile << 13) | rank, sent)


def _composite_body(attrs_ref, rgbd_ref, out_ref):
    i = pl.program_id(0)
    npix = _NPIX
    ch = _CH
    nchunks = attrs_ref.shape[1] // ch
    pix = i * npix + jax.lax.broadcasted_iota(jnp.int32, (npix, 1), 0)
    xf = (pix // _H).astype(jnp.float32)
    yf = (pix % _H).astype(jnp.float32)

    def shift_fill1(t, sh):
        return jnp.concatenate(
            [jnp.full((t.shape[0], sh), 1.0, t.dtype), t[:, :t.shape[1] - sh]],
            axis=1)

    def body(k, carry):
        tcar, acc = carry
        a = attrs_ref[:, pl.ds(k * ch, ch)]
        px_c = a[0:1, :]; py_c = a[1:2, :]
        c0 = a[2:3, :]; c1 = a[3:4, :]; c2 = a[4:5, :]
        opc = a[5:6, :]
        dx = px_c - xf
        dy = py_c - yf
        power = (-0.5 * (c0 * dx * dx + c2 * dy * dy)) - c1 * dx * dy
        alpha = opc * jnp.exp(jnp.minimum(power, 0.0))
        alpha = jnp.minimum(alpha, 0.99)
        alpha = jnp.where((power > 0.0) | (alpha < 1.0 / 255.0), 0.0, alpha)
        t = 1.0 - alpha
        sh = 1
        while sh < ch:
            t = t * shift_fill1(t, sh)
            sh *= 2
        tprev = tcar * shift_fill1(t, 1)
        w = jnp.where(tprev < 1e-4, 0.0, alpha * tprev)
        acc = acc + jax.lax.dot(w, rgbd_ref[pl.ds(k * ch, ch), :],
                                precision=jax.lax.Precision.HIGHEST)
        tcar = tcar * t[:, ch - 1:ch]
        return tcar, acc

    tcar0 = jnp.ones((npix, 1), jnp.float32)
    acc0 = jnp.zeros((npix, 8), jnp.float32)
    _, acc = jax.lax.fori_loop(0, nchunks, body, (tcar0, acc0))
    out_ref[...] = acc


def _composite(attrs, rgbd):
    npix_total = _W * _H
    grid = (npix_total // _NPIX,)
    return pl.pallas_call(
        _composite_body,
        grid=grid,
        in_specs=[
            pl.BlockSpec(attrs.shape, lambda i: (0, 0)),
            pl.BlockSpec(rgbd.shape, lambda i: (0, 0)),
        ],
        out_specs=pl.BlockSpec((_NPIX, 8), lambda i: (i, 0)),
        out_shape=jax.ShapeDtypeStruct((npix_total, 8), jnp.float32),
    )(attrs, rgbd)


_TILE = 16
_TGRID = _W // _TILE
_NTILES = _TGRID * _TGRID
_KSLOT = 9
_TPIX = _TILE * _TILE


def _tile_composite_body(starts_ref, binned_ref, out_ref):
    t = pl.program_id(0)
    start = starts_ref[t]
    end = starts_ref[t + 1]
    rr = jax.lax.broadcasted_iota(jnp.int32, (_TPIX, 1), 0)
    xf = ((t % _TGRID) * _TILE + rr // _TILE).astype(jnp.float32)
    yf = ((t // _TGRID) * _TILE + rr % _TILE).astype(jnp.float32)
    lane = jax.lax.broadcasted_iota(jnp.int32, (1, _CH), 1)

    def shift_fill1(v, sh):
        return jnp.concatenate(
            [jnp.full((v.shape[0], sh), 1.0, v.dtype), v[:, :v.shape[1] - sh]],
            axis=1)

    def chunk(j, carry):
        tcar, acc = carry
        a = binned_ref[j]
        o = j * _CH + lane
        valid = (o >= start) & (o < end)
        px_c = a[0:1, :]; py_c = a[1:2, :]
        c0 = a[2:3, :]; c1 = a[3:4, :]; c2 = a[4:5, :]
        opc = a[5:6, :]
        dx = px_c - xf
        dy = py_c - yf
        power = (-0.5 * (c0 * dx * dx + c2 * dy * dy)) - c1 * dx * dy
        alpha = opc * jnp.exp(jnp.minimum(power, 0.0))
        alpha = jnp.minimum(alpha, 0.99)
        alpha = jnp.where((power > 0.0) | (alpha < 1.0 / 255.0) | (~valid),
                          0.0, alpha)
        tv = 1.0 - alpha
        sh = 1
        while sh < _CH:
            tv = tv * shift_fill1(tv, sh)
            sh *= 2
        tprev = tcar * shift_fill1(tv, 1)
        w = jnp.where(tprev < 1e-4, 0.0, alpha * tprev)
        acc = acc + jax.lax.dot_general(
            w, a[6:14, :], (((1,), (1,)), ((), ())),
            precision=jax.lax.Precision.HIGHEST)
        tcar = tcar * tv[:, _CH - 1:_CH]
        return tcar, acc

    j0 = start // _CH
    j1 = (end + _CH - 1) // _CH
    tcar0 = jnp.ones((_TPIX, 1), jnp.float32)
    acc0 = jnp.zeros((_TPIX, 8), jnp.float32)
    _, acc = jax.lax.fori_loop(j0, j1, chunk, (tcar0, acc0))
    out_ref[0] = acc


def _tile_composite(starts, binned):
    grid_spec = pltpu.PrefetchScalarGridSpec(
        num_scalar_prefetch=1,
        grid=(_NTILES,),
        in_specs=[pl.BlockSpec(binned.shape, lambda t, s: (0, 0, 0))],
        out_specs=pl.BlockSpec((1, _TPIX, 8), lambda t, s: (t, 0, 0)),
    )
    return pl.pallas_call(
        _tile_composite_body,
        grid_spec=grid_spec,
        out_shape=jax.ShapeDtypeStruct((_NTILES, _TPIX, 8), jnp.float32),
    )(starts, binned)


_SC_NW = 32
_SC_CHUNK = 128


def _make_sc_gather(n_inst):
    b_per_w = n_inst // _SC_NW
    n_chunks = b_per_w // _SC_CHUNK
    mesh = plsc.VectorSubcoreMesh(core_axis_name="c", subcore_axis_name="s")

    @functools.partial(
        pl.kernel, mesh=mesh,
        out_type=jax.ShapeDtypeStruct((n_inst, 16), jnp.float32),
        compiler_params=pltpu.CompilerParams(use_tc_tiling_on_sc=False),
        scratch_types=[
            pltpu.VMEM((n_chunks, _SC_CHUNK), jnp.int32),
            pltpu.VMEM((b_per_w, 16), jnp.float32),
            pltpu.SemaphoreType.DMA,
        ],
    )
    def sc_gather(table_hbm, idx_hbm, out_hbm, idx_v, rows_v, sem):
        wid = lax.axis_index("s") * 2 + lax.axis_index("c")
        pltpu.sync_copy(idx_hbm.at[wid], idx_v)
        copies = []
        for j in range(n_chunks):
            copies.append(pltpu.async_copy(
                table_hbm.at[idx_v.at[j]],
                rows_v.at[pl.ds(j * _SC_CHUNK, _SC_CHUNK)], sem))
        for cp in copies:
            cp.wait()
        pltpu.sync_copy(rows_v, out_hbm.at[pl.ds(wid * b_per_w, b_per_w)])

    return sc_gather


def kernel(P, D, M, background, width, height, means3D, shs, opacities, scales,
           scale_modifier, rotations, viewmatrix, projmatrix, cam_pos,
           tanfovx, tanfovy):
    Pn = means3D.shape[0]
    sub = Pn // 1024
    px, py, conic, op, depths, visible, radii = _preprocess_nosh(
        width, height, means3D, opacities, scales, scale_modifier,
        rotations, viewmatrix, projmatrix, tanfovx, tanfovy)
    op_eff = jnp.where(visible, op, 0.0)
    pre7 = jnp.stack([px, py, conic[:, 0], conic[:, 1], conic[:, 2],
                      op_eff, depths]).reshape(7, sub, 1024)
    g3 = means3D.T.reshape(3, sub, 1024)
    shsr = shs.reshape(Pn, 48).T.reshape(48, sub, 1024)
    par = jnp.stack([cam_pos[0], cam_pos[1], cam_pos[2]])
    attrs_u, aux = pl.pallas_call(
        _prep_body,
        in_specs=[
            pl.BlockSpec(memory_space=pltpu.VMEM),
            pl.BlockSpec(memory_space=pltpu.VMEM),
            pl.BlockSpec(memory_space=pltpu.VMEM),
            pl.BlockSpec(memory_space=pltpu.SMEM),
        ],
        out_shape=[jax.ShapeDtypeStruct((16, sub, 1024), jnp.float32),
                   jax.ShapeDtypeStruct((1, sub, 1024), jnp.float32)],
    )(pre7, g3, shsr, par)
    safe = jnp.logical_not(jnp.any(aux[0] > 0.0))
    order = jnp.argsort(depths)
    attrs16 = attrs_u.reshape(16, Pn)[:, order]

    keys = pl.pallas_call(
        _keys_body,
        out_shape=jax.ShapeDtypeStruct((_KSLOT, sub, 1024), jnp.int32),
    )(attrs16.reshape(16, sub, 1024))
    keys = jnp.sort(keys.ravel())
    tile_arr = keys >> 13
    starts = jnp.searchsorted(
        tile_arr, jnp.arange(_NTILES + 1, dtype=jnp.int32)).astype(jnp.int32)
    idx = keys & (Pn - 1)
    ncap = (_KSLOT * Pn) // _CH
    n_inst = _KSLOT * Pn
    idx3 = idx.reshape(_SC_NW, (n_inst // _SC_NW) // _SC_CHUNK, _SC_CHUNK)
    rows = _make_sc_gather(n_inst)(attrs16.T, idx3)
    binned = rows.reshape(ncap, _CH, 16).swapaxes(1, 2)

    def tiled_path():
        acc = _tile_composite(starts, binned)
        a = acc.reshape(_TGRID, _TGRID, _TILE, _TILE, 8)
        return a.transpose(1, 2, 0, 3, 4).reshape(_W * _H, 8)

    def dense_path():
        rgbd = attrs16[6:11].T
        rgbd = jnp.concatenate([rgbd, jnp.zeros((Pn, 3), jnp.float32)], axis=1)
        return _composite(attrs16[0:8], rgbd)

    acc = jax.lax.cond(safe, tiled_path, dense_path)
    accw = acc[:, 4:5]
    out_color = (acc[:, 0:3] + (1.0 - accw) * background[None, :]).reshape(_W, _H, 3)
    out_depth = acc[:, 3:4].reshape(_W, _H, 1)
    return out_color, out_depth, radii, visible

# --- scband reference (transcript-rebuilt; emitter-appended) ---
"""Pipeline reference for scband-gaussian-rasterizer-58334245814745 (READ-ONLY COPY).

The authoritative reference and input builder live on the scoring server;
editing this copy changes nothing except your own understanding.
"""

import jax, jax.numpy as jnp
import numpy as np

SH_C0 = 0.28209479177387814
SH_C1 = 0.4886025119029199
SH_C2 = (1.0925484305920792, -1.0925484305920792, 0.31539156525252005, -1.0925484305920792, 0.5462742152960396)
SH_C3 = (-0.5900435899266435, 2.890611442640554, -0.4570457994644658, 0.3731763325901154, -0.4570457994644658, 1.445305721320277, -0.5900435899266435)


def eval_sh(deg, sh, dirs):
    deg_static = int(np.sqrt(sh.shape[1])) - 1
    result = SH_C0 * sh[:, 0] + jnp.asarray(deg, sh.dtype) * 0.0
    if deg_static > 0:
        x = dirs[:, 0:1]; y = dirs[:, 1:2]; z = dirs[:, 2:3]
        result = result - SH_C1 * y * sh[:, 1] + SH_C1 * z * sh[:, 2] - SH_C1 * x * sh[:, 3]
        if deg_static > 1:
            xx = x * x; yy = y * y; zz = z * z
            xy = x * y; yz = y * z; xz = x * z
            result = (result + SH_C2[0] * xy * sh[:, 4] + SH_C2[1] * yz * sh[:, 5]
                      + SH_C2[2] * (2.0 * zz - xx - yy) * sh[:, 6]
                      + SH_C2[3] * xz * sh[:, 7] + SH_C2[4] * (xx - yy) * sh[:, 8])
            if deg_static > 2:
                result = (result + SH_C3[0] * y * (3.0 * xx - yy) * sh[:, 9]
                          + SH_C3[1] * xy * z * sh[:, 10]
                          + SH_C3[2] * y * (4.0 * zz - xx - yy) * sh[:, 11]
                          + SH_C3[3] * z * (2.0 * zz - 3.0 * xx - 3.0 * yy) * sh[:, 12]
                          + SH_C3[4] * x * (4.0 * zz - xx - yy) * sh[:, 13]
                          + SH_C3[5] * z * (xx - yy) * sh[:, 14]
                          + SH_C3[6] * x * (xx - 3.0 * yy) * sh[:, 15])
    return jnp.maximum(result + 0.5, 0.0)


def quat_to_rot(q):
    q = q / (jnp.linalg.norm(q, axis=1, keepdims=True) + 1e-8)
    r = q[:, 0]; x = q[:, 1]; y = q[:, 2]; z = q[:, 3]
    R = jnp.stack([
        1 - 2 * (y * y + z * z), 2 * (x * y - r * z), 2 * (x * z + r * y),
        2 * (x * y + r * z), 1 - 2 * (x * x + z * z), 2 * (y * z - r * x),
        2 * (x * z - r * y), 2 * (y * z + r * x), 1 - 2 * (x * x + y * y)], axis=1)
    return R.reshape(-1, 3, 3)


def _rasterize(P, D, M, background, width, height, means3D, shs, opacities, scales,
               scale_modifier, rotations, viewmatrix, projmatrix, cam_pos, tanfovx, tanfovy):
    P_static = means3D.shape[0]
    W_static = 128
    H_static = 128
    ones_col = jnp.ones((P_static, 1), dtype=jnp.float32) + jnp.asarray(P, jnp.float32) * 0.0
    means_hom = jnp.concatenate([means3D, ones_col], axis=1)
    vm = viewmatrix.astype(jnp.float32)
    pm = projmatrix.astype(jnp.float32)
    focal_y = height / (2.0 * tanfovy)
    focal_x = width / (2.0 * tanfovx)
    p_view = means_hom @ vm
    depths = p_view[:, 2]
    p_hom = means_hom @ pm
    p_w = 1.0 / (p_hom[:, 3:4] + 1e-7)
    p_proj = p_hom[:, :3] * p_w
    Rm = quat_to_rot(rotations)
    s = scales * scale_modifier
    Sigma = jnp.einsum('pij,pj,pkj->pik', Rm, s * s, Rm)
    t = p_view[:, :3]
    tz = t[:, 2]
    limx = 1.3 * tanfovx
    limy = 1.3 * tanfovy
    tx = jnp.clip(t[:, 0] / tz, -limx, limx) * tz
    ty = jnp.clip(t[:, 1] / tz, -limy, limy) * tz
    zero = jnp.zeros_like(tz)
    J0 = jnp.stack([focal_x / tz, zero, -focal_x * tx / (tz * tz)], axis=1)
    J1 = jnp.stack([zero, focal_y / tz, -focal_y * ty / (tz * tz)], axis=1)
    J = jnp.stack([J0, J1], axis=1)
    Wr = vm[:3, :3].T
    Tm = jnp.einsum('pij,jk->pik', J, Wr)
    cov2D = jnp.einsum('pij,pjk,plk->pil', Tm, Sigma, Tm)
    a = cov2D[:, 0, 0] + 0.3
    b = cov2D[:, 0, 1]
    c = cov2D[:, 1, 1] + 0.3
    det = a * c - b * b
    det_safe = jnp.where(jnp.abs(det) < 1e-12, 1.0, det)
    inv_det = 1.0 / det_safe
    conic = jnp.stack([c * inv_det, -b * inv_det, a * inv_det], axis=1)
    mid = 0.5 * (a + c)
    disc = jnp.sqrt(jnp.maximum(0.1, mid * mid - det))
    lam1 = mid + disc
    radius = jnp.ceil(3.0 * jnp.sqrt(jnp.maximum(lam1, 1e-8)))
    px = ((p_proj[:, 0] + 1.0) * width - 1.0) * 0.5
    py = ((p_proj[:, 1] + 1.0) * height - 1.0) * 0.5
    dirs = means3D - cam_pos[None, :]
    dirs = dirs / (jnp.linalg.norm(dirs, axis=1, keepdims=True) + 1e-8)
    rgb = eval_sh(D, shs, dirs)
    visible = (depths > 0.2) & (det > 0.0) & (radius > 0.0)
    radii = jnp.where(visible, radius, 0.0)
    order = jnp.argsort(depths)
    px_s = px[order]; py_s = py[order]
    con_s = conic[order]
    rgb_s = rgb[order]
    op_s = opacities[order, 0]
    d_s = depths[order]
    vis_s = visible[order]
    ys = jnp.arange(H_static, dtype=jnp.float32)

    def row(xf):
        dx = px_s - xf
        dy = py_s[None, :] - ys[:, None]
        power = (-0.5 * (con_s[None, :, 0] * dx[None, :] * dx[None, :]
                         + con_s[None, :, 2] * dy * dy)
                 - con_s[None, :, 1] * dx[None, :] * dy)
        alpha = op_s[None, :] * jnp.exp(jnp.minimum(power, 0.0))
        alpha = jnp.minimum(alpha, 0.99)
        alpha = jnp.where(power > 0.0, 0.0, alpha)
        alpha = jnp.where(alpha < (1.0 / 255.0), 0.0, alpha)
        alpha = jnp.where(vis_s[None, :], alpha, 0.0)
        Tc = jnp.cumprod(1.0 - alpha, axis=1)
        T_prev = jnp.concatenate([jnp.ones((alpha.shape[0], 1), dtype=jnp.float32), Tc[:, :-1]], axis=1)
        w = alpha * T_prev
        w = jnp.where(T_prev < 1e-4, 0.0, w)
        acc = jnp.sum(w, axis=1)
        final_T = 1.0 - acc
        color = w @ rgb_s + final_T[:, None] * background[None, :]
        depth_px = w @ d_s[:, None]
        return color, depth_px

    xs = jnp.arange(W_static, dtype=jnp.float32)
    out_color, out_depth = jax.lax.map(jax.checkpoint(row), xs)
    return out_color, out_depth, radii, visible


def setup_inputs(seed: int = 0):
    P, D, M, width, height = 8192, 3, 16, 128, 128
    key = jax.random.key(seed)
    k = jax.random.split(key, 6)
    means3D = jax.random.uniform(k[0], (P, 3), minval=-1.0, maxval=1.0, dtype=jnp.float32)
    shs = 0.3 * jax.random.normal(k[1], (P, M, 3), dtype=jnp.float32)
    opacities = jax.random.uniform(k[2], (P, 1), minval=0.1, maxval=0.99, dtype=jnp.float32)
    scales = jax.random.uniform(k[3], (P, 3), minval=0.005, maxval=0.05, dtype=jnp.float32)
    rotations = jax.random.normal(k[4], (P, 4), dtype=jnp.float32)
    rotations = rotations / (jnp.linalg.norm(rotations, axis=1, keepdims=True) + 1e-8)
    tanfovx = jnp.float32(0.5)
    tanfovy = jnp.float32(0.5)
    viewmatrix = jnp.array([[1, 0, 0, 0], [0, 1, 0, 0], [0, 0, 1, 0], [0, 0, 4, 1]], dtype=jnp.float32)
    znear, zfar = 0.01, 100.0
    persp = jnp.array([[2.0, 0, 0, 0], [0, 2.0, 0, 0],
                       [0, 0, zfar / (zfar - znear), 1.0],
                       [0, 0, -(zfar * znear) / (zfar - znear), 0]], dtype=jnp.float32)
    projmatrix = viewmatrix @ persp
    cam_pos = jnp.array([0.0, 0.0, -4.0], dtype=jnp.float32)
    background = jnp.zeros(3, dtype=jnp.float32)
    return {"P": P, "D": D, "M": M, "background": background, "width": width, "height": height,
            "means3D": means3D, "shs": shs, "opacities": opacities, "scales": scales,
            "scale_modifier": 1, "rotations": rotations, "viewmatrix": viewmatrix,
            "projmatrix": projmatrix, "cam_pos": cam_pos, "tanfovx": tanfovx, "tanfovy": tanfovy}


def reference(P, D, M, background, width, height, means3D, shs, opacities, scales,
              scale_modifier, rotations, viewmatrix, projmatrix, cam_pos, tanfovx, tanfovy):
    return _rasterize(P, D, M, background, width, height, means3D, shs, opacities, scales,
                      scale_modifier, rotations, viewmatrix, projmatrix, cam_pos, tanfovx, tanfovy)

if __name__ == "__main__":
    import jax
    _d = setup_inputs()
    print(jax.jit(kernel)(*tuple(_d.values())))

</pallas_src>

<mosaic_0001>
#map = affine_map<(d0, d1) -> (0, 0)>
#map1 = affine_map<(d0, d1) -> (0, 0, 0)>
module attributes {stable_mosaic.version = 14 : i64} {
  func.func @sc_gather(%arg0: i32, %arg1: i32, %arg2: memref<8192x16xf32, #tpu.memory_space<hbm>>, %arg3: memref<32x18x128xi32, #tpu.memory_space<hbm>>, %arg4: memref<73728x16xf32, #tpu.memory_space<hbm>>, %arg5: memref<18x128xi32, #tpu.memory_space<vmem>>, %arg6: memref<2304x16xf32, #tpu.memory_space<vmem>>, %arg7: memref<!tpu.dma_semaphore, #tpu.memory_space<semaphore_mem>>) attributes {dimension_semantics = [#tpu.dimension_semantics<core_parallel>, #tpu.dimension_semantics<subcore_parallel>], iteration_bounds = array<i64: 2, 16>, scalar_prefetch = 0 : i64, scratch_operands = 3 : i64, tpu.core_type = #tpu.core_type<sc_vector_subcore>, window_params = [{transform_indices = #map}, {transform_indices = #map1}, {transform_indices = #map}]} {
    %mul3A = arith.constant 2 : i32
    %mul3A_0 = arith.muli %arg1, %mul3A : i32
    %add3A = arith.addi %mul3A_0, %arg0 : i32
    "tpu.region"() ({
      %run_scoped3A = tpu.sem_alloc : memref<!tpu.dma_semaphore, #tpu.memory_space<semaphore_mem>>
      %dma_start3A_361 = arith.constant 0 : i32
      %dma_start3A_362 = arith.constant 0 : i32
      %dma_start3A_363 = tpu.memref_slice %arg3[%add3A, %dma_start3A_361, %dma_start3A_362] : memref<32x18x128xi32, #tpu.memory_space<hbm>> -> memref<1x18x128xi32, #tpu.memory_space<hbm>>
      %dma_start3A_364 = tpu.memref_squeeze %dma_start3A_363 : memref<1x18x128xi32, #tpu.memory_space<hbm>> -> memref<18x128xi32, #tpu.memory_space<hbm>>
      %dma_start3A_365 = arith.constant 0 : i32
      %dma_start3A_366 = arith.constant 0 : i32
      %dma_start3A_367 = tpu.memref_slice %arg3[%add3A, %dma_start3A_365, %dma_start3A_366] : memref<32x18x128xi32, #tpu.memory_space<hbm>> -> memref<1x18x128xi32, #tpu.memory_space<hbm>>
      %dma_start3A_368 = tpu.memref_squeeze %dma_start3A_367 : memref<1x18x128xi32, #tpu.memory_space<hbm>> -> memref<18x128xi32, #tpu.memory_space<hbm>>
      tpu.enqueue_dma source(%dma_start3A_368 : memref<18x128xi32, #tpu.memory_space<hbm>>) target(%arg5 : memref<18x128xi32, #tpu.memory_space<vmem>>) target_semaphore(%run_scoped3A : memref<!tpu.dma_semaphore, #tpu.memory_space<semaphore_mem>>)
      %dma_wait3A_369 = arith.constant 0 : i32
      %dma_wait3A_370 = arith.constant 0 : i32
      %dma_wait3A_371 = tpu.memref_slice %arg3[%add3A, %dma_wait3A_369, %dma_wait3A_370] : memref<32x18x128xi32, #tpu.memory_space<hbm>> -> memref<1x18x128xi32, #tpu.memory_space<hbm>>
      %dma_wait3A_372 = tpu.memref_squeeze %dma_wait3A_371 : memref<1x18x128xi32, #tpu.memory_space<hbm>> -> memref<18x128xi32, #tpu.memory_space<hbm>>
      %dma_wait3A_373 = arith.constant 0 : i32
      %dma_wait3A_374 = arith.constant 0 : i32
      %dma_wait3A_375 = tpu.memref_slice %arg3[%add3A, %dma_wait3A_373, %dma_wait3A_374] : memref<32x18x128xi32, #tpu.memory_space<hbm>> -> memref<1x18x128xi32, #tpu.memory_space<hbm>>
      %dma_wait3A_376 = tpu.memref_squeeze %dma_wait3A_375 : memref<1x18x128xi32, #tpu.memory_space<hbm>> -> memref<18x128xi32, #tpu.memory_space<hbm>>
      tpu.wait_dma2 semaphore(%run_scoped3A : memref<!tpu.dma_semaphore, #tpu.memory_space<semaphore_mem>>) src(%dma_wait3A_376 : memref<18x128xi32, #tpu.memory_space<hbm>>) dst(%arg5 : memref<18x128xi32, #tpu.memory_space<vmem>>)
      tpu.yield
    }) : () -> ()
    %dma_start3A = arith.constant 0 : i32
    %dma_start3A_1 = arith.constant 0 : i32
    %dma_start3A_2 = arith.constant 0 : i32
    %dma_start3A_3 = tpu.memref_slice %arg6[%dma_start3A_1, %dma_start3A_2] : memref<2304x16xf32, #tpu.memory_space<vmem>> -> memref<128x16xf32, #tpu.memory_space<vmem>>
    %dma_start3A_4 = arith.constant 0 : i32
    %dma_start3A_5 = tpu.memref_slice %arg5[%dma_start3A, %dma_start3A_4] : memref<18x128xi32, #tpu.memory_space<vmem>> -> memref<1x128xi32, #tpu.memory_space<vmem>>
    %dma_start3A_6 = tpu.memref_squeeze %dma_start3A_5 : memref<1x128xi32, #tpu.memory_space<vmem>> -> memref<128xi32, #tpu.memory_space<vmem>>
    %dma_start3A_7 = arith.constant 0 : i32
    %dma_start3A_8 = arith.constant 0 : i32
    %dma_start3A_9 = tpu.memref_slice %arg2[%dma_start3A_7, %dma_start3A_8] : memref<8192x16xf32, #tpu.memory_space<hbm>> -> memref<8192x16xf32, #tpu.memory_space<hbm>>
    tpu.enqueue_indirect_dma source(%dma_start3A_9 : memref<8192x16xf32, #tpu.memory_space<hbm>>) target(%dma_start3A_3 : memref<128x16xf32, #tpu.memory_space<vmem>>) offsets(%dma_start3A_6 : memref<128xi32, #tpu.memory_space<vmem>>) semaphore(%arg7 : memref<!tpu.dma_semaphore, #tpu.memory_space<semaphore_mem>>)
    %dma_start3A_10 = arith.constant 1 : i32
    %dma_start3A_11 = arith.constant 128 : i32
    %dma_start3A_12 = arith.constant 0 : i32
    %dma_start3A_13 = tpu.memref_slice %arg6[%dma_start3A_11, %dma_start3A_12] : memref<2304x16xf32, #tpu.memory_space<vmem>> -> memref<128x16xf32, #tpu.memory_space<vmem>>
    %dma_start3A_14 = arith.constant 0 : i32
    %dma_start3A_15 = tpu.memref_slice %arg5[%dma_start3A_10, %dma_start3A_14] : memref<18x128xi32, #tpu.memory_space<vmem>> -> memref<1x128xi32, #tpu.memory_space<vmem>>
    %dma_start3A_16 = tpu.memref_squeeze %dma_start3A_15 : memref<1x128xi32, #tpu.memory_space<vmem>> -> memref<128xi32, #tpu.memory_space<vmem>>
    %dma_start3A_17 = arith.constant 0 : i32
    %dma_start3A_18 = arith.constant 0 : i32
    %dma_start3A_19 = tpu.memref_slice %arg2[%dma_start3A_17, %dma_start3A_18] : memref<8192x16xf32, #tpu.memory_space<hbm>> -> memref<8192x16xf32, #tpu.memory_space<hbm>>
    tpu.enqueue_indirect_dma source(%dma_start3A_19 : memref<8192x16xf32, #tpu.memory_space<hbm>>) target(%dma_start3A_13 : memref<128x16xf32, #tpu.memory_space<vmem>>) offsets(%dma_start3A_16 : memref<128xi32, #tpu.memory_space<vmem>>) semaphore(%arg7 : memref<!tpu.dma_semaphore, #tpu.memory_space<semaphore_mem>>)
    %dma_start3A_20 = arith.constant 2 : i32
    %dma_start3A_21 = arith.constant 256 : i32
    %dma_start3A_22 = arith.constant 0 : i32
    %dma_start3A_23 = tpu.memref_slice %arg6[%dma_start3A_21, %dma_start3A_22] : memref<2304x16xf32, #tpu.memory_space<vmem>> -> memref<128x16xf32, #tpu.memory_space<vmem>>
    %dma_start3A_24 = arith.constant 0 : i32
    %dma_start3A_25 = tpu.memref_slice %arg5[%dma_start3A_20, %dma_start3A_24] : memref<18x128xi32, #tpu.memory_space<vmem>> -> memref<1x128xi32, #tpu.memory_space<vmem>>
    %dma_start3A_26 = tpu.memref_squeeze %dma_start3A_25 : memref<1x128xi32, #tpu.memory_space<vmem>> -> memref<128xi32, #tpu.memory_space<vmem>>
    %dma_start3A_27 = arith.constant 0 : i32
    %dma_start3A_28 = arith.constant 0 : i32
    %dma_start3A_29 = tpu.memref_slice %arg2[%dma_start3A_27, %dma_start3A_28] : memref<8192x16xf32, #tpu.memory_space<hbm>> -> memref<8192x16xf32, #tpu.memory_space<hbm>>
    tpu.enqueue_indirect_dma source(%dma_start3A_29 : memref<8192x16xf32, #tpu.memory_space<hbm>>) target(%dma_start3A_23 : memref<128x16xf32, #tpu.memory_space<vmem>>) offsets(%dma_start3A_26 : memref<128xi32, #tpu.memory_space<vmem>>) semaphore(%arg7 : memref<!tpu.dma_semaphore, #tpu.memory_space<semaphore_mem>>)
    %dma_start3A_30 = arith.constant 3 : i32
    %dma_start3A_31 = arith.constant 384 : i32
    %dma_start3A_32 = arith.constant 0 : i32
    %dma_start3A_33 = tpu.memref_slice %arg6[%dma_start3A_31, %dma_start3A_32] : memref<2304x16xf32, #tpu.memory_space<vmem>> -> memref<128x16xf32, #tpu.memory_space<vmem>>
    %dma_start3A_34 = arith.constant 0 : i32
    %dma_start3A_35 = tpu.memref_slice %arg5[%dma_start3A_30, %dma_start3A_34] : memref<18x128xi32, #tpu.memory_space<vmem>> -> memref<1x128xi32, #tpu.memory_space<vmem>>
    %dma_start3A_36 = tpu.memref_squeeze %dma_start3A_35 : memref<1x128xi32, #tpu.memory_space<vmem>> -> memref<128xi32, #tpu.memory_space<vmem>>
    %dma_start3A_37 = arith.constant 0 : i32
    %dma_start3A_38 = arith.constant 0 : i32
    %dma_start3A_39 = tpu.memref_slice %arg2[%dma_start3A_37, %dma_start3A_38] : memref<8192x16xf32, #tpu.memory_space<hbm>> -> memref<8192x16xf32, #tpu.memory_space<hbm>>
    tpu.enqueue_indirect_dma source(%dma_start3A_39 : memref<8192x16xf32, #tpu.memory_space<hbm>>) target(%dma_start3A_33 : memref<128x16xf32, #tpu.memory_space<vmem>>) offsets(%dma_start3A_36 : memref<128xi32, #tpu.memory_space<vmem>>) semaphore(%arg7 : memref<!tpu.dma_semaphore, #tpu.memory_space<semaphore_mem>>)
    %dma_start3A_40 = arith.constant 4 : i32
    %dma_start3A_41 = arith.constant 512 : i32
    %dma_start3A_42 = arith.constant 0 : i32
    %dma_start3A_43 = tpu.memref_slice %arg6[%dma_start3A_41, %dma_start3A_42] : memref<2304x16xf32, #tpu.memory_space<vmem>> -> memref<128x16xf32, #tpu.memory_space<vmem>>
    %dma_start3A_44 = arith.constant 0 : i32
    %dma_start3A_45 = tpu.memref_slice %arg5[%dma_start3A_40, %dma_start3A_44] : memref<18x128xi32, #tpu.memory_space<vmem>> -> memref<1x128xi32, #tpu.memory_space<vmem>>
    %dma_start3A_46 = tpu.memref_squeeze %dma_start3A_45 : memref<1x128xi32, #tpu.memory_space<vmem>> -> memref<128xi32, #tpu.memory_space<vmem>>
    %dma_start3A_47 = arith.constant 0 : i32
    %dma_start3A_48 = arith.constant 0 : i32
    %dma_start3A_49 = tpu.memref_slice %arg2[%dma_start3A_47, %dma_start3A_48] : memref<8192x16xf32, #tpu.memory_space<hbm>> -> memref<8192x16xf32, #tpu.memory_space<hbm>>
    tpu.enqueue_indirect_dma source(%dma_start3A_49 : memref<8192x16xf32, #tpu.memory_space<hbm>>) target(%dma_start3A_43 : memref<128x16xf32, #tpu.memory_space<vmem>>) offsets(%dma_start3A_46 : memref<128xi32, #tpu.memory_space<vmem>>) semaphore(%arg7 : memref<!tpu.dma_semaphore, #tpu.memory_space<semaphore_mem>>)
    %dma_start3A_50 = arith.constant 5 : i32
    %dma_start3A_51 = arith.constant 640 : i32
    %dma_start3A_52 = arith.constant 0 : i32
    %dma_start3A_53 = tpu.memref_slice %arg6[%dma_start3A_51, %dma_start3A_52] : memref<2304x16xf32, #tpu.memory_space<vmem>> -> memref<128x16xf32, #tpu.memory_space<vmem>>
    %dma_start3A_54 = arith.constant 0 : i32
    %dma_start3A_55 = tpu.memref_slice %arg5[%dma_start3A_50, %dma_start3A_54] : memref<18x128xi32, #tpu.memory_space<vmem>> -> memref<1x128xi32, #tpu.memory_space<vmem>>
    %dma_start3A_56 = tpu.memref_squeeze %dma_start3A_55 : memref<1x128xi32, #tpu.memory_space<vmem>> -> memref<128xi32, #tpu.memory_space<vmem>>
    %dma_start3A_57 = arith.constant 0 : i32
    %dma_start3A_58 = arith.constant 0 : i32
    %dma_start3A_59 = tpu.memref_slice %arg2[%dma_start3A_57, %dma_start3A_58] : memref<8192x16xf32, #tpu.memory_space<hbm>> -> memref<8192x16xf32, #tpu.memory_space<hbm>>
    tpu.enqueue_indirect_dma source(%dma_start3A_59 : memref<8192x16xf32, #tpu.memory_space<hbm>>) target(%dma_start3A_53 : memref<128x16xf32, #tpu.memory_space<vmem>>) offsets(%dma_start3A_56 : memref<128xi32, #tpu.memory_space<vmem>>) semaphore(%arg7 : memref<!tpu.dma_semaphore, #tpu.memory_space<semaphore_mem>>)
    %dma_start3A_60 = arith.constant 6 : i32
    %dma_start3A_61 = arith.constant 768 : i32
    %dma_start3A_62 = arith.constant 0 : i32
    %dma_start3A_63 = tpu.memref_slice %arg6[%dma_start3A_61, %dma_start3A_62] : memref<2304x16xf32, #tpu.memory_space<vmem>> -> memref<128x16xf32, #tpu.memory_space<vmem>>
    %dma_start3A_64 = arith.constant 0 : i32
    %dma_start3A_65 = tpu.memref_slice %arg5[%dma_start3A_60, %dma_start3A_64] : memref<18x128xi32, #tpu.memory_space<vmem>> -> memref<1x128xi32, #tpu.memory_space<vmem>>
    %dma_start3A_66 = tpu.memref_squeeze %dma_start3A_65 : memref<1x128xi32, #tpu.memory_space<vmem>> -> memref<128xi32, #tpu.memory_space<vmem>>
    %dma_start3A_67 = arith.constant 0 : i32
    %dma_start3A_68 = arith.constant 0 : i32
    %dma_start3A_69 = tpu.memref_slice %arg2[%dma_start3A_67, %dma_start3A_68] : memref<8192x16xf32, #tpu.memory_space<hbm>> -> memref<8192x16xf32, #tpu.memory_space<hbm>>
    tpu.enqueue_indirect_dma source(%dma_start3A_69 : memref<8192x16xf32, #tpu.memory_space<hbm>>) target(%dma_start3A_63 : memref<128x16xf32, #tpu.memory_space<vmem>>) offsets(%dma_start3A_66 : memref<128xi32, #tpu.memory_space<vmem>>) semaphore(%arg7 : memref<!tpu.dma_semaphore, #tpu.memory_space<semaphore_mem>>)
    %dma_start3A_70 = arith.constant 7 : i32
    %dma_start3A_71 = arith.constant 896 : i32
    %dma_start3A_72 = arith.constant 0 : i32
    %dma_start3A_73 = tpu.memref_slice %arg6[%dma_start3A_71, %dma_start3A_72] : memref<2304x16xf32, #tpu.memory_space<vmem>> -> memref<128x16xf32, #tpu.memory_space<vmem>>
    %dma_start3A_74 = arith.constant 0 : i32
    %dma_start3A_75 = tpu.memref_slice %arg5[%dma_start3A_70, %dma_start3A_74] : memref<18x128xi32, #tpu.memory_space<vmem>> -> memref<1x128xi32, #tpu.memory_space<vmem>>
    %dma_start3A_76 = tpu.memref_squeeze %dma_start3A_75 : memref<1x128xi32, #tpu.memory_space<vmem>> -> memref<128xi32, #tpu.memory_space<vmem>>
    %dma_start3A_77 = arith.constant 0 : i32
    %dma_start3A_78 = arith.constant 0 : i32
    %dma_start3A_79 = tpu.memref_slice %arg2[%dma_start3A_77, %dma_start3A_78] : memref<8192x16xf32, #tpu.memory_space<hbm>> -> memref<8192x16xf32, #tpu.memory_space<hbm>>
    tpu.enqueue_indirect_dma source(%dma_start3A_79 : memref<8192x16xf32, #tpu.memory_space<hbm>>) target(%dma_start3A_73 : memref<128x16xf32, #tpu.memory_space<vmem>>) offsets(%dma_start3A_76 : memref<128xi32, #tpu.memory_space<vmem>>) semaphore(%arg7 : memref<!tpu.dma_semaphore, #tpu.memory_space<semaphore_mem>>)
    %dma_start3A_80 = arith.constant 8 : i32
    %dma_start3A_81 = arith.constant 1024 : i32
    %dma_start3A_82 = arith.constant 0 : i32
    %dma_start3A_83 = tpu.memref_slice %arg6[%dma_start3A_81, %dma_start3A_82] : memref<2304x16xf32, #tpu.memory_space<vmem>> -> memref<128x16xf32, #tpu.memory_space<vmem>>
    %dma_start3A_84 = arith.constant 0 : i32
    %dma_start3A_85 = tpu.memref_slice %arg5[%dma_start3A_80, %dma_start3A_84] : memref<18x128xi32, #tpu.memory_space<vmem>> -> memref<1x128xi32, #tpu.memory_space<vmem>>
    %dma_start3A_86 = tpu.memref_squeeze %dma_start3A_85 : memref<1x128xi32, #tpu.memory_space<vmem>> -> memref<128xi32, #tpu.memory_space<vmem>>
    %dma_start3A_87 = arith.constant 0 : i32
    %dma_start3A_88 = arith.constant 0 : i32
    %dma_start3A_89 = tpu.memref_slice %arg2[%dma_start3A_87, %dma_start3A_88] : memref<8192x16xf32, #tpu.memory_space<hbm>> -> memref<8192x16xf32, #tpu.memory_space<hbm>>
    tpu.enqueue_indirect_dma source(%dma_start3A_89 : memref<8192x16xf32, #tpu.memory_space<hbm>>) target(%dma_start3A_83 : memref<128x16xf32, #tpu.memory_space<vmem>>) offsets(%dma_start3A_86 : memref<128xi32, #tpu.memory_space<vmem>>) semaphore(%arg7 : memref<!tpu.dma_semaphore, #tpu.memory_space<semaphore_mem>>)
    %dma_start3A_90 = arith.constant 9 : i32
    %dma_start3A_91 = arith.constant 1152 : i32
    %dma_start3A_92 = arith.constant 0 : i32
    %dma_start3A_93 = tpu.memref_slice %arg6[%dma_start3A_91, %dma_start3A_92] : memref<2304x16xf32, #tpu.memory_space<vmem>> -> memref<128x16xf32, #tpu.memory_space<vmem>>
    %dma_start3A_94 = arith.constant 0 : i32
    %dma_start3A_95 = tpu.memref_slice %arg5[%dma_start3A_90, %dma_start3A_94] : memref<18x128xi32, #tpu.memory_space<vmem>> -> memref<1x128xi32, #tpu.memory_space<vmem>>
    %dma_start3A_96 = tpu.memref_squeeze %dma_start3A_95 : memref<1x128xi32, #tpu.memory_space<vmem>> -> memref<128xi32, #tpu.memory_space<vmem>>
    %dma_start3A_97 = arith.constant 0 : i32
    %dma_start3A_98 = arith.constant 0 : i32
    %dma_start3A_99 = tpu.memref_slice %arg2[%dma_start3A_97, %dma_start3A_98] : memref<8192x16xf32, #tpu.memory_space<hbm>> -> memref<8192x16xf32, #tpu.memory_space<hbm>>
    tpu.enqueue_indirect_dma source(%dma_start3A_99 : memref<8192x16xf32, #tpu.memory_space<hbm>>) target(%dma_start3A_93 : memref<128x16xf32, #tpu.memory_space<vmem>>) offsets(%dma_start3A_96 : memref<128xi32, #tpu.memory_space<vmem>>) semaphore(%arg7 : memref<!tpu.dma_semaphore, #tpu.memory_space<semaphore_mem>>)
    %dma_start3A_100 = arith.constant 10 : i32
    %dma_start3A_101 = arith.constant 1280 : i32
    %dma_start3A_102 = arith.constant 0 : i32
    %dma_start3A_103 = tpu.memref_slice %arg6[%dma_start3A_101, %dma_start3A_102] : memref<2304x16xf32, #tpu.memory_space<vmem>> -> memref<128x16xf32, #tpu.memory_space<vmem>>
    %dma_start3A_104 = arith.constant 0 : i32
    %dma_start3A_105 = tpu.memref_slice %arg5[%dma_start3A_100, %dma_start3A_104] : memref<18x128xi32, #tpu.memory_space<vmem>> -> memref<1x128xi32, #tpu.memory_space<vmem>>
    %dma_start3A_106 = tpu.memref_squeeze %dma_start3A_105 : memref<1x128xi32, #tpu.memory_space<vmem>> -> memref<128xi32, #tpu.memory_space<vmem>>
    %dma_start3A_107 = arith.constant 0 : i32
    %dma_start3A_108 = arith.constant 0 : i32
    %dma_start3A_109 = tpu.memref_slice %arg2[%dma_start3A_107, %dma_start3A_108] : memref<8192x16xf32, #tpu.memory_space<hbm>> -> memref<8192x16xf32, #tpu.memory_space<hbm>>
    tpu.enqueue_indirect_dma source(%dma_start3A_109 : memref<8192x16xf32, #tpu.memory_space<hbm>>) target(%dma_start3A_103 : memref<128x16xf32, #tpu.memory_space<vmem>>) offsets(%dma_start3A_106 : memref<128xi32, #tpu.memory_space<vmem>>) semaphore(%arg7 : memref<!tpu.dma_semaphore, #tpu.memory_space<semaphore_mem>>)
    %dma_start3A_110 = arith.constant 11 : i32
    %dma_start3A_111 = arith.constant 1408 : i32
    %dma_start3A_112 = arith.constant 0 : i32
    %dma_start3A_113 = tpu.memref_slice %arg6[%dma_start3A_111, %dma_start3A_112] : memref<2304x16xf32, #tpu.memory_space<vmem>> -> memref<128x16xf32, #tpu.memory_space<vmem>>
    %dma_start3A_114 = arith.constant 0 : i32
    %dma_start3A_115 = tpu.memref_slice %arg5[%dma_start3A_110, %dma_start3A_114] : memref<18x128xi32, #tpu.memory_space<vmem>> -> memref<1x128xi32, #tpu.memory_space<vmem>>
    %dma_start3A_116 = tpu.memref_squeeze %dma_start3A_115 : memref<1x128xi32, #tpu.memory_space<vmem>> -> memref<128xi32, #tpu.memory_space<vmem>>
    %dma_start3A_117 = arith.constant 0 : i32
    %dma_start3A_118 = arith.constant 0 : i32
    %dma_start3A_119 = tpu.memref_slice %arg2[%dma_start3A_117, %dma_start3A_118] : memref<8192x16xf32, #tpu.memory_space<hbm>> -> memref<8192x16xf32, #tpu.memory_space<hbm>>
    tpu.enqueue_indirect_dma source(%dma_start3A_119 : memref<8192x16xf32, #tpu.memory_space<hbm>>) target(%dma_start3A_113 : memref<128x16xf32, #tpu.memory_space<vmem>>) offsets(%dma_start3A_116 : memref<128xi32, #tpu.memory_space<vmem>>) semaphore(%arg7 : memref<!tpu.dma_semaphore, #tpu.memory_space<semaphore_mem>>)
    %dma_start3A_120 = arith.constant 12 : i32
    %dma_start3A_121 = arith.constant 1536 : i32
    %dma_start3A_122 = arith.constant 0 : i32
    %dma_start3A_123 = tpu.memref_slice %arg6[%dma_start3A_121, %dma_start3A_122] : memref<2304x16xf32, #tpu.memory_space<vmem>> -> memref<128x16xf32, #tpu.memory_space<vmem>>
    %dma_start3A_124 = arith.constant 0 : i32
    %dma_start3A_125 = tpu.memref_slice %arg5[%dma_start3A_120, %dma_start3A_124] : memref<18x128xi32, #tpu.memory_space<vmem>> -> memref<1x128xi32, #tpu.memory_space<vmem>>
    %dma_start3A_126 = tpu.memref_squeeze %dma_start3A_125 : memref<1x128xi32, #tpu.memory_space<vmem>> -> memref<128xi32, #tpu.memory_space<vmem>>
    %dma_start3A_127 = arith.constant 0 : i32
    %dma_start3A_128 = arith.constant 0 : i32
    %dma_start3A_129 = tpu.memref_slice %arg2[%dma_start3A_127, %dma_start3A_128] : memref<8192x16xf32, #tpu.memory_space<hbm>> -> memref<8192x16xf32, #tpu.memory_space<hbm>>
    tpu.enqueue_indirect_dma source(%dma_start3A_129 : memref<8192x16xf32, #tpu.memory_space<hbm>>) target(%dma_start3A_123 : memref<128x16xf32, #tpu.memory_space<vmem>>) offsets(%dma_start3A_126 : memref<128xi32, #tpu.memory_space<vmem>>) semaphore(%arg7 : memref<!tpu.dma_semaphore, #tpu.memory_space<semaphore_mem>>)
    %dma_start3A_130 = arith.constant 13 : i32
    %dma_start3A_131 = arith.constant 1664 : i32
    %dma_start3A_132 = arith.constant 0 : i32
    %dma_start3A_133 = tpu.memref_slice %arg6[%dma_start3A_131, %dma_start3A_132] : memref<2304x16xf32, #tpu.memory_space<vmem>> -> memref<128x16xf32, #tpu.memory_space<vmem>>
    %dma_start3A_134 = arith.constant 0 : i32
    %dma_start3A_135 = tpu.memref_slice %arg5[%dma_start3A_130, %dma_start3A_134] : memref<18x128xi32, #tpu.memory_space<vmem>> -> memref<1x128xi32, #tpu.memory_space<vmem>>
    %dma_start3A_136 = tpu.memref_squeeze %dma_start3A_135 : memref<1x128xi32, #tpu.memory_space<vmem>> -> memref<128xi32, #tpu.memory_space<vmem>>
    %dma_start3A_137 = arith.constant 0 : i32
    %dma_start3A_138 = arith.constant 0 : i32
    %dma_start3A_139 = tpu.memref_slice %arg2[%dma_start3A_137, %dma_start3A_138] : memref<8192x16xf32, #tpu.memory_space<hbm>> -> memref<8192x16xf32, #tpu.memory_space<hbm>>
    tpu.enqueue_indirect_dma source(%dma_start3A_139 : memref<8192x16xf32, #tpu.memory_space<hbm>>) target(%dma_start3A_133 : memref<128x16xf32, #tpu.memory_space<vmem>>) offsets(%dma_start3A_136 : memref<128xi32, #tpu.memory_space<vmem>>) semaphore(%arg7 : memref<!tpu.dma_semaphore, #tpu.memory_space<semaphore_mem>>)
    %dma_start3A_140 = arith.constant 14 : i32
    %dma_start3A_141 = arith.constant 1792 : i32
    %dma_start3A_142 = arith.constant 0 : i32
    %dma_start3A_143 = tpu.memref_slice %arg6[%dma_start3A_141, %dma_start3A_142] : memref<2304x16xf32, #tpu.memory_space<vmem>> -> memref<128x16xf32, #tpu.memory_space<vmem>>
    %dma_start3A_144 = arith.constant 0 : i32
    %dma_start3A_145 = tpu.memref_slice %arg5[%dma_start3A_140, %dma_start3A_144] : memref<18x128xi32, #tpu.memory_space<vmem>> -> memref<1x128xi32, #tpu.memory_space<vmem>>
    %dma_start3A_146 = tpu.memref_squeeze %dma_start3A_145 : memref<1x128xi32, #tpu.memory_space<vmem>> -> memref<128xi32, #tpu.memory_space<vmem>>
    %dma_start3A_147 = arith.constant 0 : i32
    %dma_start3A_148 = arith.constant 0 : i32
    %dma_start3A_149 = tpu.memref_slice %arg2[%dma_start3A_147, %dma_start3A_148] : memref<8192x16xf32, #tpu.memory_space<hbm>> -> memref<8192x16xf32, #tpu.memory_space<hbm>>
    tpu.enqueue_indirect_dma source(%dma_start3A_149 : memref<8192x16xf32, #tpu.memory_space<hbm>>) target(%dma_start3A_143 : memref<128x16xf32, #tpu.memory_space<vmem>>) offsets(%dma_start3A_146 : memref<128xi32, #tpu.memory_space<vmem>>) semaphore(%arg7 : memref<!tpu.dma_semaphore, #tpu.memory_space<semaphore_mem>>)
    %dma_start3A_150 = arith.constant 15 : i32
    %dma_start3A_151 = arith.constant 1920 : i32
    %dma_start3A_152 = arith.constant 0 : i32
    %dma_start3A_153 = tpu.memref_slice %arg6[%dma_start3A_151, %dma_start3A_152] : memref<2304x16xf32, #tpu.memory_space<vmem>> -> memref<128x16xf32, #tpu.memory_space<vmem>>
    %dma_start3A_154 = arith.constant 0 : i32
    %dma_start3A_155 = tpu.memref_slice %arg5[%dma_start3A_150, %dma_start3A_154] : memref<18x128xi32, #tpu.memory_space<vmem>> -> memref<1x128xi32, #tpu.memory_space<vmem>>
    %dma_start3A_156 = tpu.memref_squeeze %dma_start3A_155 : memref<1x128xi32, #tpu.memory_space<vmem>> -> memref<128xi32, #tpu.memory_space<vmem>>
    %dma_start3A_157 = arith.constant 0 : i32
    %dma_start3A_158 = arith.constant 0 : i32
    %dma_start3A_159 = tpu.memref_slice %arg2[%dma_start3A_157, %dma_start3A_158] : memref<8192x16xf32, #tpu.memory_space<hbm>> -> memref<8192x16xf32, #tpu.memory_space<hbm>>
    tpu.enqueue_indirect_dma source(%dma_start3A_159 : memref<8192x16xf32, #tpu.memory_space<hbm>>) target(%dma_start3A_153 : memref<128x16xf32, #tpu.memory_space<vmem>>) offsets(%dma_start3A_156 : memref<128xi32, #tpu.memory_space<vmem>>) semaphore(%arg7 : memref<!tpu.dma_semaphore, #tpu.memory_space<semaphore_mem>>)
    %dma_start3A_160 = arith.constant 16 : i32
    %dma_start3A_161 = arith.constant 2048 : i32
    %dma_start3A_162 = arith.constant 0 : i32
    %dma_start3A_163 = tpu.memref_slice %arg6[%dma_start3A_161, %dma_start3A_162] : memref<2304x16xf32, #tpu.memory_space<vmem>> -> memref<128x16xf32, #tpu.memory_space<vmem>>
    %dma_start3A_164 = arith.constant 0 : i32
    %dma_start3A_165 = tpu.memref_slice %arg5[%dma_start3A_160, %dma_start3A_164] : memref<18x128xi32, #tpu.memory_space<vmem>> -> memref<1x128xi32, #tpu.memory_space<vmem>>
    %dma_start3A_166 = tpu.memref_squeeze %dma_start3A_165 : memref<1x128xi32, #tpu.memory_space<vmem>> -> memref<128xi32, #tpu.memory_space<vmem>>
    %dma_start3A_167 = arith.constant 0 : i32
    %dma_start3A_168 = arith.constant 0 : i32
    %dma_start3A_169 = tpu.memref_slice %arg2[%dma_start3A_167, %dma_start3A_168] : memref<8192x16xf32, #tpu.memory_space<hbm>> -> memref<8192x16xf32, #tpu.memory_space<hbm>>
    tpu.enqueue_indirect_dma source(%dma_start3A_169 : memref<8192x16xf32, #tpu.memory_space<hbm>>) target(%dma_start3A_163 : memref<128x16xf32, #tpu.memory_space<vmem>>) offsets(%dma_start3A_166 : memref<128xi32, #tpu.memory_space<vmem>>) semaphore(%arg7 : memref<!tpu.dma_semaphore, #tpu.memory_space<semaphore_mem>>)
    %dma_start3A_170 = arith.constant 17 : i32
    %dma_start3A_171 = arith.constant 2176 : i32
    %dma_start3A_172 = arith.constant 0 : i32
    %dma_start3A_173 = tpu.memref_slice %arg6[%dma_start3A_171, %dma_start3A_172] : memref<2304x16xf32, #tpu.memory_space<vmem>> -> memref<128x16xf32, #tpu.memory_space<vmem>>
    %dma_start3A_174 = arith.constant 0 : i32
    %dma_start3A_175 = tpu.memref_slice %arg5[%dma_start3A_170, %dma_start3A_174] : memref<18x128xi32, #tpu.memory_space<vmem>> -> memref<1x128xi32, #tpu.memory_space<vmem>>
    %dma_start3A_176 = tpu.memref_squeeze %dma_start3A_175 : memref<1x128xi32, #tpu.memory_space<vmem>> -> memref<128xi32, #tpu.memory_space<vmem>>
    %dma_start3A_177 = arith.constant 0 : i32
    %dma_start3A_178 = arith.constant 0 : i32
    %dma_start3A_179 = tpu.memref_slice %arg2[%dma_start3A_177, %dma_start3A_178] : memref<8192x16xf32, #tpu.memory_space<hbm>> -> memref<8192x16xf32, #tpu.memory_space<hbm>>
    tpu.enqueue_indirect_dma source(%dma_start3A_179 : memref<8192x16xf32, #tpu.memory_space<hbm>>) target(%dma_start3A_173 : memref<128x16xf32, #tpu.memory_space<vmem>>) offsets(%dma_start3A_176 : memref<128xi32, #tpu.memory_space<vmem>>) semaphore(%arg7 : memref<!tpu.dma_semaphore, #tpu.memory_space<semaphore_mem>>)
    %dma_wait3A = arith.constant 0 : i32
    %dma_wait3A_180 = arith.constant 0 : i32
    %dma_wait3A_181 = arith.constant 0 : i32
    %dma_wait3A_182 = tpu.memref_slice %arg6[%dma_wait3A_180, %dma_wait3A_181] : memref<2304x16xf32, #tpu.memory_space<vmem>> -> memref<128x16xf32, #tpu.memory_space<vmem>>
    %dma_wait3A_183 = arith.constant 0 : i32
    %dma_wait3A_184 = tpu.memref_slice %arg5[%dma_wait3A, %dma_wait3A_183] : memref<18x128xi32, #tpu.memory_space<vmem>> -> memref<1x128xi32, #tpu.memory_space<vmem>>
    %dma_wait3A_185 = tpu.memref_squeeze %dma_wait3A_184 : memref<1x128xi32, #tpu.memory_space<vmem>> -> memref<128xi32, #tpu.memory_space<vmem>>
    %dma_wait3A_186 = arith.constant 0 : i32
    %dma_wait3A_187 = arith.constant 0 : i32
    %dma_wait3A_188 = tpu.memref_slice %arg2[%dma_wait3A_186, %dma_wait3A_187] : memref<8192x16xf32, #tpu.memory_space<hbm>> -> memref<8192x16xf32, #tpu.memory_space<hbm>>
    tpu.wait_indirect_dma semaphore(%arg7 : memref<!tpu.dma_semaphore, #tpu.memory_space<semaphore_mem>>) src(%dma_wait3A_188 : memref<8192x16xf32, #tpu.memory_space<hbm>>) dst(%dma_wait3A_182 : memref<128x16xf32, #tpu.memory_space<vmem>>)
    %dma_wait3A_189 = arith.constant 1 : i32
    %dma_wait3A_190 = arith.constant 128 : i32
    %dma_wait3A_191 = arith.constant 0 : i32
    %dma_wait3A_192 = tpu.memref_slice %arg6[%dma_wait3A_190, %dma_wait3A_191] : memref<2304x16xf32, #tpu.memory_space<vmem>> -> memref<128x16xf32, #tpu.memory_space<vmem>>
    %dma_wait3A_193 = arith.constant 0 : i32
    %dma_wait3A_194 = tpu.memref_slice %arg5[%dma_wait3A_189, %dma_wait3A_193] : memref<18x128xi32, #tpu.memory_space<vmem>> -> memref<1x128xi32, #tpu.memory_space<vmem>>
    %dma_wait3A_195 = tpu.memref_squeeze %dma_wait3A_194 : memref<1x128xi32, #tpu.memory_space<vmem>> -> memref<128xi32, #tpu.memory_space<vmem>>
    %dma_wait3A_196 = arith.constant 0 : i32
    %dma_wait3A_197 = arith.constant 0 : i32
    %dma_wait3A_198 = tpu.memref_slice %arg2[%dma_wait3A_196, %dma_wait3A_197] : memref<8192x16xf32, #tpu.memory_space<hbm>> -> memref<8192x16xf32, #tpu.memory_space<hbm>>
    tpu.wait_indirect_dma semaphore(%arg7 : memref<!tpu.dma_semaphore, #tpu.memory_space<semaphore_mem>>) src(%dma_wait3A_198 : memref<8192x16xf32, #tpu.memory_space<hbm>>) dst(%dma_wait3A_192 : memref<128x16xf32, #tpu.memory_space<vmem>>)
    %dma_wait3A_199 = arith.constant 2 : i32
    %dma_wait3A_200 = arith.constant 256 : i32
    %dma_wait3A_201 = arith.constant 0 : i32
    %dma_wait3A_202 = tpu.memref_slice %arg6[%dma_wait3A_200, %dma_wait3A_201] : memref<2304x16xf32, #tpu.memory_space<vmem>> -> memref<128x16xf32, #tpu.memory_space<vmem>>
    %dma_wait3A_203 = arith.constant 0 : i32
    %dma_wait3A_204 = tpu.memref_slice %arg5[%dma_wait3A_199, %dma_wait3A_203] : memref<18x128xi32, #tpu.memory_space<vmem>> -> memref<1x128xi32, #tpu.memory_space<vmem>>
    %dma_wait3A_205 = tpu.memref_squeeze %dma_wait3A_204 : memref<1x128xi32, #tpu.memory_space<vmem>> -> memref<128xi32, #tpu.memory_space<vmem>>
    %dma_wait3A_206 = arith.constant 0 : i32
    %dma_wait3A_207 = arith.constant 0 : i32
    %dma_wait3A_208 = tpu.memref_slice %arg2[%dma_wait3A_206, %dma_wait3A_207] : memref<8192x16xf32, #tpu.memory_space<hbm>> -> memref<8192x16xf32, #tpu.memory_space<hbm>>
    tpu.wait_indirect_dma semaphore(%arg7 : memref<!tpu.dma_semaphore, #tpu.memory_space<semaphore_mem>>) src(%dma_wait3A_208 : memref<8192x16xf32, #tpu.memory_space<hbm>>) dst(%dma_wait3A_202 : memref<128x16xf32, #tpu.memory_space<vmem>>)
    %dma_wait3A_209 = arith.constant 3 : i32
    %dma_wait3A_210 = arith.constant 384 : i32
    %dma_wait3A_211 = arith.constant 0 : i32
    %dma_wait3A_212 = tpu.memref_slice %arg6[%dma_wait3A_210, %dma_wait3A_211] : memref<2304x16xf32, #tpu.memory_space<vmem>> -> memref<128x16xf32, #tpu.memory_space<vmem>>
    %dma_wait3A_213 = arith.constant 0 : i32
    %dma_wait3A_214 = tpu.memref_slice %arg5[%dma_wait3A_209, %dma_wait3A_213] : memref<18x128xi32, #tpu.memory_space<vmem>> -> memref<1x128xi32, #tpu.memory_space<vmem>>
    %dma_wait3A_215 = tpu.memref_squeeze %dma_wait3A_214 : memref<1x128xi32, #tpu.memory_space<vmem>> -> memref<128xi32, #tpu.memory_space<vmem>>
    %dma_wait3A_216 = arith.constant 0 : i32
    %dma_wait3A_217 = arith.constant 0 : i32
    %dma_wait3A_218 = tpu.memref_slice %arg2[%dma_wait3A_216, %dma_wait3A_217] : memref<8192x16xf32, #tpu.memory_space<hbm>> -> memref<8192x16xf32, #tpu.memory_space<hbm>>
    tpu.wait_indirect_dma semaphore(%arg7 : memref<!tpu.dma_semaphore, #tpu.memory_space<semaphore_mem>>) src(%dma_wait3A_218 : memref<8192x16xf32, #tpu.memory_space<hbm>>) dst(%dma_wait3A_212 : memref<128x16xf32, #tpu.memory_space<vmem>>)
    %dma_wait3A_219 = arith.constant 4 : i32
    %dma_wait3A_220 = arith.constant 512 : i32
    %dma_wait3A_221 = arith.constant 0 : i32
    %dma_wait3A_222 = tpu.memref_slice %arg6[%dma_wait3A_220, %dma_wait3A_221] : memref<2304x16xf32, #tpu.memory_space<vmem>> -> memref<128x16xf32, #tpu.memory_space<vmem>>
    %dma_wait3A_223 = arith.constant 0 : i32
    %dma_wait3A_224 = tpu.memref_slice %arg5[%dma_wait3A_219, %dma_wait3A_223] : memref<18x128xi32, #tpu.memory_space<vmem>> -> memref<1x128xi32, #tpu.memory_space<vmem>>
    %dma_wait3A_225 = tpu.memref_squeeze %dma_wait3A_224 : memref<1x128xi32, #tpu.memory_space<vmem>> -> memref<128xi32, #tpu.memory_space<vmem>>
    %dma_wait3A_226 = arith.constant 0 : i32
    %dma_wait3A_227 = arith.constant 0 : i32
    %dma_wait3A_228 = tpu.memref_slice %arg2[%dma_wait3A_226, %dma_wait3A_227] : memref<8192x16xf32, #tpu.memory_space<hbm>> -> memref<8192x16xf32, #tpu.memory_space<hbm>>
    tpu.wait_indirect_dma semaphore(%arg7 : memref<!tpu.dma_semaphore, #tpu.memory_space<semaphore_mem>>) src(%dma_wait3A_228 : memref<8192x16xf32, #tpu.memory_space<hbm>>) dst(%dma_wait3A_222 : memref<128x16xf32, #tpu.memory_space<vmem>>)
    %dma_wait3A_229 = arith.constant 5 : i32
    %dma_wait3A_230 = arith.constant 640 : i32
    %dma_wait3A_231 = arith.constant 0 : i32
    %dma_wait3A_232 = tpu.memref_slice %arg6[%dma_wait3A_230, %dma_wait3A_231] : memref<2304x16xf32, #tpu.memory_space<vmem>> -> memref<128x16xf32, #tpu.memory_space<vmem>>
    %dma_wait3A_233 = arith.constant 0 : i32
    %dma_wait3A_234 = tpu.memref_slice %arg5[%dma_wait3A_229, %dma_wait3A_233] : memref<18x128xi32, #tpu.memory_space<vmem>> -> memref<1x128xi32, #tpu.memory_space<vmem>>
    %dma_wait3A_235 = tpu.memref_squeeze %dma_wait3A_234 : memref<1x128xi32, #tpu.memory_space<vmem>> -> memref<128xi32, #tpu.memory_space<vmem>>
    %dma_wait3A_236 = arith.constant 0 : i32
    %dma_wait3A_237 = arith.constant 0 : i32
    %dma_wait3A_238 = tpu.memref_slice %arg2[%dma_wait3A_236, %dma_wait3A_237] : memref<8192x16xf32, #tpu.memory_space<hbm>> -> memref<8192x16xf32, #tpu.memory_space<hbm>>
    tpu.wait_indirect_dma semaphore(%arg7 : memref<!tpu.dma_semaphore, #tpu.memory_space<semaphore_mem>>) src(%dma_wait3A_238 : memref<8192x16xf32, #tpu.memory_space<hbm>>) dst(%dma_wait3A_232 : memref<128x16xf32, #tpu.memory_space<vmem>>)
    %dma_wait3A_239 = arith.constant 6 : i32
    %dma_wait3A_240 = arith.constant 768 : i32
    %dma_wait3A_241 = arith.constant 0 : i32
    %dma_wait3A_242 = tpu.memref_slice %arg6[%dma_wait3A_240, %dma_wait3A_241] : memref<2304x16xf32, #tpu.memory_space<vmem>> -> memref<128x16xf32, #tpu.memory_space<vmem>>
    %dma_wait3A_243 = arith.constant 0 : i32
    %dma_wait3A_244 = tpu.memref_slice %arg5[%dma_wait3A_239, %dma_wait3A_243] : memref<18x128xi32, #tpu.memory_space<vmem>> -> memref<1x128xi32, #tpu.memory_space<vmem>>
    %dma_wait3A_245 = tpu.memref_squeeze %dma_wait3A_244 : memref<1x128xi32, #tpu.memory_space<vmem>> -> memref<128xi32, #tpu.memory_space<vmem>>
    %dma_wait3A_246 = arith.constant 0 : i32
    %dma_wait3A_247 = arith.constant 0 : i32
    %dma_wait3A_248 = tpu.memref_slice %arg2[%dma_wait3A_246, %dma_wait3A_247] : memref<8192x16xf32, #tpu.memory_space<hbm>> -> memref<8192x16xf32, #tpu.memory_space<hbm>>
    tpu.wait_indirect_dma semaphore(%arg7 : memref<!tpu.dma_semaphore, #tpu.memory_space<semaphore_mem>>) src(%dma_wait3A_248 : memref<8192x16xf32, #tpu.memory_space<hbm>>) dst(%dma_wait3A_242 : memref<128x16xf32, #tpu.memory_space<vmem>>)
    %dma_wait3A_249 = arith.constant 7 : i32
    %dma_wait3A_250 = arith.constant 896 : i32
    %dma_wait3A_251 = arith.constant 0 : i32
    %dma_wait3A_252 = tpu.memref_slice %arg6[%dma_wait3A_250, %dma_wait3A_251] : memref<2304x16xf32, #tpu.memory_space<vmem>> -> memref<128x16xf32, #tpu.memory_space<vmem>>
    %dma_wait3A_253 = arith.constant 0 : i32
    %dma_wait3A_254 = tpu.memref_slice %arg5[%dma_wait3A_249, %dma_wait3A_253] : memref<18x128xi32, #tpu.memory_space<vmem>> -> memref<1x128xi32, #tpu.memory_space<vmem>>
    %dma_wait3A_255 = tpu.memref_squeeze %dma_wait3A_254 : memref<1x128xi32, #tpu.memory_space<vmem>> -> memref<128xi32, #tpu.memory_space<vmem>>
    %dma_wait3A_256 = arith.constant 0 : i32
    %dma_wait3A_257 = arith.constant 0 : i32
    %dma_wait3A_258 = tpu.memref_slice %arg2[%dma_wait3A_256, %dma_wait3A_257] : memref<8192x16xf32, #tpu.memory_space<hbm>> -> memref<8192x16xf32, #tpu.memory_space<hbm>>
    tpu.wait_indirect_dma semaphore(%arg7 : memref<!tpu.dma_semaphore, #tpu.memory_space<semaphore_mem>>) src(%dma_wait3A_258 : memref<8192x16xf32, #tpu.memory_space<hbm>>) dst(%dma_wait3A_252 : memref<128x16xf32, #tpu.memory_space<vmem>>)
    %dma_wait3A_259 = arith.constant 8 : i32
    %dma_wait3A_260 = arith.constant 1024 : i32
    %dma_wait3A_261 = arith.constant 0 : i32
    %dma_wait3A_262 = tpu.memref_slice %arg6[%dma_wait3A_260, %dma_wait3A_261] : memref<2304x16xf32, #tpu.memory_space<vmem>> -> memref<128x16xf32, #tpu.memory_space<vmem>>
    %dma_wait3A_263 = arith.constant 0 : i32
    %dma_wait3A_264 = tpu.memref_slice %arg5[%dma_wait3A_259, %dma_wait3A_263] : memref<18x128xi32, #tpu.memory_space<vmem>> -> memref<1x128xi32, #tpu.memory_space<vmem>>
    %dma_wait3A_265 = tpu.memref_squeeze %dma_wait3A_264 : memref<1x128xi32, #tpu.memory_space<vmem>> -> memref<128xi32, #tpu.memory_space<vmem>>
    %dma_wait3A_266 = arith.constant 0 : i32
    %dma_wait3A_267 = arith.constant 0 : i32
    %dma_wait3A_268 = tpu.memref_slice %arg2[%dma_wait3A_266, %dma_wait3A_267] : memref<8192x16xf32, #tpu.memory_space<hbm>> -> memref<8192x16xf32, #tpu.memory_space<hbm>>
    tpu.wait_indirect_dma semaphore(%arg7 : memref<!tpu.dma_semaphore, #tpu.memory_space<semaphore_mem>>) src(%dma_wait3A_268 : memref<8192x16xf32, #tpu.memory_space<hbm>>) dst(%dma_wait3A_262 : memref<128x16xf32, #tpu.memory_space<vmem>>)
    %dma_wait3A_269 = arith.constant 9 : i32
    %dma_wait3A_270 = arith.constant 1152 : i32
    %dma_wait3A_271 = arith.constant 0 : i32
    %dma_wait3A_272 = tpu.memref_slice %arg6[%dma_wait3A_270, %dma_wait3A_271] : memref<2304x16xf32, #tpu.memory_space<vmem>> -> memref<128x16xf32, #tpu.memory_space<vmem>>
    %dma_wait3A_273 = arith.constant 0 : i32
    %dma_wait3A_274 = tpu.memref_slice %arg5[%dma_wait3A_269, %dma_wait3A_273] : memref<18x128xi32, #tpu.memory_space<vmem>> -> memref<1x128xi32, #tpu.memory_space<vmem>>
    %dma_wait3A_275 = tpu.memref_squeeze %dma_wait3A_274 : memref<1x128xi32, #tpu.memory_space<vmem>> -> memref<128xi32, #tpu.memory_space<vmem>>
    %dma_wait3A_276 = arith.constant 0 : i32
    %dma_wait3A_277 = arith.constant 0 : i32
    %dma_wait3A_278 = tpu.memref_slice %arg2[%dma_wait3A_276, %dma_wait3A_277] : memref<8192x16xf32, #tpu.memory_space<hbm>> -> memref<8192x16xf32, #tpu.memory_space<hbm>>
    tpu.wait_indirect_dma semaphore(%arg7 : memref<!tpu.dma_semaphore, #tpu.memory_space<semaphore_mem>>) src(%dma_wait3A_278 : memref<8192x16xf32, #tpu.memory_space<hbm>>) dst(%dma_wait3A_272 : memref<128x16xf32, #tpu.memory_space<vmem>>)
    %dma_wait3A_279 = arith.constant 10 : i32
    %dma_wait3A_280 = arith.constant 1280 : i32
    %dma_wait3A_281 = arith.constant 0 : i32
    %dma_wait3A_282 = tpu.memref_slice %arg6[%dma_wait3A_280, %dma_wait3A_281] : memref<2304x16xf32, #tpu.memory_space<vmem>> -> memref<128x16xf32, #tpu.memory_space<vmem>>
    %dma_wait3A_283 = arith.constant 0 : i32
    %dma_wait3A_284 = tpu.memref_slice %arg5[%dma_wait3A_279, %dma_wait3A_283] : memref<18x128xi32, #tpu.memory_space<vmem>> -> memref<1x128xi32, #tpu.memory_space<vmem>>
    %dma_wait3A_285 = tpu.memref_squeeze %dma_wait3A_284 : memref<1x128xi32, #tpu.memory_space<vmem>> -> memref<128xi32, #tpu.memory_space<vmem>>
    %dma_wait3A_286 = arith.constant 0 : i32
    %dma_wait3A_287 = arith.constant 0 : i32
    %dma_wait3A_288 = tpu.memref_slice %arg2[%dma_wait3A_286, %dma_wait3A_287] : memref<8192x16xf32, #tpu.memory_space<hbm>> -> memref<8192x16xf32, #tpu.memory_space<hbm>>
    tpu.wait_indirect_dma semaphore(%arg7 : memref<!tpu.dma_semaphore, #tpu.memory_space<semaphore_mem>>) src(%dma_wait3A_288 : memref<8192x16xf32, #tpu.memory_space<hbm>>) dst(%dma_wait3A_282 : memref<128x16xf32, #tpu.memory_space<vmem>>)
    %dma_wait3A_289 = arith.constant 11 : i32
    %dma_wait3A_290 = arith.constant 1408 : i32
    %dma_wait3A_291 = arith.constant 0 : i32
    %dma_wait3A_292 = tpu.memref_slice %arg6[%dma_wait3A_290, %dma_wait3A_291] : memref<2304x16xf32, #tpu.memory_space<vmem>> -> memref<128x16xf32, #tpu.memory_space<vmem>>
    %dma_wait3A_293 = arith.constant 0 : i32
    %dma_wait3A_294 = tpu.memref_slice %arg5[%dma_wait3A_289, %dma_wait3A_293] : memref<18x128xi32, #tpu.memory_space<vmem>> -> memref<1x128xi32, #tpu.memory_space<vmem>>
    %dma_wait3A_295 = tpu.memref_squeeze %dma_wait3A_294 : memref<1x128xi32, #tpu.memory_space<vmem>> -> memref<128xi32, #tpu.memory_space<vmem>>
    %dma_wait3A_296 = arith.constant 0 : i32
    %dma_wait3A_297 = arith.constant 0 : i32
    %dma_wait3A_298 = tpu.memref_slice %arg2[%dma_wait3A_296, %dma_wait3A_297] : memref<8192x16xf32, #tpu.memory_space<hbm>> -> memref<8192x16xf32, #tpu.memory_space<hbm>>
    tpu.wait_indirect_dma semaphore(%arg7 : memref<!tpu.dma_semaphore, #tpu.memory_space<semaphore_mem>>) src(%dma_wait3A_298 : memref<8192x16xf32, #tpu.memory_space<hbm>>) dst(%dma_wait3A_292 : memref<128x16xf32, #tpu.memory_space<vmem>>)
    %dma_wait3A_299 = arith.constant 12 : i32
    %dma_wait3A_300 = arith.constant 1536 : i32
    %dma_wait3A_301 = arith.constant 0 : i32
    %dma_wait3A_302 = tpu.memref_slice %arg6[%dma_wait3A_300, %dma_wait3A_301] : memref<2304x16xf32, #tpu.memory_space<vmem>> -> memref<128x16xf32, #tpu.memory_space<vmem>>
    %dma_wait3A_303 = arith.constant 0 : i32
    %dma_wait3A_304 = tpu.memref_slice %arg5[%dma_wait3A_299, %dma_wait3A_303] : memref<18x128xi32, #tpu.memory_space<vmem>> -> memref<1x128xi32, #tpu.memory_space<vmem>>
    %dma_wait3A_305 = tpu.memref_squeeze %dma_wait3A_304 : memref<1x128xi32, #tpu.memory_space<vmem>> -> memref<128xi32, #tpu.memory_space<vmem>>
    %dma_wait3A_306 = arith.constant 0 : i32
    %dma_wait3A_307 = arith.constant 0 : i32
    %dma_wait3A_308 = tpu.memref_slice %arg2[%dma_wait3A_306, %dma_wait3A_307] : memref<8192x16xf32, #tpu.memory_space<hbm>> -> memref<8192x16xf32, #tpu.memory_space<hbm>>
    tpu.wait_indirect_dma semaphore(%arg7 : memref<!tpu.dma_semaphore, #tpu.memory_space<semaphore_mem>>) src(%dma_wait3A_308 : memref<8192x16xf32, #tpu.memory_space<hbm>>) dst(%dma_wait3A_302 : memref<128x16xf32, #tpu.memory_space<vmem>>)
    %dma_wait3A_309 = arith.constant 13 : i32
    %dma_wait3A_310 = arith.constant 1664 : i32
    %dma_wait3A_311 = arith.constant 0 : i32
    %dma_wait3A_312 = tpu.memref_slice %arg6[%dma_wait3A_310, %dma_wait3A_311] : memref<2304x16xf32, #tpu.memory_space<vmem>> -> memref<128x16xf32, #tpu.memory_space<vmem>>
    %dma_wait3A_313 = arith.constant 0 : i32
    %dma_wait3A_314 = tpu.memref_slice %arg5[%dma_wait3A_309, %dma_wait3A_313] : memref<18x128xi32, #tpu.memory_space<vmem>> -> memref<1x128xi32, #tpu.memory_space<vmem>>
    %dma_wait3A_315 = tpu.memref_squeeze %dma_wait3A_314 : memref<1x128xi32, #tpu.memory_space<vmem>> -> memref<128xi32, #tpu.memory_space<vmem>>
    %dma_wait3A_316 = arith.constant 0 : i32
    %dma_wait3A_317 = arith.constant 0 : i32
    %dma_wait3A_318 = tpu.memref_slice %arg2[%dma_wait3A_316, %dma_wait3A_317] : memref<8192x16xf32, #tpu.memory_space<hbm>> -> memref<8192x16xf32, #tpu.memory_space<hbm>>
    tpu.wait_indirect_dma semaphore(%arg7 : memref<!tpu.dma_semaphore, #tpu.memory_space<semaphore_mem>>) src(%dma_wait3A_318 : memref<8192x16xf32, #tpu.memory_space<hbm>>) dst(%dma_wait3A_312 : memref<128x16xf32, #tpu.memory_space<vmem>>)
    %dma_wait3A_319 = arith.constant 14 : i32
    %dma_wait3A_320 = arith.constant 1792 : i32
    %dma_wait3A_321 = arith.constant 0 : i32
    %dma_wait3A_322 = tpu.memref_slice %arg6[%dma_wait3A_320, %dma_wait3A_321] : memref<2304x16xf32, #tpu.memory_space<vmem>> -> memref<128x16xf32, #tpu.memory_space<vmem>>
    %dma_wait3A_323 = arith.constant 0 : i32
    %dma_wait3A_324 = tpu.memref_slice %arg5[%dma_wait3A_319, %dma_wait3A_323] : memref<18x128xi32, #tpu.memory_space<vmem>> -> memref<1x128xi32, #tpu.memory_space<vmem>>
    %dma_wait3A_325 = tpu.memref_squeeze %dma_wait3A_324 : memref<1x128xi32, #tpu.memory_space<vmem>> -> memref<128xi32, #tpu.memory_space<vmem>>
    %dma_wait3A_326 = arith.constant 0 : i32
    %dma_wait3A_327 = arith.constant 0 : i32
    %dma_wait3A_328 = tpu.memref_slice %arg2[%dma_wait3A_326, %dma_wait3A_327] : memref<8192x16xf32, #tpu.memory_space<hbm>> -> memref<8192x16xf32, #tpu.memory_space<hbm>>
    tpu.wait_indirect_dma semaphore(%arg7 : memref<!tpu.dma_semaphore, #tpu.memory_space<semaphore_mem>>) src(%dma_wait3A_328 : memref<8192x16xf32, #tpu.memory_space<hbm>>) dst(%dma_wait3A_322 : memref<128x16xf32, #tpu.memory_space<vmem>>)
    %dma_wait3A_329 = arith.constant 15 : i32
    %dma_wait3A_330 = arith.constant 1920 : i32
    %dma_wait3A_331 = arith.constant 0 : i32
    %dma_wait3A_332 = tpu.memref_slice %arg6[%dma_wait3A_330, %dma_wait3A_331] : memref<2304x16xf32, #tpu.memory_space<vmem>> -> memref<128x16xf32, #tpu.memory_space<vmem>>
    %dma_wait3A_333 = arith.constant 0 : i32
    %dma_wait3A_334 = tpu.memref_slice %arg5[%dma_wait3A_329, %dma_wait3A_333] : memref<18x128xi32, #tpu.memory_space<vmem>> -> memref<1x128xi32, #tpu.memory_space<vmem>>
    %dma_wait3A_335 = tpu.memref_squeeze %dma_wait3A_334 : memref<1x128xi32, #tpu.memory_space<vmem>> -> memref<128xi32, #tpu.memory_space<vmem>>
    %dma_wait3A_336 = arith.constant 0 : i32
    %dma_wait3A_337 = arith.constant 0 : i32
    %dma_wait3A_338 = tpu.memref_slice %arg2[%dma_wait3A_336, %dma_wait3A_337] : memref<8192x16xf32, #tpu.memory_space<hbm>> -> memref<8192x16xf32, #tpu.memory_space<hbm>>
    tpu.wait_indirect_dma semaphore(%arg7 : memref<!tpu.dma_semaphore, #tpu.memory_space<semaphore_mem>>) src(%dma_wait3A_338 : memref<8192x16xf32, #tpu.memory_space<hbm>>) dst(%dma_wait3A_332 : memref<128x16xf32, #tpu.memory_space<vmem>>)
    %dma_wait3A_339 = arith.constant 16 : i32
    %dma_wait3A_340 = arith.constant 2048 : i32
    %dma_wait3A_341 = arith.constant 0 : i32
    %dma_wait3A_342 = tpu.memref_slice %arg6[%dma_wait3A_340, %dma_wait3A_341] : memref<2304x16xf32, #tpu.memory_space<vmem>> -> memref<128x16xf32, #tpu.memory_space<vmem>>
    %dma_wait3A_343 = arith.constant 0 : i32
    %dma_wait3A_344 = tpu.memref_slice %arg5[%dma_wait3A_339, %dma_wait3A_343] : memref<18x128xi32, #tpu.memory_space<vmem>> -> memref<1x128xi32, #tpu.memory_space<vmem>>
    %dma_wait3A_345 = tpu.memref_squeeze %dma_wait3A_344 : memref<1x128xi32, #tpu.memory_space<vmem>> -> memref<128xi32, #tpu.memory_space<vmem>>
    %dma_wait3A_346 = arith.constant 0 : i32
    %dma_wait3A_347 = arith.constant 0 : i32
    %dma_wait3A_348 = tpu.memref_slice %arg2[%dma_wait3A_346, %dma_wait3A_347] : memref<8192x16xf32, #tpu.memory_space<hbm>> -> memref<8192x16xf32, #tpu.memory_space<hbm>>
    tpu.wait_indirect_dma semaphore(%arg7 : memref<!tpu.dma_semaphore, #tpu.memory_space<semaphore_mem>>) src(%dma_wait3A_348 : memref<8192x16xf32, #tpu.memory_space<hbm>>) dst(%dma_wait3A_342 : memref<128x16xf32, #tpu.memory_space<vmem>>)
    %dma_wait3A_349 = arith.constant 17 : i32
    %dma_wait3A_350 = arith.constant 2176 : i32
    %dma_wait3A_351 = arith.constant 0 : i32
    %dma_wait3A_352 = tpu.memref_slice %arg6[%dma_wait3A_350, %dma_wait3A_351] : memref<2304x16xf32, #tpu.memory_space<vmem>> -> memref<128x16xf32, #tpu.memory_space<vmem>>
    %dma_wait3A_353 = arith.constant 0 : i32
    %dma_wait3A_354 = tpu.memref_slice %arg5[%dma_wait3A_349, %dma_wait3A_353] : memref<18x128xi32, #tpu.memory_space<vmem>> -> memref<1x128xi32, #tpu.memory_space<vmem>>
    %dma_wait3A_355 = tpu.memref_squeeze %dma_wait3A_354 : memref<1x128xi32, #tpu.memory_space<vmem>> -> memref<128xi32, #tpu.memory_space<vmem>>
    %dma_wait3A_356 = arith.constant 0 : i32
    %dma_wait3A_357 = arith.constant 0 : i32
    %dma_wait3A_358 = tpu.memref_slice %arg2[%dma_wait3A_356, %dma_wait3A_357] : memref<8192x16xf32, #tpu.memory_space<hbm>> -> memref<8192x16xf32, #tpu.memory_space<hbm>>
    tpu.wait_indirect_dma semaphore(%arg7 : memref<!tpu.dma_semaphore, #tpu.memory_space<semaphore_mem>>) src(%dma_wait3A_358 : memref<8192x16xf32, #tpu.memory_space<hbm>>) dst(%dma_wait3A_352 : memref<128x16xf32, #tpu.memory_space<vmem>>)
    %mul3A_359 = arith.constant 2304 : i32
    %mul3A_360 = arith.muli %add3A, %mul3A_359 : i32
    "tpu.region"() ({
      %run_scoped3A = tpu.sem_alloc : memref<!tpu.dma_semaphore, #tpu.memory_space<semaphore_mem>>
      %dma_start3A_361 = arith.constant 0 : i32
      %dma_start3A_362 = tpu.memref_slice %arg4[%mul3A_360, %dma_start3A_361] : memref<73728x16xf32, #tpu.memory_space<hbm>> -> memref<2304x16xf32, #tpu.memory_space<hbm>>
      %dma_start3A_363 = arith.constant 0 : i32
      %dma_start3A_364 = tpu.memref_slice %arg4[%mul3A_360, %dma_start3A_363] : memref<73728x16xf32, #tpu.memory_space<hbm>> -> memref<2304x16xf32, #tpu.memory_space<hbm>>
      tpu.enqueue_dma source(%arg6 : memref<2304x16xf32, #tpu.memory_space<vmem>>) target(%dma_start3A_364 : memref<2304x16xf32, #tpu.memory_space<hbm>>) target_semaphore(%run_scoped3A : memref<!tpu.dma_semaphore, #tpu.memory_space<semaphore_mem>>)
      %dma_wait3A_365 = arith.constant 0 : i32
      %dma_wait3A_366 = tpu.memref_slice %arg4[%mul3A_360, %dma_wait3A_365] : memref<73728x16xf32, #tpu.memory_space<hbm>> -> memref<2304x16xf32, #tpu.memory_space<hbm>>
      %dma_wait3A_367 = arith.constant 0 : i32
      %dma_wait3A_368 = tpu.memref_slice %arg4[%mul3A_360, %dma_wait3A_367] : memref<73728x16xf32, #tpu.memory_space<hbm>> -> memref<2304x16xf32, #tpu.memory_space<hbm>>
      tpu.wait_dma2 semaphore(%run_scoped3A : memref<!tpu.dma_semaphore, #tpu.memory_space<semaphore_mem>>) src(%arg6 : memref<2304x16xf32, #tpu.memory_space<vmem>>) dst(%dma_wait3A_368 : memref<2304x16xf32, #tpu.memory_space<hbm>>)
      tpu.yield
    }) : () -> ()
    return
  }
}

module attributes {stable_mosaic.version = 14 : i64} {
  func.func @_prep_body(%arg0: memref<7x8x1024xf32, #tpu.memory_space<vmem>>, %arg1: memref<3x8x1024xf32, #tpu.memory_space<vmem>>, %arg2: memref<48x8x1024xf32, #tpu.memory_space<vmem>>, %arg3: memref<3xf32, #tpu.memory_space<smem>>, %arg4: memref<16x8x1024xf32, #tpu.memory_space<vmem>>, %arg5: memref<1x8x1024xf32, #tpu.memory_space<vmem>>) attributes {dimension_semantics = [], scalar_prefetch = 0 : i64, scratch_operands = 0 : i64, tpu.core_type = #tpu.core_type<tc>} {
    %get3A = arith.constant 0 : index
    %get3A_0 = arith.constant 0 : index
    %get3A_1 = arith.constant 0 : index
    %get3A_2 = vector.load %arg0[%get3A, %get3A_0, %get3A_1] : memref<7x8x1024xf32, #tpu.memory_space<vmem>>, vector<1x8x1024xf32>
    %get3A_3 = vector.shape_cast %get3A_2 : vector<1x8x1024xf32> to vector<8x1024xf32>
    %get3A_4 = arith.constant 1 : index
    %get3A_5 = arith.constant 0 : index
    %get3A_6 = arith.constant 0 : index
    %get3A_7 = vector.load %arg0[%get3A_4, %get3A_5, %get3A_6] : memref<7x8x1024xf32, #tpu.memory_space<vmem>>, vector<1x8x1024xf32>
    %get3A_8 = vector.shape_cast %get3A_7 : vector<1x8x1024xf32> to vector<8x1024xf32>
    %get3A_9 = arith.constant 2 : index
    %get3A_10 = arith.constant 0 : index
    %get3A_11 = arith.constant 0 : index
    %get3A_12 = vector.load %arg0[%get3A_9, %get3A_10, %get3A_11] : memref<7x8x1024xf32, #tpu.memory_space<vmem>>, vector<1x8x1024xf32>
    %get3A_13 = vector.shape_cast %get3A_12 : vector<1x8x1024xf32> to vector<8x1024xf32>
    %get3A_14 = arith.constant 3 : index
    %get3A_15 = arith.constant 0 : index
    %get3A_16 = arith.constant 0 : index
    %get3A_17 = vector.load %arg0[%get3A_14, %get3A_15, %get3A_16] : memref<7x8x1024xf32, #tpu.memory_space<vmem>>, vector<1x8x1024xf32>
    %get3A_18 = vector.shape_cast %get3A_17 : vector<1x8x1024xf32> to vector<8x1024xf32>
    %get3A_19 = arith.constant 4 : index
    %get3A_20 = arith.constant 0 : index
    %get3A_21 = arith.constant 0 : index
    %get3A_22 = vector.load %arg0[%get3A_19, %get3A_20, %get3A_21] : memref<7x8x1024xf32, #tpu.memory_space<vmem>>, vector<1x8x1024xf32>
    %get3A_23 = vector.shape_cast %get3A_22 : vector<1x8x1024xf32> to vector<8x1024xf32>
    %get3A_24 = arith.constant 5 : index
    %get3A_25 = arith.constant 0 : index
    %get3A_26 = arith.constant 0 : index
    %get3A_27 = vector.load %arg0[%get3A_24, %get3A_25, %get3A_26] : memref<7x8x1024xf32, #tpu.memory_space<vmem>>, vector<1x8x1024xf32>
    %get3A_28 = vector.shape_cast %get3A_27 : vector<1x8x1024xf32> to vector<8x1024xf32>
    %get3A_29 = arith.constant 6 : index
    %get3A_30 = arith.constant 0 : index
    %get3A_31 = arith.constant 0 : index
    %get3A_32 = vector.load %arg0[%get3A_29, %get3A_30, %get3A_31] : memref<7x8x1024xf32, #tpu.memory_space<vmem>>, vector<1x8x1024xf32>
    %get3A_33 = vector.shape_cast %get3A_32 : vector<1x8x1024xf32> to vector<8x1024xf32>
    %get3A_34 = arith.constant 0 : index
    %get3A_35 = arith.constant 0 : index
    %get3A_36 = arith.constant 0 : index
    %get3A_37 = vector.load %arg1[%get3A_34, %get3A_35, %get3A_36] : memref<3x8x1024xf32, #tpu.memory_space<vmem>>, vector<1x8x1024xf32>
    %get3A_38 = vector.shape_cast %get3A_37 : vector<1x8x1024xf32> to vector<8x1024xf32>
    %get3A_39 = arith.constant 1 : index
    %get3A_40 = arith.constant 0 : index
    %get3A_41 = arith.constant 0 : index
    %get3A_42 = vector.load %arg1[%get3A_39, %get3A_40, %get3A_41] : memref<3x8x1024xf32, #tpu.memory_space<vmem>>, vector<1x8x1024xf32>
    %get3A_43 = vector.shape_cast %get3A_42 : vector<1x8x1024xf32> to vector<8x1024xf32>
    %get3A_44 = arith.constant 2 : index
    %get3A_45 = arith.constant 0 : index
    %get3A_46 = arith.constant 0 : index
    %get3A_47 = vector.load %arg1[%get3A_44, %get3A_45, %get3A_46] : memref<3x8x1024xf32, #tpu.memory_space<vmem>>, vector<1x8x1024xf32>
    %get3A_48 = vector.shape_cast %get3A_47 : vector<1x8x1024xf32> to vector<8x1024xf32>
    %get3A_49 = arith.constant 0 : index
    %get3A_50 = memref.load %arg3[%get3A_49] : memref<3xf32, #tpu.memory_space<smem>>
    %get3A_51 = arith.constant 1 : index
    %get3A_52 = memref.load %arg3[%get3A_51] : memref<3xf32, #tpu.memory_space<smem>>
    %get3A_53 = arith.constant 2 : index
    %get3A_54 = memref.load %arg3[%get3A_53] : memref<3xf32, #tpu.memory_space<smem>>
    %sub3A = vector.broadcast %get3A_50 : f32 to vector<8x1024xf32>
    %sub3A_55 = arith.subf %get3A_38, %sub3A : vector<8x1024xf32>
    %sub3A_56 = vector.broadcast %get3A_52 : f32 to vector<8x1024xf32>
    %sub3A_57 = arith.subf %get3A_43, %sub3A_56 : vector<8x1024xf32>
    %sub3A_58 = vector.broadcast %get3A_54 : f32 to vector<8x1024xf32>
    %sub3A_59 = arith.subf %get3A_48, %sub3A_58 : vector<8x1024xf32>
    %mul3A = arith.mulf %sub3A_55, %sub3A_55 : vector<8x1024xf32>
    %mul3A_60 = arith.mulf %sub3A_57, %sub3A_57 : vector<8x1024xf32>
    %add3A = arith.addf %mul3A, %mul3A_60 : vector<8x1024xf32>
    %mul3A_61 = arith.mulf %sub3A_59, %sub3A_59 : vector<8x1024xf32>
    %add3A_62 = arith.addf %add3A, %mul3A_61 : vector<8x1024xf32>
    %sqrt3A = math.sqrt %add3A_62 : vector<8x1024xf32>
    %add3A_63 = arith.constant 9.99999993E-9 : f32
    %add3A_64 = vector.broadcast %add3A_63 : f32 to vector<8x1024xf32>
    %add3A_65 = arith.addf %sqrt3A, %add3A_64 : vector<8x1024xf32>
    %div3A = arith.constant 1.000000e+00 : f32
    %div3A_66 = vector.broadcast %div3A : f32 to vector<8x1024xf32>
    %div3A_67 = arith.divf %div3A_66, %add3A_65 : vector<8x1024xf32>
    %mul3A_68 = arith.mulf %sub3A_55, %div3A_67 : vector<8x1024xf32>
    %mul3A_69 = arith.mulf %sub3A_57, %div3A_67 : vector<8x1024xf32>
    %mul3A_70 = arith.mulf %sub3A_59, %div3A_67 : vector<8x1024xf32>
    %mul3A_71 = arith.mulf %mul3A_68, %mul3A_68 : vector<8x1024xf32>
    %mul3A_72 = arith.mulf %mul3A_69, %mul3A_69 : vector<8x1024xf32>
    %mul3A_73 = arith.mulf %mul3A_70, %mul3A_70 : vector<8x1024xf32>
    %mul3A_74 = arith.mulf %mul3A_68, %mul3A_69 : vector<8x1024xf32>
    %mul3A_75 = arith.mulf %mul3A_69, %mul3A_70 : vector<8x1024xf32>
    %mul3A_76 = arith.mulf %mul3A_68, %mul3A_70 : vector<8x1024xf32>
    %mul3A_77 = arith.constant -0.488602519 : f32
    %mul3A_78 = vector.broadcast %mul3A_77 : f32 to vector<8x1024xf32>
    %mul3A_79 = arith.mulf %mul3A_78, %mul3A_69 : vector<8x1024xf32>
    %mul3A_80 = arith.constant 0.488602519 : f32
    %mul3A_81 = vector.broadcast %mul3A_80 : f32 to vector<8x1024xf32>
    %mul3A_82 = arith.mulf %mul3A_81, %mul3A_70 : vector<8x1024xf32>
    %mul3A_83 = arith.constant -0.488602519 : f32
    %mul3A_84 = vector.broadcast %mul3A_83 : f32 to vector<8x1024xf32>
    %mul3A_85 = arith.mulf %mul3A_84, %mul3A_68 : vector<8x1024xf32>
    %mul3A_86 = arith.constant 1.09254849 : f32
    %mul3A_87 = vector.broadcast %mul3A_86 : f32 to vector<8x1024xf32>
    %mul3A_88 = arith.mulf %mul3A_87, %mul3A_74 : vector<8x1024xf32>
    %mul3A_89 = arith.constant -1.09254849 : f32
    %mul3A_90 = vector.broadcast %mul3A_89 : f32 to vector<8x1024xf32>
    %mul3A_91 = arith.mulf %mul3A_90, %mul3A_75 : vector<8x1024xf32>
    %mul3A_92 = arith.constant 2.000000e+00 : f32
    %mul3A_93 = vector.broadcast %mul3A_92 : f32 to vector<8x1024xf32>
    %mul3A_94 = arith.mulf %mul3A_93, %mul3A_73 : vector<8x1024xf32>
    %sub3A_95 = arith.subf %mul3A_94, %mul3A_71 : vector<8x1024xf32>
    %sub3A_96 = arith.subf %sub3A_95, %mul3A_72 : vector<8x1024xf32>
    %mul3A_97 = arith.constant 0.31539157 : f32
    %mul3A_98 = vector.broadcast %mul3A_97 : f32 to vector<8x1024xf32>
    %mul3A_99 = arith.mulf %mul3A_98, %sub3A_96 : vector<8x1024xf32>
    %mul3A_100 = arith.constant -1.09254849 : f32
    %mul3A_101 = vector.broadcast %mul3A_100 : f32 to vector<8x1024xf32>
    %mul3A_102 = arith.mulf %mul3A_101, %mul3A_76 : vector<8x1024xf32>
    %sub3A_103 = arith.subf %mul3A_71, %mul3A_72 : vector<8x1024xf32>
    %mul3A_104 = arith.constant 0.546274245 : f32
    %mul3A_105 = vector.broadcast %mul3A_104 : f32 to vector<8x1024xf32>
    %mul3A_106 = arith.mulf %mul3A_105, %sub3A_103 : vector<8x1024xf32>
    %mul3A_107 = arith.constant -0.590043604 : f32
    %mul3A_108 = vector.broadcast %mul3A_107 : f32 to vector<8x1024xf32>
    %mul3A_109 = arith.mulf %mul3A_108, %mul3A_69 : vector<8x1024xf32>
    %mul3A_110 = arith.constant 3.000000e+00 : f32
    %mul3A_111 = vector.broadcast %mul3A_110 : f32 to vector<8x1024xf32>
    %mul3A_112 = arith.mulf %mul3A_111, %mul3A_71 : vector<8x1024xf32>
    %sub3A_113 = arith.subf %mul3A_112, %mul3A_72 : vector<8x1024xf32>
    %mul3A_114 = arith.mulf %mul3A_109, %sub3A_113 : vector<8x1024xf32>
    %mul3A_115 = arith.constant 2.89061141 : f32
    %mul3A_116 = vector.broadcast %mul3A_115 : f32 to vector<8x1024xf32>
    %mul3A_117 = arith.mulf %mul3A_116, %mul3A_74 : vector<8x1024xf32>
    %mul3A_118 = arith.mulf %mul3A_117, %mul3A_70 : vector<8x1024xf32>
    %mul3A_119 = arith.constant -0.457045794 : f32
    %mul3A_120 = vector.broadcast %mul3A_119 : f32 to vector<8x1024xf32>
    %mul3A_121 = arith.mulf %mul3A_120, %mul3A_69 : vector<8x1024xf32>
    %mul3A_122 = arith.constant 4.000000e+00 : f32
    %mul3A_123 = vector.broadcast %mul3A_122 : f32 to vector<8x1024xf32>
    %mul3A_124 = arith.mulf %mul3A_123, %mul3A_73 : vector<8x1024xf32>
    %sub3A_125 = arith.subf %mul3A_124, %mul3A_71 : vector<8x1024xf32>
    %sub3A_126 = arith.subf %sub3A_125, %mul3A_72 : vector<8x1024xf32>
    %mul3A_127 = arith.mulf %mul3A_121, %sub3A_126 : vector<8x1024xf32>
    %mul3A_128 = arith.constant 0.373176336 : f32
    %mul3A_129 = vector.broadcast %mul3A_128 : f32 to vector<8x1024xf32>
    %mul3A_130 = arith.mulf %mul3A_129, %mul3A_70 : vector<8x1024xf32>
    %mul3A_131 = arith.constant 2.000000e+00 : f32
    %mul3A_132 = vector.broadcast %mul3A_131 : f32 to vector<8x1024xf32>
    %mul3A_133 = arith.mulf %mul3A_132, %mul3A_73 : vector<8x1024xf32>
    %mul3A_134 = arith.constant 3.000000e+00 : f32
    %mul3A_135 = vector.broadcast %mul3A_134 : f32 to vector<8x1024xf32>
    %mul3A_136 = arith.mulf %mul3A_135, %mul3A_71 : vector<8x1024xf32>
    %sub3A_137 = arith.subf %mul3A_133, %mul3A_136 : vector<8x1024xf32>
    %mul3A_138 = arith.constant 3.000000e+00 : f32
    %mul3A_139 = vector.broadcast %mul3A_138 : f32 to vector<8x1024xf32>
    %mul3A_140 = arith.mulf %mul3A_139, %mul3A_72 : vector<8x1024xf32>
    %sub3A_141 = arith.subf %sub3A_137, %mul3A_140 : vector<8x1024xf32>
    %mul3A_142 = arith.mulf %mul3A_130, %sub3A_141 : vector<8x1024xf32>
    %mul3A_143 = arith.constant -0.457045794 : f32
    %mul3A_144 = vector.broadcast %mul3A_143 : f32 to vector<8x1024xf32>
    %mul3A_145 = arith.mulf %mul3A_144, %mul3A_68 : vector<8x1024xf32>
    %mul3A_146 = arith.constant 4.000000e+00 : f32
    %mul3A_147 = vector.broadcast %mul3A_146 : f32 to vector<8x1024xf32>
    %mul3A_148 = arith.mulf %mul3A_147, %mul3A_73 : vector<8x1024xf32>
    %sub3A_149 = arith.subf %mul3A_148, %mul3A_71 : vector<8x1024xf32>
    %sub3A_150 = arith.subf %sub3A_149, %mul3A_72 : vector<8x1024xf32>
    %mul3A_151 = arith.mulf %mul3A_145, %sub3A_150 : vector<8x1024xf32>
    %mul3A_152 = arith.constant 1.44530571 : f32
    %mul3A_153 = vector.broadcast %mul3A_152 : f32 to vector<8x1024xf32>
    %mul3A_154 = arith.mulf %mul3A_153, %mul3A_70 : vector<8x1024xf32>
    %sub3A_155 = arith.subf %mul3A_71, %mul3A_72 : vector<8x1024xf32>
    %mul3A_156 = arith.mulf %mul3A_154, %sub3A_155 : vector<8x1024xf32>
    %mul3A_157 = arith.constant -0.590043604 : f32
    %mul3A_158 = vector.broadcast %mul3A_157 : f32 to vector<8x1024xf32>
    %mul3A_159 = arith.mulf %mul3A_158, %mul3A_68 : vector<8x1024xf32>
    %mul3A_160 = arith.constant 3.000000e+00 : f32
    %mul3A_161 = vector.broadcast %mul3A_160 : f32 to vector<8x1024xf32>
    %mul3A_162 = arith.mulf %mul3A_161, %mul3A_72 : vector<8x1024xf32>
    %sub3A_163 = arith.subf %mul3A_71, %mul3A_162 : vector<8x1024xf32>
    %mul3A_164 = arith.mulf %mul3A_159, %sub3A_163 : vector<8x1024xf32>
    %get3A_165 = arith.constant 0 : index
    %get3A_166 = arith.constant 0 : index
    %get3A_167 = arith.constant 0 : index
    %get3A_168 = vector.load %arg2[%get3A_165, %get3A_166, %get3A_167] : memref<48x8x1024xf32, #tpu.memory_space<vmem>>, vector<1x8x1024xf32>
    %get3A_169 = vector.shape_cast %get3A_168 : vector<1x8x1024xf32> to vector<8x1024xf32>
    %mul3A_170 = arith.constant 0.282094806 : f32
    %mul3A_171 = vector.broadcast %mul3A_170 : f32 to vector<8x1024xf32>
    %mul3A_172 = arith.mulf %mul3A_171, %get3A_169 : vector<8x1024xf32>
    %get3A_173 = arith.constant 3 : index
    %get3A_174 = arith.constant 0 : index
    %get3A_175 = arith.constant 0 : index
    %get3A_176 = vector.load %arg2[%get3A_173, %get3A_174, %get3A_175] : memref<48x8x1024xf32, #tpu.memory_space<vmem>>, vector<1x8x1024xf32>
    %get3A_177 = vector.shape_cast %get3A_176 : vector<1x8x1024xf32> to vector<8x1024xf32>
    %mul3A_178 = arith.mulf %mul3A_79, %get3A_177 : vector<8x1024xf32>
    %add3A_179 = arith.addf %mul3A_172, %mul3A_178 : vector<8x1024xf32>
    %get3A_180 = arith.constant 6 : index
    %get3A_181 = arith.constant 0 : index
    %get3A_182 = arith.constant 0 : index
    %get3A_183 = vector.load %arg2[%get3A_180, %get3A_181, %get3A_182] : memref<48x8x1024xf32, #tpu.memory_space<vmem>>, vector<1x8x1024xf32>
    %get3A_184 = vector.shape_cast %get3A_183 : vector<1x8x1024xf32> to vector<8x1024xf32>
    %mul3A_185 = arith.mulf %mul3A_82, %get3A_184 : vector<8x1024xf32>
    %add3A_186 = arith.addf %add3A_179, %mul3A_185 : vector<8x1024xf32>
    %get3A_187 = arith.constant 9 : index
    %get3A_188 = arith.constant 0 : index
    %get3A_189 = arith.constant 0 : index
    %get3A_190 = vector.load %arg2[%get3A_187, %get3A_188, %get3A_189] : memref<48x8x1024xf32, #tpu.memory_space<vmem>>, vector<1x8x1024xf32>
    %get3A_191 = vector.shape_cast %get3A_190 : vector<1x8x1024xf32> to vector<8x1024xf32>
    %mul3A_192 = arith.mulf %mul3A_85, %get3A_191 : vector<8x1024xf32>
    %add3A_193 = arith.addf %add3A_186, %mul3A_192 : vector<8x1024xf32>
    %get3A_194 = arith.constant 12 : index
    %get3A_195 = arith.constant 0 : index
    %get3A_196 = arith.constant 0 : index
    %get3A_197 = vector.load %arg2[%get3A_194, %get3A_195, %get3A_196] : memref<48x8x1024xf32, #tpu.memory_space<vmem>>, vector<1x8x1024xf32>
    %get3A_198 = vector.shape_cast %get3A_197 : vector<1x8x1024xf32> to vector<8x1024xf32>
    %mul3A_199 = arith.mulf %mul3A_88, %get3A_198 : vector<8x1024xf32>
    %add3A_200 = arith.addf %add3A_193, %mul3A_199 : vector<8x1024xf32>
    %get3A_201 = arith.constant 15 : index
    %get3A_202 = arith.constant 0 : index
    %get3A_203 = arith.constant 0 : index
    %get3A_204 = vector.load %arg2[%get3A_201, %get3A_202, %get3A_203] : memref<48x8x1024xf32, #tpu.memory_space<vmem>>, vector<1x8x1024xf32>
    %get3A_205 = vector.shape_cast %get3A_204 : vector<1x8x1024xf32> to vector<8x1024xf32>
    %mul3A_206 = arith.mulf %mul3A_91, %get3A_205 : vector<8x1024xf32>
    %add3A_207 = arith.addf %add3A_200, %mul3A_206 : vector<8x1024xf32>
    %get3A_208 = arith.constant 18 : index
    %get3A_209 = arith.constant 0 : index
    %get3A_210 = arith.constant 0 : index
    %get3A_211 = vector.load %arg2[%get3A_208, %get3A_209, %get3A_210] : memref<48x8x1024xf32, #tpu.memory_space<vmem>>, vector<1x8x1024xf32>
    %get3A_212 = vector.shape_cast %get3A_211 : vector<1x8x1024xf32> to vector<8x1024xf32>
    %mul3A_213 = arith.mulf %mul3A_99, %get3A_212 : vector<8x1024xf32>
    %add3A_214 = arith.addf %add3A_207, %mul3A_213 : vector<8x1024xf32>
    %get3A_215 = arith.constant 21 : index
    %get3A_216 = arith.constant 0 : index
    %get3A_217 = arith.constant 0 : index
    %get3A_218 = vector.load %arg2[%get3A_215, %get3A_216, %get3A_217] : memref<48x8x1024xf32, #tpu.memory_space<vmem>>, vector<1x8x1024xf32>
    %get3A_219 = vector.shape_cast %get3A_218 : vector<1x8x1024xf32> to vector<8x1024xf32>
    %mul3A_220 = arith.mulf %mul3A_102, %get3A_219 : vector<8x1024xf32>
    %add3A_221 = arith.addf %add3A_214, %mul3A_220 : vector<8x1024xf32>
    %get3A_222 = arith.constant 24 : index
    %get3A_223 = arith.constant 0 : index
    %get3A_224 = arith.constant 0 : index
    %get3A_225 = vector.load %arg2[%get3A_222, %get3A_223, %get3A_224] : memref<48x8x1024xf32, #tpu.memory_space<vmem>>, vector<1x8x1024xf32>
    %get3A_226 = vector.shape_cast %get3A_225 : vector<1x8x1024xf32> to vector<8x1024xf32>
    %mul3A_227 = arith.mulf %mul3A_106, %get3A_226 : vector<8x1024xf32>
    %add3A_228 = arith.addf %add3A_221, %mul3A_227 : vector<8x1024xf32>
    %get3A_229 = arith.constant 27 : index
    %get3A_230 = arith.constant 0 : index
    %get3A_231 = arith.constant 0 : index
    %get3A_232 = vector.load %arg2[%get3A_229, %get3A_230, %get3A_231] : memref<48x8x1024xf32, #tpu.memory_space<vmem>>, vector<1x8x1024xf32>
    %get3A_233 = vector.shape_cast %get3A_232 : vector<1x8x1024xf32> to vector<8x1024xf32>
    %mul3A_234 = arith.mulf %mul3A_114, %get3A_233 : vector<8x1024xf32>
    %add3A_235 = arith.addf %add3A_228, %mul3A_234 : vector<8x1024xf32>
    %get3A_236 = arith.constant 30 : index
    %get3A_237 = arith.constant 0 : index
    %get3A_238 = arith.constant 0 : index
    %get3A_239 = vector.load %arg2[%get3A_236, %get3A_237, %get3A_238] : memref<48x8x1024xf32, #tpu.memory_space<vmem>>, vector<1x8x1024xf32>
    %get3A_240 = vector.shape_cast %get3A_239 : vector<1x8x1024xf32> to vector<8x1024xf32>
    %mul3A_241 = arith.mulf %mul3A_118, %get3A_240 : vector<8x1024xf32>
    %add3A_242 = arith.addf %add3A_235, %mul3A_241 : vector<8x1024xf32>
    %get3A_243 = arith.constant 33 : index
    %get3A_244 = arith.constant 0 : index
    %get3A_245 = arith.constant 0 : index
    %get3A_246 = vector.load %arg2[%get3A_243, %get3A_244, %get3A_245] : memref<48x8x1024xf32, #tpu.memory_space<vmem>>, vector<1x8x1024xf32>
    %get3A_247 = vector.shape_cast %get3A_246 : vector<1x8x1024xf32> to vector<8x1024xf32>
    %mul3A_248 = arith.mulf %mul3A_127, %get3A_247 : vector<8x1024xf32>
    %add3A_249 = arith.addf %add3A_242, %mul3A_248 : vector<8x1024xf32>
    %get3A_250 = arith.constant 36 : index
    %get3A_251 = arith.constant 0 : index
    %get3A_252 = arith.constant 0 : index
    %get3A_253 = vector.load %arg2[%get3A_250, %get3A_251, %get3A_252] : memref<48x8x1024xf32, #tpu.memory_space<vmem>>, vector<1x8x1024xf32>
    %get3A_254 = vector.shape_cast %get3A_253 : vector<1x8x1024xf32> to vector<8x1024xf32>
    %mul3A_255 = arith.mulf %mul3A_142, %get3A_254 : vector<8x1024xf32>
    %add3A_256 = arith.addf %add3A_249, %mul3A_255 : vector<8x1024xf32>
    %get3A_257 = arith.constant 39 : index
    %get3A_258 = arith.constant 0 : index
    %get3A_259 = arith.constant 0 : index
    %get3A_260 = vector.load %arg2[%get3A_257, %get3A_258, %get3A_259] : memref<48x8x1024xf32, #tpu.memory_space<vmem>>, vector<1x8x1024xf32>
    %get3A_261 = vector.shape_cast %get3A_260 : vector<1x8x1024xf32> to vector<8x1024xf32>
    %mul3A_262 = arith.mulf %mul3A_151, %get3A_261 : vector<8x1024xf32>
    %add3A_263 = arith.addf %add3A_256, %mul3A_262 : vector<8x1024xf32>
    %get3A_264 = arith.constant 42 : index
    %get3A_265 = arith.constant 0 : index
    %get3A_266 = arith.constant 0 : index
    %get3A_267 = vector.load %arg2[%get3A_264, %get3A_265, %get3A_266] : memref<48x8x1024xf32, #tpu.memory_space<vmem>>, vector<1x8x1024xf32>
    %get3A_268 = vector.shape_cast %get3A_267 : vector<1x8x1024xf32> to vector<8x1024xf32>
    %mul3A_269 = arith.mulf %mul3A_156, %get3A_268 : vector<8x1024xf32>
    %add3A_270 = arith.addf %add3A_263, %mul3A_269 : vector<8x1024xf32>
    %get3A_271 = arith.constant 45 : index
    %get3A_272 = arith.constant 0 : index
    %get3A_273 = arith.constant 0 : index
    %get3A_274 = vector.load %arg2[%get3A_271, %get3A_272, %get3A_273] : memref<48x8x1024xf32, #tpu.memory_space<vmem>>, vector<1x8x1024xf32>
    %get3A_275 = vector.shape_cast %get3A_274 : vector<1x8x1024xf32> to vector<8x1024xf32>
    %mul3A_276 = arith.mulf %mul3A_164, %get3A_275 : vector<8x1024xf32>
    %add3A_277 = arith.addf %add3A_270, %mul3A_276 : vector<8x1024xf32>
    %add3A_278 = arith.constant 5.000000e-01 : f32
    %add3A_279 = vector.broadcast %add3A_278 : f32 to vector<8x1024xf32>
    %add3A_280 = arith.addf %add3A_277, %add3A_279 : vector<8x1024xf32>
    %max3A = arith.constant 0.000000e+00 : f32
    %max3A_281 = vector.broadcast %max3A : f32 to vector<8x1024xf32>
    %max3A_282 = arith.maximumf %add3A_280, %max3A_281 : vector<8x1024xf32>
    %get3A_283 = arith.constant 1 : index
    %get3A_284 = arith.constant 0 : index
    %get3A_285 = arith.constant 0 : index
    %get3A_286 = vector.load %arg2[%get3A_283, %get3A_284, %get3A_285] : memref<48x8x1024xf32, #tpu.memory_space<vmem>>, vector<1x8x1024xf32>
    %get3A_287 = vector.shape_cast %get3A_286 : vector<1x8x1024xf32> to vector<8x1024xf32>
    %mul3A_288 = arith.constant 0.282094806 : f32
    %mul3A_289 = vector.broadcast %mul3A_288 : f32 to vector<8x1024xf32>
    %mul3A_290 = arith.mulf %mul3A_289, %get3A_287 : vector<8x1024xf32>
    %get3A_291 = arith.constant 4 : index
    %get3A_292 = arith.constant 0 : index
    %get3A_293 = arith.constant 0 : index
    %get3A_294 = vector.load %arg2[%get3A_291, %get3A_292, %get3A_293] : memref<48x8x1024xf32, #tpu.memory_space<vmem>>, vector<1x8x1024xf32>
    %get3A_295 = vector.shape_cast %get3A_294 : vector<1x8x1024xf32> to vector<8x1024xf32>
    %mul3A_296 = arith.mulf %mul3A_79, %get3A_295 : vector<8x1024xf32>
    %add3A_297 = arith.addf %mul3A_290, %mul3A_296 : vector<8x1024xf32>
    %get3A_298 = arith.constant 7 : index
    %get3A_299 = arith.constant 0 : index
    %get3A_300 = arith.constant 0 : index
    %get3A_301 = vector.load %arg2[%get3A_298, %get3A_299, %get3A_300] : memref<48x8x1024xf32, #tpu.memory_space<vmem>>, vector<1x8x1024xf32>
    %get3A_302 = vector.shape_cast %get3A_301 : vector<1x8x1024xf32> to vector<8x1024xf32>
    %mul3A_303 = arith.mulf %mul3A_82, %get3A_302 : vector<8x1024xf32>
    %add3A_304 = arith.addf %add3A_297, %mul3A_303 : vector<8x1024xf32>
    %get3A_305 = arith.constant 10 : index
    %get3A_306 = arith.constant 0 : index
    %get3A_307 = arith.constant 0 : index
    %get3A_308 = vector.load %arg2[%get3A_305, %get3A_306, %get3A_307] : memref<48x8x1024xf32, #tpu.memory_space<vmem>>, vector<1x8x1024xf32>
    %get3A_309 = vector.shape_cast %get3A_308 : vector<1x8x1024xf32> to vector<8x1024xf32>
    %mul3A_310 = arith.mulf %mul3A_85, %get3A_309 : vector<8x1024xf32>
    %add3A_311 = arith.addf %add3A_304, %mul3A_310 : vector<8x1024xf32>
    %get3A_312 = arith.constant 13 : index
    %get3A_313 = arith.constant 0 : index
    %get3A_314 = arith.constant 0 : index
    %get3A_315 = vector.load %arg2[%get3A_312, %get3A_313, %get3A_314] : memref<48x8x1024xf32, #tpu.memory_space<vmem>>, vector<1x8x1024xf32>
    %get3A_316 = vector.shape_cast %get3A_315 : vector<1x8x1024xf32> to vector<8x1024xf32>
    %mul3A_317 = arith.mulf %mul3A_88, %get3A_316 : vector<8x1024xf32>
    %add3A_318 = arith.addf %add3A_311, %mul3A_317 : vector<8x1024xf32>
    %get3A_319 = arith.constant 16 : index
    %get3A_320 = arith.constant 0 : index
    %get3A_321 = arith.constant 0 : index
    %get3A_322 = vector.load %arg2[%get3A_319, %get3A_320, %get3A_321] : memref<48x8x1024xf32, #tpu.memory_space<vmem>>, vector<1x8x1024xf32>
    %get3A_323 = vector.shape_cast %get3A_322 : vector<1x8x1024xf32> to vector<8x1024xf32>
    %mul3A_324 = arith.mulf %mul3A_91, %get3A_323 : vector<8x1024xf32>
    %add3A_325 = arith.addf %add3A_318, %mul3A_324 : vector<8x1024xf32>
    %get3A_326 = arith.constant 19 : index
    %get3A_327 = arith.constant 0 : index
    %get3A_328 = arith.constant 0 : index
    %get3A_329 = vector.load %arg2[%get3A_326, %get3A_327, %get3A_328] : memref<48x8x1024xf32, #tpu.memory_space<vmem>>, vector<1x8x1024xf32>
    %get3A_330 = vector.shape_cast %get3A_329 : vector<1x8x1024xf32> to vector<8x1024xf32>
    %mul3A_331 = arith.mulf %mul3A_99, %get3A_330 : vector<8x1024xf32>
    %add3A_332 = arith.addf %add3A_325, %mul3A_331 : vector<8x1024xf32>
    %get3A_333 = arith.constant 22 : index
    %get3A_334 = arith.constant 0 : index
    %get3A_335 = arith.constant 0 : index
    %get3A_336 = vector.load %arg2[%get3A_333, %get3A_334, %get3A_335] : memref<48x8x1024xf32, #tpu.memory_space<vmem>>, vector<1x8x1024xf32>
    %get3A_337 = vector.shape_cast %get3A_336 : vector<1x8x1024xf32> to vector<8x1024xf32>
    %mul3A_338 = arith.mulf %mul3A_102, %get3A_337 : vector<8x1024xf32>
    %add3A_339 = arith.addf %add3A_332, %mul3A_338 : vector<8x1024xf32>
    %get3A_340 = arith.constant 25 : index
    %get3A_341 = arith.constant 0 : index
    %get3A_342 = arith.constant 0 : index
    %get3A_343 = vector.load %arg2[%get3A_340, %get3A_341, %get3A_342] : memref<48x8x1024xf32, #tpu.memory_space<vmem>>, vector<1x8x1024xf32>
    %get3A_344 = vector.shape_cast %get3A_343 : vector<1x8x1024xf32> to vector<8x1024xf32>
    %mul3A_345 = arith.mulf %mul3A_106, %get3A_344 : vector<8x1024xf32>
    %add3A_346 = arith.addf %add3A_339, %mul3A_345 : vector<8x1024xf32>
    %get3A_347 = arith.constant 28 : index
    %get3A_348 = arith.constant 0 : index
    %get3A_349 = arith.constant 0 : index
    %get3A_350 = vector.load %arg2[%get3A_347, %get3A_348, %get3A_349] : memref<48x8x1024xf32, #tpu.memory_space<vmem>>, vector<1x8x1024xf32>
    %get3A_351 = vector.shape_cast %get3A_350 : vector<1x8x1024xf32> to vector<8x1024xf32>
    %mul3A_352 = arith.mulf %mul3A_114, %get3A_351 : vector<8x1024xf32>
    %add3A_353 = arith.addf %add3A_346, %mul3A_352 : vector<8x1024xf32>
    %get3A_354 = arith.constant 31 : index
    %get3A_355 = arith.constant 0 : index
    %get3A_356 = arith.constant 0 : index
    %get3A_357 = vector.load %arg2[%get3A_354, %get3A_355, %get3A_356] : memref<48x8x1024xf32, #tpu.memory_space<vmem>>, vector<1x8x1024xf32>
    %get3A_358 = vector.shape_cast %get3A_357 : vector<1x8x1024xf32> to vector<8x1024xf32>
    %mul3A_359 = arith.mulf %mul3A_118, %get3A_358 : vector<8x1024xf32>
    %add3A_360 = arith.addf %add3A_353, %mul3A_359 : vector<8x1024xf32>
    %get3A_361 = arith.constant 34 : index
    %get3A_362 = arith.constant 0 : index
    %get3A_363 = arith.constant 0 : index
    %get3A_364 = vector.load %arg2[%get3A_361, %get3A_362, %get3A_363] : memref<48x8x1024xf32, #tpu.memory_space<vmem>>, vector<1x8x1024xf32>
    %get3A_365 = vector.shape_cast %get3A_364 : vector<1x8x1024xf32> to vector<8x1024xf32>
    %mul3A_366 = arith.mulf %mul3A_127, %get3A_365 : vector<8x1024xf32>
    %add3A_367 = arith.addf %add3A_360, %mul3A_366 : vector<8x1024xf32>
    %get3A_368 = arith.constant 37 : index
    %get3A_369 = arith.constant 0 : index
    %get3A_370 = arith.constant 0 : index
    %get3A_371 = vector.load %arg2[%get3A_368, %get3A_369, %get3A_370] : memref<48x8x1024xf32, #tpu.memory_space<vmem>>, vector<1x8x1024xf32>
    %get3A_372 = vector.shape_cast %get3A_371 : vector<1x8x1024xf32> to vector<8x1024xf32>
    %mul3A_373 = arith.mulf %mul3A_142, %get3A_372 : vector<8x1024xf32>
    %add3A_374 = arith.addf %add3A_367, %mul3A_373 : vector<8x1024xf32>
    %get3A_375 = arith.constant 40 : index
    %get3A_376 = arith.constant 0 : index
    %get3A_377 = arith.constant 0 : index
    %get3A_378 = vector.load %arg2[%get3A_375, %get3A_376, %get3A_377] : memref<48x8x1024xf32, #tpu.memory_space<vmem>>, vector<1x8x1024xf32>
    %get3A_379 = vector.shape_cast %get3A_378 : vector<1x8x1024xf32> to vector<8x1024xf32>
    %mul3A_380 = arith.mulf %mul3A_151, %get3A_379 : vector<8x1024xf32>
    %add3A_381 = arith.addf %add3A_374, %mul3A_380 : vector<8x1024xf32>
    %get3A_382 = arith.constant 43 : index
    %get3A_383 = arith.constant 0 : index
    %get3A_384 = arith.constant 0 : index
    %get3A_385 = vector.load %arg2[%get3A_382, %get3A_383, %get3A_384] : memref<48x8x1024xf32, #tpu.memory_space<vmem>>, vector<1x8x1024xf32>
    %get3A_386 = vector.shape_cast %get3A_385 : vector<1x8x1024xf32> to vector<8x1024xf32>
    %mul3A_387 = arith.mulf %mul3A_156, %get3A_386 : vector<8x1024xf32>
    %add3A_388 = arith.addf %add3A_381, %mul3A_387 : vector<8x1024xf32>
    %get3A_389 = arith.constant 46 : index
    %get3A_390 = arith.constant 0 : index
    %get3A_391 = arith.constant 0 : index
    %get3A_392 = vector.load %arg2[%get3A_389, %get3A_390, %get3A_391] : memref<48x8x1024xf32, #tpu.memory_space<vmem>>, vector<1x8x1024xf32>
    %get3A_393 = vector.shape_cast %get3A_392 : vector<1x8x1024xf32> to vector<8x1024xf32>
    %mul3A_394 = arith.mulf %mul3A_164, %get3A_393 : vector<8x1024xf32>
    %add3A_395 = arith.addf %add3A_388, %mul3A_394 : vector<8x1024xf32>
    %add3A_396 = arith.constant 5.000000e-01 : f32
    %add3A_397 = vector.broadcast %add3A_396 : f32 to vector<8x1024xf32>
    %add3A_398 = arith.addf %add3A_395, %add3A_397 : vector<8x1024xf32>
    %max3A_399 = arith.constant 0.000000e+00 : f32
    %max3A_400 = vector.broadcast %max3A_399 : f32 to vector<8x1024xf32>
    %max3A_401 = arith.maximumf %add3A_398, %max3A_400 : vector<8x1024xf32>
    %get3A_402 = arith.constant 2 : index
    %get3A_403 = arith.constant 0 : index
    %get3A_404 = arith.constant 0 : index
    %get3A_405 = vector.load %arg2[%get3A_402, %get3A_403, %get3A_404] : memref<48x8x1024xf32, #tpu.memory_space<vmem>>, vector<1x8x1024xf32>
    %get3A_406 = vector.shape_cast %get3A_405 : vector<1x8x1024xf32> to vector<8x1024xf32>
    %mul3A_407 = arith.constant 0.282094806 : f32
    %mul3A_408 = vector.broadcast %mul3A_407 : f32 to vector<8x1024xf32>
    %mul3A_409 = arith.mulf %mul3A_408, %get3A_406 : vector<8x1024xf32>
    %get3A_410 = arith.constant 5 : index
    %get3A_411 = arith.constant 0 : index
    %get3A_412 = arith.constant 0 : index
    %get3A_413 = vector.load %arg2[%get3A_410, %get3A_411, %get3A_412] : memref<48x8x1024xf32, #tpu.memory_space<vmem>>, vector<1x8x1024xf32>
    %get3A_414 = vector.shape_cast %get3A_413 : vector<1x8x1024xf32> to vector<8x1024xf32>
    %mul3A_415 = arith.mulf %mul3A_79, %get3A_414 : vector<8x1024xf32>
    %add3A_416 = arith.addf %mul3A_409, %mul3A_415 : vector<8x1024xf32>
    %get3A_417 = arith.constant 8 : index
    %get3A_418 = arith.constant 0 : index
    %get3A_419 = arith.constant 0 : index
    %get3A_420 = vector.load %arg2[%get3A_417, %get3A_418, %get3A_419] : memref<48x8x1024xf32, #tpu.memory_space<vmem>>, vector<1x8x1024xf32>
    %get3A_421 = vector.shape_cast %get3A_420 : vector<1x8x1024xf32> to vector<8x1024xf32>
    %mul3A_422 = arith.mulf %mul3A_82, %get3A_421 : vector<8x1024xf32>
    %add3A_423 = arith.addf %add3A_416, %mul3A_422 : vector<8x1024xf32>
    %get3A_424 = arith.constant 11 : index
    %get3A_425 = arith.constant 0 : index
    %get3A_426 = arith.constant 0 : index
    %get3A_427 = vector.load %arg2[%get3A_424, %get3A_425, %get3A_426] : memref<48x8x1024xf32, #tpu.memory_space<vmem>>, vector<1x8x1024xf32>
    %get3A_428 = vector.shape_cast %get3A_427 : vector<1x8x1024xf32> to vector<8x1024xf32>
    %mul3A_429 = arith.mulf %mul3A_85, %get3A_428 : vector<8x1024xf32>
    %add3A_430 = arith.addf %add3A_423, %mul3A_429 : vector<8x1024xf32>
    %get3A_431 = arith.constant 14 : index
    %get3A_432 = arith.constant 0 : index
    %get3A_433 = arith.constant 0 : index
    %get3A_434 = vector.load %arg2[%get3A_431, %get3A_432, %get3A_433] : memref<48x8x1024xf32, #tpu.memory_space<vmem>>, vector<1x8x1024xf32>
    %get3A_435 = vector.shape_cast %get3A_434 : vector<1x8x1024xf32> to vector<8x1024xf32>
    %mul3A_436 = arith.mulf %mul3A_88, %get3A_435 : vector<8x1024xf32>
    %add3A_437 = arith.addf %add3A_430, %mul3A_436 : vector<8x1024xf32>
    %get3A_438 = arith.constant 17 : index
    %get3A_439 = arith.constant 0 : index
    %get3A_440 = arith.constant 0 : index
    %get3A_441 = vector.load %arg2[%get3A_438, %get3A_439, %get3A_440] : memref<48x8x1024xf32, #tpu.memory_space<vmem>>, vector<1x8x1024xf32>
    %get3A_442 = vector.shape_cast %get3A_441 : vector<1x8x1024xf32> to vector<8x1024xf32>
    %mul3A_443 = arith.mulf %mul3A_91, %get3A_442 : vector<8x1024xf32>
    %add3A_444 = arith.addf %add3A_437, %mul3A_443 : vector<8x1024xf32>
    %get3A_445 = arith.constant 20 : index
    %get3A_446 = arith.constant 0 : index
    %get3A_447 = arith.constant 0 : index
    %get3A_448 = vector.load %arg2[%get3A_445, %get3A_446, %get3A_447] : memref<48x8x1024xf32, #tpu.memory_space<vmem>>, vector<1x8x1024xf32>
    %get3A_449 = vector.shape_cast %get3A_448 : vector<1x8x1024xf32> to vector<8x1024xf32>
    %mul3A_450 = arith.mulf %mul3A_99, %get3A_449 : vector<8x1024xf32>
    %add3A_451 = arith.addf %add3A_444, %mul3A_450 : vector<8x1024xf32>
    %get3A_452 = arith.constant 23 : index
    %get3A_453 = arith.constant 0 : index
    %get3A_454 = arith.constant 0 : index
    %get3A_455 = vector.load %arg2[%get3A_452, %get3A_453, %get3A_454] : memref<48x8x1024xf32, #tpu.memory_space<vmem>>, vector<1x8x1024xf32>
    %get3A_456 = vector.shape_cast %get3A_455 : vector<1x8x1024xf32> to vector<8x1024xf32>
    %mul3A_457 = arith.mulf %mul3A_102, %get3A_456 : vector<8x1024xf32>
    %add3A_458 = arith.addf %add3A_451, %mul3A_457 : vector<8x1024xf32>
    %get3A_459 = arith.constant 26 : index
    %get3A_460 = arith.constant 0 : index
    %get3A_461 = arith.constant 0 : index
    %get3A_462 = vector.load %arg2[%get3A_459, %get3A_460, %get3A_461] : memref<48x8x1024xf32, #tpu.memory_space<vmem>>, vector<1x8x1024xf32>
    %get3A_463 = vector.shape_cast %get3A_462 : vector<1x8x1024xf32> to vector<8x1024xf32>
    %mul3A_464 = arith.mulf %mul3A_106, %get3A_463 : vector<8x1024xf32>
    %add3A_465 = arith.addf %add3A_458, %mul3A_464 : vector<8x1024xf32>
    %get3A_466 = arith.constant 29 : index
    %get3A_467 = arith.constant 0 : index
    %get3A_468 = arith.constant 0 : index
    %get3A_469 = vector.load %arg2[%get3A_466, %get3A_467, %get3A_468] : memref<48x8x1024xf32, #tpu.memory_space<vmem>>, vector<1x8x1024xf32>
    %get3A_470 = vector.shape_cast %get3A_469 : vector<1x8x1024xf32> to vector<8x1024xf32>
    %mul3A_471 = arith.mulf %mul3A_114, %get3A_470 : vector<8x1024xf32>
    %add3A_472 = arith.addf %add3A_465, %mul3A_471 : vector<8x1024xf32>
    %get3A_473 = arith.constant 32 : index
    %get3A_474 = arith.constant 0 : index
    %get3A_475 = arith.constant 0 : index
    %get3A_476 = vector.load %arg2[%get3A_473, %get3A_474, %get3A_475] : memref<48x8x1024xf32, #tpu.memory_space<vmem>>, vector<1x8x1024xf32>
    %get3A_477 = vector.shape_cast %get3A_476 : vector<1x8x1024xf32> to vector<8x1024xf32>
    %mul3A_478 = arith.mulf %mul3A_118, %get3A_477 : vector<8x1024xf32>
    %add3A_479 = arith.addf %add3A_472, %mul3A_478 : vector<8x1024xf32>
    %get3A_480 = arith.constant 35 : index
    %get3A_481 = arith.constant 0 : index
    %get3A_482 = arith.constant 0 : index
    %get3A_483 = vector.load %arg2[%get3A_480, %get3A_481, %get3A_482] : memref<48x8x1024xf32, #tpu.memory_space<vmem>>, vector<1x8x1024xf32>
    %get3A_484 = vector.shape_cast %get3A_483 : vector<1x8x1024xf32> to vector<8x1024xf32>
    %mul3A_485 = arith.mulf %mul3A_127, %get3A_484 : vector<8x1024xf32>
    %add3A_486 = arith.addf %add3A_479, %mul3A_485 : vector<8x1024xf32>
    %get3A_487 = arith.constant 38 : index
    %get3A_488 = arith.constant 0 : index
    %get3A_489 = arith.constant 0 : index
    %get3A_490 = vector.load %arg2[%get3A_487, %get3A_488, %get3A_489] : memref<48x8x1024xf32, #tpu.memory_space<vmem>>, vector<1x8x1024xf32>
    %get3A_491 = vector.shape_cast %get3A_490 : vector<1x8x1024xf32> to vector<8x1024xf32>
    %mul3A_492 = arith.mulf %mul3A_142, %get3A_491 : vector<8x1024xf32>
    %add3A_493 = arith.addf %add3A_486, %mul3A_492 : vector<8x1024xf32>
    %get3A_494 = arith.constant 41 : index
    %get3A_495 = arith.constant 0 : index
    %get3A_496 = arith.constant 0 : index
    %get3A_497 = vector.load %arg2[%get3A_494, %get3A_495, %get3A_496] : memref<48x8x1024xf32, #tpu.memory_space<vmem>>, vector<1x8x1024xf32>
    %get3A_498 = vector.shape_cast %get3A_497 : vector<1x8x1024xf32> to vector<8x1024xf32>
    %mul3A_499 = arith.mulf %mul3A_151, %get3A_498 : vector<8x1024xf32>
    %add3A_500 = arith.addf %add3A_493, %mul3A_499 : vector<8x1024xf32>
    %get3A_501 = arith.constant 44 : index
    %get3A_502 = arith.constant 0 : index
    %get3A_503 = arith.constant 0 : index
    %get3A_504 = vector.load %arg2[%get3A_501, %get3A_502, %get3A_503] : memref<48x8x1024xf32, #tpu.memory_space<vmem>>, vector<1x8x1024xf32>
    %get3A_505 = vector.shape_cast %get3A_504 : vector<1x8x1024xf32> to vector<8x1024xf32>
    %mul3A_506 = arith.mulf %mul3A_156, %get3A_505 : vector<8x1024xf32>
    %add3A_507 = arith.addf %add3A_500, %mul3A_506 : vector<8x1024xf32>
    %get3A_508 = arith.constant 47 : index
    %get3A_509 = arith.constant 0 : index
    %get3A_510 = arith.constant 0 : index
    %get3A_511 = vector.load %arg2[%get3A_508, %get3A_509, %get3A_510] : memref<48x8x1024xf32, #tpu.memory_space<vmem>>, vector<1x8x1024xf32>
    %get3A_512 = vector.shape_cast %get3A_511 : vector<1x8x1024xf32> to vector<8x1024xf32>
    %mul3A_513 = arith.mulf %mul3A_164, %get3A_512 : vector<8x1024xf32>
    %add3A_514 = arith.addf %add3A_507, %mul3A_513 : vector<8x1024xf32>
    %add3A_515 = arith.constant 5.000000e-01 : f32
    %add3A_516 = vector.broadcast %add3A_515 : f32 to vector<8x1024xf32>
    %add3A_517 = arith.addf %add3A_514, %add3A_516 : vector<8x1024xf32>
    %max3A_518 = arith.constant 0.000000e+00 : f32
    %max3A_519 = vector.broadcast %max3A_518 : f32 to vector<8x1024xf32>
    %max3A_520 = arith.maximumf %add3A_517, %max3A_519 : vector<8x1024xf32>
    %add3A_521 = arith.addf %get3A_13, %get3A_23 : vector<8x1024xf32>
    %mul3A_522 = arith.constant 5.000000e-01 : f32
    %mul3A_523 = vector.broadcast %mul3A_522 : f32 to vector<8x1024xf32>
    %mul3A_524 = arith.mulf %mul3A_523, %add3A_521 : vector<8x1024xf32>
    %mul3A_525 = arith.mulf %get3A_13, %get3A_23 : vector<8x1024xf32>
    %mul3A_526 = arith.mulf %get3A_18, %get3A_18 : vector<8x1024xf32>
    %sub3A_527 = arith.subf %mul3A_525, %mul3A_526 : vector<8x1024xf32>
    %mul3A_528 = arith.mulf %mul3A_524, %mul3A_524 : vector<8x1024xf32>
    %sub3A_529 = arith.subf %mul3A_528, %sub3A_527 : vector<8x1024xf32>
    %max3A_530 = arith.constant 0.000000e+00 : f32
    %max3A_531 = vector.broadcast %max3A_530 : f32 to vector<8x1024xf32>
    %max3A_532 = arith.maximumf %sub3A_529, %max3A_531 : vector<8x1024xf32>
    %sqrt3A_533 = math.sqrt %max3A_532 : vector<8x1024xf32>
    %sub3A_534 = arith.subf %mul3A_524, %sqrt3A_533 : vector<8x1024xf32>
    %max3A_535 = arith.constant 1.000000e-30 : f32
    %max3A_536 = vector.broadcast %max3A_535 : f32 to vector<8x1024xf32>
    %max3A_537 = arith.maximumf %get3A_28, %max3A_536 : vector<8x1024xf32>
    %mul3A_538 = arith.constant 2.550000e+02 : f32
    %mul3A_539 = vector.broadcast %mul3A_538 : f32 to vector<8x1024xf32>
    %mul3A_540 = arith.mulf %mul3A_539, %max3A_537 : vector<8x1024xf32>
    %log3A = math.log %mul3A_540 : vector<8x1024xf32>
    %mul3A_541 = arith.constant 2.000000e+00 : f32
    %mul3A_542 = vector.broadcast %mul3A_541 : f32 to vector<8x1024xf32>
    %mul3A_543 = arith.mulf %mul3A_542, %log3A : vector<8x1024xf32>
    %max3A_544 = arith.constant 0.000000e+00 : f32
    %max3A_545 = vector.broadcast %max3A_544 : f32 to vector<8x1024xf32>
    %max3A_546 = arith.maximumf %mul3A_543, %max3A_545 : vector<8x1024xf32>
    %max3A_547 = arith.constant 1.000000e-30 : f32
    %max3A_548 = vector.broadcast %max3A_547 : f32 to vector<8x1024xf32>
    %max3A_549 = arith.maximumf %sub3A_534, %max3A_548 : vector<8x1024xf32>
    %div3A_550 = arith.divf %max3A_546, %max3A_549 : vector<8x1024xf32>
    %sqrt3A_551 = math.sqrt %div3A_550 : vector<8x1024xf32>
    %mul3A_552 = arith.constant 1.001000e+00 : f32
    %mul3A_553 = vector.broadcast %mul3A_552 : f32 to vector<8x1024xf32>
    %mul3A_554 = arith.mulf %sqrt3A_551, %mul3A_553 : vector<8x1024xf32>
    %add3A_555 = arith.constant 1.000000e-01 : f32
    %add3A_556 = vector.broadcast %add3A_555 : f32 to vector<8x1024xf32>
    %add3A_557 = arith.addf %mul3A_554, %add3A_556 : vector<8x1024xf32>
    %gt3A = arith.constant 0.000000e+00 : f32
    %gt3A_558 = vector.broadcast %gt3A : f32 to vector<8x1024xf32>
    %gt3A_559 = arith.cmpf ogt, %get3A_28, %gt3A_558 : vector<8x1024xf32>
    %gt3A_560 = arith.constant 0.000000e+00 : f32
    %gt3A_561 = vector.broadcast %gt3A_560 : f32 to vector<8x1024xf32>
    %gt3A_562 = arith.cmpf ogt, %mul3A_543, %gt3A_561 : vector<8x1024xf32>
    %and3A = arith.andi %gt3A_559, %gt3A_562 : vector<8x1024xi1>
    %gt3A_563 = arith.constant 0.000000e+00 : f32
    %gt3A_564 = vector.broadcast %gt3A_563 : f32 to vector<8x1024xf32>
    %gt3A_565 = arith.cmpf ogt, %sub3A_534, %gt3A_564 : vector<8x1024xf32>
    %and3A_566 = arith.andi %and3A, %gt3A_565 : vector<8x1024xi1>
    %le3A = arith.constant 1.600000e+01 : f32
    %le3A_567 = vector.broadcast %le3A : f32 to vector<8x1024xf32>
    %le3A_568 = arith.cmpf ole, %add3A_557, %le3A_567 : vector<8x1024xf32>
    %not3A = arith.constant dense<true> : vector<8x1024xi1>
    %not3A_569 = arith.xori %le3A_568, %not3A : vector<8x1024xi1>
    %and3A_570 = arith.andi %and3A_566, %not3A_569 : vector<8x1024xi1>
    %jit3A = arith.constant 1.000000e+00 : f32
    %jit3A_571 = arith.constant 0.000000e+00 : f32
    %broadcast_in_dim3A = vector.broadcast %jit3A : f32 to vector<8x1024xf32>
    %broadcast_in_dim3A_572 = vector.broadcast %jit3A_571 : f32 to vector<8x1024xf32>
    %select_n3A = arith.select %and3A_570, %broadcast_in_dim3A, %broadcast_in_dim3A_572 : vector<8x1024xi1>, vector<8x1024xf32>
    %sub3A_573 = arith.subf %get3A_3, %add3A_557 : vector<8x1024xf32>
    %mul3A_574 = arith.constant 6.250000e-02 : f32
    %mul3A_575 = vector.broadcast %mul3A_574 : f32 to vector<8x1024xf32>
    %mul3A_576 = arith.mulf %sub3A_573, %mul3A_575 : vector<8x1024xf32>
    %floor3A = math.floor %mul3A_576 : vector<8x1024xf32>
    %jit3A_577 = arith.constant 0.000000e+00 : f32
    %jit3A_578 = arith.constant 7.000000e+00 : f32
    %max3A_579 = vector.broadcast %jit3A_577 : f32 to vector<8x1024xf32>
    %max3A_580 = arith.maximumf %max3A_579, %floor3A : vector<8x1024xf32>
    %min3A = vector.broadcast %jit3A_578 : f32 to vector<8x1024xf32>
    %min3A_581 = arith.minimumf %min3A, %max3A_580 : vector<8x1024xf32>
    %add3A_582 = arith.addf %get3A_3, %add3A_557 : vector<8x1024xf32>
    %mul3A_583 = arith.constant 6.250000e-02 : f32
    %mul3A_584 = vector.broadcast %mul3A_583 : f32 to vector<8x1024xf32>
    %mul3A_585 = arith.mulf %add3A_582, %mul3A_584 : vector<8x1024xf32>
    %floor3A_586 = math.floor %mul3A_585 : vector<8x1024xf32>
    %jit3A_587 = arith.constant 0.000000e+00 : f32
    %jit3A_588 = arith.constant 7.000000e+00 : f32
    %max3A_589 = vector.broadcast %jit3A_587 : f32 to vector<8x1024xf32>
    %max3A_590 = arith.maximumf %max3A_589, %floor3A_586 : vector<8x1024xf32>
    %min3A_591 = vector.broadcast %jit3A_588 : f32 to vector<8x1024xf32>
    %min3A_592 = arith.minimumf %min3A_591, %max3A_590 : vector<8x1024xf32>
    %sub3A_593 = arith.subf %get3A_8, %add3A_557 : vector<8x1024xf32>
    %mul3A_594 = arith.constant 6.250000e-02 : f32
    %mul3A_595 = vector.broadcast %mul3A_594 : f32 to vector<8x1024xf32>
    %mul3A_596 = arith.mulf %sub3A_593, %mul3A_595 : vector<8x1024xf32>
    %floor3A_597 = math.floor %mul3A_596 : vector<8x1024xf32>
    %jit3A_598 = arith.constant 0.000000e+00 : f32
    %jit3A_599 = arith.constant 7.000000e+00 : f32
    %max3A_600 = vector.broadcast %jit3A_598 : f32 to vector<8x1024xf32>
    %max3A_601 = arith.maximumf %max3A_600, %floor3A_597 : vector<8x1024xf32>
    %min3A_602 = vector.broadcast %jit3A_599 : f32 to vector<8x1024xf32>
    %min3A_603 = arith.minimumf %min3A_602, %max3A_601 : vector<8x1024xf32>
    %add3A_604 = arith.addf %get3A_8, %add3A_557 : vector<8x1024xf32>
    %mul3A_605 = arith.constant 6.250000e-02 : f32
    %mul3A_606 = vector.broadcast %mul3A_605 : f32 to vector<8x1024xf32>
    %mul3A_607 = arith.mulf %add3A_604, %mul3A_606 : vector<8x1024xf32>
    %floor3A_608 = math.floor %mul3A_607 : vector<8x1024xf32>
    %jit3A_609 = arith.constant 0.000000e+00 : f32
    %jit3A_610 = arith.constant 7.000000e+00 : f32
    %max3A_611 = vector.broadcast %jit3A_609 : f32 to vector<8x1024xf32>
    %max3A_612 = arith.maximumf %max3A_611, %floor3A_608 : vector<8x1024xf32>
    %min3A_613 = vector.broadcast %jit3A_610 : f32 to vector<8x1024xf32>
    %min3A_614 = arith.minimumf %min3A_613, %max3A_612 : vector<8x1024xf32>
    %broadcast_in_dim3A_615 = arith.constant 1.000000e+00 : f32
    %broadcast_in_dim3A_616 = vector.broadcast %broadcast_in_dim3A_615 : f32 to vector<8x1024xf32>
    %jit3A_617 = arith.constant 1.000000e+00 : f32
    %jit3A_618 = arith.constant 0.000000e+00 : f32
    %broadcast_in_dim3A_619 = vector.broadcast %jit3A_617 : f32 to vector<8x1024xf32>
    %broadcast_in_dim3A_620 = vector.broadcast %jit3A_618 : f32 to vector<8x1024xf32>
    %select_n3A_621 = arith.select %and3A_566, %broadcast_in_dim3A_619, %broadcast_in_dim3A_620 : vector<8x1024xi1>, vector<8x1024xf32>
    %swap3A = arith.constant 0 : index
    %swap3A_622 = arith.constant 0 : index
    %swap3A_623 = arith.constant 0 : index
    %swap3A_624 = vector.load %arg4[%swap3A, %swap3A_622, %swap3A_623] : memref<16x8x1024xf32, #tpu.memory_space<vmem>>, vector<1x8x1024xf32>
    %swap3A_625 = vector.shape_cast %swap3A_624 : vector<1x8x1024xf32> to vector<8x1024xf32>
    %swap3A_626 = vector.shape_cast %get3A_3 : vector<8x1024xf32> to vector<1x8x1024xf32>
    tpu.vector_store %arg4[%swap3A, %swap3A_622, %swap3A_623], %swap3A_626 {strides = array<i32>} : memref<16x8x1024xf32, #tpu.memory_space<vmem>>, vector<1x8x1024xf32>,
    %swap3A_627 = arith.constant 1 : index
    %swap3A_628 = arith.constant 0 : index
    %swap3A_629 = arith.constant 0 : index
    %swap3A_630 = vector.load %arg4[%swap3A_627, %swap3A_628, %swap3A_629] : memref<16x8x1024xf32, #tpu.memory_space<vmem>>, vector<1x8x1024xf32>
    %swap3A_631 = vector.shape_cast %swap3A_630 : vector<1x8x1024xf32> to vector<8x1024xf32>
    %swap3A_632 = vector.shape_cast %get3A_8 : vector<8x1024xf32> to vector<1x8x1024xf32>
    tpu.vector_store %arg4[%swap3A_627, %swap3A_628, %swap3A_629], %swap3A_632 {strides = array<i32>} : memref<16x8x1024xf32, #tpu.memory_space<vmem>>, vector<1x8x1024xf32>,
    %swap3A_633 = arith.constant 2 : index
    %swap3A_634 = arith.constant 0 : index
    %swap3A_635 = arith.constant 0 : index
    %swap3A_636 = vector.load %arg4[%swap3A_633, %swap3A_634, %swap3A_635] : memref<16x8x1024xf32, #tpu.memory_space<vmem>>, vector<1x8x1024xf32>
    %swap3A_637 = vector.shape_cast %swap3A_636 : vector<1x8x1024xf32> to vector<8x1024xf32>
    %swap3A_638 = vector.shape_cast %get3A_13 : vector<8x1024xf32> to vector<1x8x1024xf32>
    tpu.vector_store %arg4[%swap3A_633, %swap3A_634, %swap3A_635], %swap3A_638 {strides = array<i32>} : memref<16x8x1024xf32, #tpu.memory_space<vmem>>, vector<1x8x1024xf32>,
    %swap3A_639 = arith.constant 3 : index
    %swap3A_640 = arith.constant 0 : index
    %swap3A_641 = arith.constant 0 : index
    %swap3A_642 = vector.load %arg4[%swap3A_639, %swap3A_640, %swap3A_641] : memref<16x8x1024xf32, #tpu.memory_space<vmem>>, vector<1x8x1024xf32>
    %swap3A_643 = vector.shape_cast %swap3A_642 : vector<1x8x1024xf32> to vector<8x1024xf32>
    %swap3A_644 = vector.shape_cast %get3A_18 : vector<8x1024xf32> to vector<1x8x1024xf32>
    tpu.vector_store %arg4[%swap3A_639, %swap3A_640, %swap3A_641], %swap3A_644 {strides = array<i32>} : memref<16x8x1024xf32, #tpu.memory_space<vmem>>, vector<1x8x1024xf32>,
    %swap3A_645 = arith.constant 4 : index
    %swap3A_646 = arith.constant 0 : index
    %swap3A_647 = arith.constant 0 : index
    %swap3A_648 = vector.load %arg4[%swap3A_645, %swap3A_646, %swap3A_647] : memref<16x8x1024xf32, #tpu.memory_space<vmem>>, vector<1x8x1024xf32>
    %swap3A_649 = vector.shape_cast %swap3A_648 : vector<1x8x1024xf32> to vector<8x1024xf32>
    %swap3A_650 = vector.shape_cast %get3A_23 : vector<8x1024xf32> to vector<1x8x1024xf32>
    tpu.vector_store %arg4[%swap3A_645, %swap3A_646, %swap3A_647], %swap3A_650 {strides = array<i32>} : memref<16x8x1024xf32, #tpu.memory_space<vmem>>, vector<1x8x1024xf32>,
    %swap3A_651 = arith.constant 5 : index
    %swap3A_652 = arith.constant 0 : index
    %swap3A_653 = arith.constant 0 : index
    %swap3A_654 = vector.load %arg4[%swap3A_651, %swap3A_652, %swap3A_653] : memref<16x8x1024xf32, #tpu.memory_space<vmem>>, vector<1x8x1024xf32>
    %swap3A_655 = vector.shape_cast %swap3A_654 : vector<1x8x1024xf32> to vector<8x1024xf32>
    %swap3A_656 = vector.shape_cast %get3A_28 : vector<8x1024xf32> to vector<1x8x1024xf32>
    tpu.vector_store %arg4[%swap3A_651, %swap3A_652, %swap3A_653], %swap3A_656 {strides = array<i32>} : memref<16x8x1024xf32, #tpu.memory_space<vmem>>, vector<1x8x1024xf32>,
    %swap3A_657 = arith.constant 6 : index
    %swap3A_658 = arith.constant 0 : index
    %swap3A_659 = arith.constant 0 : index
    %swap3A_660 = vector.load %arg4[%swap3A_657, %swap3A_658, %swap3A_659] : memref<16x8x1024xf32, #tpu.memory_space<vmem>>, vector<1x8x1024xf32>
    %swap3A_661 = vector.shape_cast %swap3A_660 : vector<1x8x1024xf32> to vector<8x1024xf32>
    %swap3A_662 = vector.shape_cast %max3A_282 : vector<8x1024xf32> to vector<1x8x1024xf32>
    tpu.vector_store %arg4[%swap3A_657, %swap3A_658, %swap3A_659], %swap3A_662 {strides = array<i32>} : memref<16x8x1024xf32, #tpu.memory_space<vmem>>, vector<1x8x1024xf32>,
    %swap3A_663 = arith.constant 7 : index
    %swap3A_664 = arith.constant 0 : index
    %swap3A_665 = arith.constant 0 : index
    %swap3A_666 = vector.load %arg4[%swap3A_663, %swap3A_664, %swap3A_665] : memref<16x8x1024xf32, #tpu.memory_space<vmem>>, vector<1x8x1024xf32>
    %swap3A_667 = vector.shape_cast %swap3A_666 : vector<1x8x1024xf32> to vector<8x1024xf32>
    %swap3A_668 = vector.shape_cast %max3A_401 : vector<8x1024xf32> to vector<1x8x1024xf32>
    tpu.vector_store %arg4[%swap3A_663, %swap3A_664, %swap3A_665], %swap3A_668 {strides = array<i32>} : memref<16x8x1024xf32, #tpu.memory_space<vmem>>, vector<1x8x1024xf32>,
    %swap3A_669 = arith.constant 8 : index
    %swap3A_670 = arith.constant 0 : index
    %swap3A_671 = arith.constant 0 : index
    %swap3A_672 = vector.load %arg4[%swap3A_669, %swap3A_670, %swap3A_671] : memref<16x8x1024xf32, #tpu.memory_space<vmem>>, vector<1x8x1024xf32>
    %swap3A_673 = vector.shape_cast %swap3A_672 : vector<1x8x1024xf32> to vector<8x1024xf32>
    %swap3A_674 = vector.shape_cast %max3A_520 : vector<8x1024xf32> to vector<1x8x1024xf32>
    tpu.vector_store %arg4[%swap3A_669, %swap3A_670, %swap3A_671], %swap3A_674 {strides = array<i32>} : memref<16x8x1024xf32, #tpu.memory_space<vmem>>, vector<1x8x1024xf32>,
    %swap3A_675 = arith.constant 9 : index
    %swap3A_676 = arith.constant 0 : index
    %swap3A_677 = arith.constant 0 : index
    %swap3A_678 = vector.load %arg4[%swap3A_675, %swap3A_676, %swap3A_677] : memref<16x8x1024xf32, #tpu.memory_space<vmem>>, vector<1x8x1024xf32>
    %swap3A_679 = vector.shape_cast %swap3A_678 : vector<1x8x1024xf32> to vector<8x1024xf32>
    %swap3A_680 = vector.shape_cast %get3A_33 : vector<8x1024xf32> to vector<1x8x1024xf32>
    tpu.vector_store %arg4[%swap3A_675, %swap3A_676, %swap3A_677], %swap3A_680 {strides = array<i32>} : memref<16x8x1024xf32, #tpu.memory_space<vmem>>, vector<1x8x1024xf32>,
    %swap3A_681 = arith.constant 10 : index
    %swap3A_682 = arith.constant 0 : index
    %swap3A_683 = arith.constant 0 : index
    %swap3A_684 = vector.load %arg4[%swap3A_681, %swap3A_682, %swap3A_683] : memref<16x8x1024xf32, #tpu.memory_space<vmem>>, vector<1x8x1024xf32>
    %swap3A_685 = vector.shape_cast %swap3A_684 : vector<1x8x1024xf32> to vector<8x1024xf32>
    %swap3A_686 = vector.shape_cast %broadcast_in_dim3A_616 : vector<8x1024xf32> to vector<1x8x1024xf32>
    tpu.vector_store %arg4[%swap3A_681, %swap3A_682, %swap3A_683], %swap3A_686 {strides = array<i32>} : memref<16x8x1024xf32, #tpu.memory_space<vmem>>, vector<1x8x1024xf32>,
    %swap3A_687 = arith.constant 11 : index
    %swap3A_688 = arith.constant 0 : index
    %swap3A_689 = arith.constant 0 : index
    %swap3A_690 = vector.load %arg4[%swap3A_687, %swap3A_688, %swap3A_689] : memref<16x8x1024xf32, #tpu.memory_space<vmem>>, vector<1x8x1024xf32>
    %swap3A_691 = vector.shape_cast %swap3A_690 : vector<1x8x1024xf32> to vector<8x1024xf32>
    %swap3A_692 = vector.shape_cast %min3A_581 : vector<8x1024xf32> to vector<1x8x1024xf32>
    tpu.vector_store %arg4[%swap3A_687, %swap3A_688, %swap3A_689], %swap3A_692 {strides = array<i32>} : memref<16x8x1024xf32, #tpu.memory_space<vmem>>, vector<1x8x1024xf32>,
    %swap3A_693 = arith.constant 12 : index
    %swap3A_694 = arith.constant 0 : index
    %swap3A_695 = arith.constant 0 : index
    %swap3A_696 = vector.load %arg4[%swap3A_693, %swap3A_694, %swap3A_695] : memref<16x8x1024xf32, #tpu.memory_space<vmem>>, vector<1x8x1024xf32>
    %swap3A_697 = vector.shape_cast %swap3A_696 : vector<1x8x1024xf32> to vector<8x1024xf32>
    %swap3A_698 = vector.shape_cast %min3A_592 : vector<8x1024xf32> to vector<1x8x1024xf32>
    tpu.vector_store %arg4[%swap3A_693, %swap3A_694, %swap3A_695], %swap3A_698 {strides = array<i32>} : memref<16x8x1024xf32, #tpu.memory_space<vmem>>, vector<1x8x1024xf32>,
    %swap3A_699 = arith.constant 13 : index
    %swap3A_700 = arith.constant 0 : index
    %swap3A_701 = arith.constant 0 : index
    %swap3A_702 = vector.load %arg4[%swap3A_699, %swap3A_700, %swap3A_701] : memref<16x8x1024xf32, #tpu.memory_space<vmem>>, vector<1x8x1024xf32>
    %swap3A_703 = vector.shape_cast %swap3A_702 : vector<1x8x1024xf32> to vector<8x1024xf32>
    %swap3A_704 = vector.shape_cast %min3A_603 : vector<8x1024xf32> to vector<1x8x1024xf32>
    tpu.vector_store %arg4[%swap3A_699, %swap3A_700, %swap3A_701], %swap3A_704 {strides = array<i32>} : memref<16x8x1024xf32, #tpu.memory_space<vmem>>, vector<1x8x1024xf32>,
    %swap3A_705 = arith.constant 14 : index
    %swap3A_706 = arith.constant 0 : index
    %swap3A_707 = arith.constant 0 : index
    %swap3A_708 = vector.load %arg4[%swap3A_705, %swap3A_706, %swap3A_707] : memref<16x8x1024xf32, #tpu.memory_space<vmem>>, vector<1x8x1024xf32>
    %swap3A_709 = vector.shape_cast %swap3A_708 : vector<1x8x1024xf32> to vector<8x1024xf32>
    %swap3A_710 = vector.shape_cast %min3A_614 : vector<8x1024xf32> to vector<1x8x1024xf32>
    tpu.vector_store %arg4[%swap3A_705, %swap3A_706, %swap3A_707], %swap3A_710 {strides = array<i32>} : memref<16x8x1024xf32, #tpu.memory_space<vmem>>, vector<1x8x1024xf32>,
    %swap3A_711 = arith.constant 15 : index
    %swap3A_712 = arith.constant 0 : index
    %swap3A_713 = arith.constant 0 : index
    %swap3A_714 = vector.load %arg4[%swap3A_711, %swap3A_712, %swap3A_713] : memref<16x8x1024xf32, #tpu.memory_space<vmem>>, vector<1x8x1024xf32>
    %swap3A_715 = vector.shape_cast %swap3A_714 : vector<1x8x1024xf32> to vector<8x1024xf32>
    %swap3A_716 = vector.shape_cast %select_n3A_621 : vector<8x1024xf32> to vector<1x8x1024xf32>
    tpu.vector_store %arg4[%swap3A_711, %swap3A_712, %swap3A_713], %swap3A_716 {strides = array<i32>} : memref<16x8x1024xf32, #tpu.memory_space<vmem>>, vector<1x8x1024xf32>,
    %swap3A_717 = arith.constant 0 : index
    %swap3A_718 = arith.constant 0 : index
    %swap3A_719 = arith.constant 0 : index
    %swap3A_720 = vector.load %arg5[%swap3A_717, %swap3A_718, %swap3A_719] : memref<1x8x1024xf32, #tpu.memory_space<vmem>>, vector<1x8x1024xf32>
    %swap3A_721 = vector.shape_cast %swap3A_720 : vector<1x8x1024xf32> to vector<8x1024xf32>
    %swap3A_722 = vector.shape_cast %select_n3A : vector<8x1024xf32> to vector<1x8x1024xf32>
    tpu.vector_store %arg5[%swap3A_717, %swap3A_718, %swap3A_719], %swap3A_722 {strides = array<i32>} : memref<1x8x1024xf32, #tpu.memory_space<vmem>>, vector<1x8x1024xf32>,
    return
  }
}

module attributes {stable_mosaic.version = 14 : i64} {
  func.func @_keys_body(%arg0: memref<16x8x1024xf32, #tpu.memory_space<vmem>>, %arg1: memref<9x8x1024xi32, #tpu.memory_space<vmem>>) attributes {dimension_semantics = [], scalar_prefetch = 0 : i64, scratch_operands = 0 : i64, tpu.core_type = #tpu.core_type<tc>} {
    %get3A = arith.constant 11 : index
    %get3A_0 = arith.constant 0 : index
    %get3A_1 = arith.constant 0 : index
    %get3A_2 = vector.load %arg0[%get3A, %get3A_0, %get3A_1] : memref<16x8x1024xf32, #tpu.memory_space<vmem>>, vector<1x8x1024xf32>
    %get3A_3 = vector.shape_cast %get3A_2 : vector<1x8x1024xf32> to vector<8x1024xf32>
    %get3A_4 = arith.constant 12 : index
    %get3A_5 = arith.constant 0 : index
    %get3A_6 = arith.constant 0 : index
    %get3A_7 = vector.load %arg0[%get3A_4, %get3A_5, %get3A_6] : memref<16x8x1024xf32, #tpu.memory_space<vmem>>, vector<1x8x1024xf32>
    %get3A_8 = vector.shape_cast %get3A_7 : vector<1x8x1024xf32> to vector<8x1024xf32>
    %get3A_9 = arith.constant 13 : index
    %get3A_10 = arith.constant 0 : index
    %get3A_11 = arith.constant 0 : index
    %get3A_12 = vector.load %arg0[%get3A_9, %get3A_10, %get3A_11] : memref<16x8x1024xf32, #tpu.memory_space<vmem>>, vector<1x8x1024xf32>
    %get3A_13 = vector.shape_cast %get3A_12 : vector<1x8x1024xf32> to vector<8x1024xf32>
    %get3A_14 = arith.constant 14 : index
    %get3A_15 = arith.constant 0 : index
    %get3A_16 = arith.constant 0 : index
    %get3A_17 = vector.load %arg0[%get3A_14, %get3A_15, %get3A_16] : memref<16x8x1024xf32, #tpu.memory_space<vmem>>, vector<1x8x1024xf32>
    %get3A_18 = vector.shape_cast %get3A_17 : vector<1x8x1024xf32> to vector<8x1024xf32>
    %get3A_19 = arith.constant 15 : index
    %get3A_20 = arith.constant 0 : index
    %get3A_21 = arith.constant 0 : index
    %get3A_22 = vector.load %arg0[%get3A_19, %get3A_20, %get3A_21] : memref<16x8x1024xf32, #tpu.memory_space<vmem>>, vector<1x8x1024xf32>
    %get3A_23 = vector.shape_cast %get3A_22 : vector<1x8x1024xf32> to vector<8x1024xf32>
    %gt3A = arith.constant 5.000000e-01 : f32
    %gt3A_24 = vector.broadcast %gt3A : f32 to vector<8x1024xf32>
    %gt3A_25 = arith.cmpf ogt, %get3A_23, %gt3A_24 : vector<8x1024xf32>
    %iota3A = tpu.iota {dimensions = array<i32: 0>} : vector<8x1024xi32>
    %mul3A = arith.constant 1024 : i32
    %mul3A_26 = vector.broadcast %mul3A : i32 to vector<8x1024xi32>
    %mul3A_27 = arith.muli %iota3A, %mul3A_26 : vector<8x1024xi32>
    %iota3A_28 = tpu.iota {dimensions = array<i32: 1>} : vector<8x1024xi32>
    %add3A = arith.addi %mul3A_27, %iota3A_28 : vector<8x1024xi32>
    %add3A_29 = arith.constant 0.000000e+00 : f32
    %add3A_30 = vector.broadcast %add3A_29 : f32 to vector<8x1024xf32>
    %add3A_31 = arith.addf %get3A_3, %add3A_30 : vector<8x1024xf32>
    %add3A_32 = arith.constant 0.000000e+00 : f32
    %add3A_33 = vector.broadcast %add3A_32 : f32 to vector<8x1024xf32>
    %add3A_34 = arith.addf %get3A_13, %add3A_33 : vector<8x1024xf32>
    %le3A = arith.cmpf ole, %add3A_31, %get3A_8 : vector<8x1024xf32>
    %and3A = arith.andi %gt3A_25, %le3A : vector<8x1024xi1>
    %le3A_35 = arith.cmpf ole, %add3A_34, %get3A_18 : vector<8x1024xf32>
    %and3A_36 = arith.andi %and3A, %le3A_35 : vector<8x1024xi1>
    %mul3A_37 = arith.constant 8.000000e+00 : f32
    %mul3A_38 = vector.broadcast %mul3A_37 : f32 to vector<8x1024xf32>
    %mul3A_39 = arith.mulf %add3A_34, %mul3A_38 : vector<8x1024xf32>
    %add3A_40 = arith.addf %mul3A_39, %add3A_31 : vector<8x1024xf32>
    %convert_element_type3A = arith.fptosi %add3A_40 : vector<8x1024xf32> to vector<8x1024xi32>
    %shift_left3A = arith.constant 13 : i32
    %shift_left3A_41 = vector.broadcast %shift_left3A : i32 to vector<8x1024xi32>
    %shift_left3A_42 = arith.shli %convert_element_type3A, %shift_left3A_41 : vector<8x1024xi32>
    %or3A = arith.ori %shift_left3A_42, %add3A : vector<8x1024xi32>
    %jit3A = arith.constant 524288 : i32
    %broadcast_in_dim3A = vector.broadcast %jit3A : i32 to vector<8x1024xi32>
    %select_n3A = arith.select %and3A_36, %or3A, %broadcast_in_dim3A : vector<8x1024xi1>, vector<8x1024xi32>
    %swap3A = arith.constant 0 : index
    %swap3A_43 = arith.constant 0 : index
    %swap3A_44 = arith.constant 0 : index
    %swap3A_45 = vector.load %arg1[%swap3A, %swap3A_43, %swap3A_44] : memref<9x8x1024xi32, #tpu.memory_space<vmem>>, vector<1x8x1024xi32>
    %swap3A_46 = vector.shape_cast %swap3A_45 : vector<1x8x1024xi32> to vector<8x1024xi32>
    %swap3A_47 = vector.shape_cast %select_n3A : vector<8x1024xi32> to vector<1x8x1024xi32>
    tpu.vector_store %arg1[%swap3A, %swap3A_43, %swap3A_44], %swap3A_47 {strides = array<i32>} : memref<9x8x1024xi32, #tpu.memory_space<vmem>>, vector<1x8x1024xi32>,
    %add3A_48 = arith.constant 1.000000e+00 : f32
    %add3A_49 = vector.broadcast %add3A_48 : f32 to vector<8x1024xf32>
    %add3A_50 = arith.addf %get3A_3, %add3A_49 : vector<8x1024xf32>
    %add3A_51 = arith.constant 0.000000e+00 : f32
    %add3A_52 = vector.broadcast %add3A_51 : f32 to vector<8x1024xf32>
    %add3A_53 = arith.addf %get3A_13, %add3A_52 : vector<8x1024xf32>
    %le3A_54 = arith.cmpf ole, %add3A_50, %get3A_8 : vector<8x1024xf32>
    %and3A_55 = arith.andi %gt3A_25, %le3A_54 : vector<8x1024xi1>
    %le3A_56 = arith.cmpf ole, %add3A_53, %get3A_18 : vector<8x1024xf32>
    %and3A_57 = arith.andi %and3A_55, %le3A_56 : vector<8x1024xi1>
    %mul3A_58 = arith.constant 8.000000e+00 : f32
    %mul3A_59 = vector.broadcast %mul3A_58 : f32 to vector<8x1024xf32>
    %mul3A_60 = arith.mulf %add3A_53, %mul3A_59 : vector<8x1024xf32>
    %add3A_61 = arith.addf %mul3A_60, %add3A_50 : vector<8x1024xf32>
    %convert_element_type3A_62 = arith.fptosi %add3A_61 : vector<8x1024xf32> to vector<8x1024xi32>
    %shift_left3A_63 = arith.constant 13 : i32
    %shift_left3A_64 = vector.broadcast %shift_left3A_63 : i32 to vector<8x1024xi32>
    %shift_left3A_65 = arith.shli %convert_element_type3A_62, %shift_left3A_64 : vector<8x1024xi32>
    %or3A_66 = arith.ori %shift_left3A_65, %add3A : vector<8x1024xi32>
    %jit3A_67 = arith.constant 524288 : i32
    %broadcast_in_dim3A_68 = vector.broadcast %jit3A_67 : i32 to vector<8x1024xi32>
    %select_n3A_69 = arith.select %and3A_57, %or3A_66, %broadcast_in_dim3A_68 : vector<8x1024xi1>, vector<8x1024xi32>
    %swap3A_70 = arith.constant 1 : index
    %swap3A_71 = arith.constant 0 : index
    %swap3A_72 = arith.constant 0 : index
    %swap3A_73 = vector.load %arg1[%swap3A_70, %swap3A_71, %swap3A_72] : memref<9x8x1024xi32, #tpu.memory_space<vmem>>, vector<1x8x1024xi32>
    %swap3A_74 = vector.shape_cast %swap3A_73 : vector<1x8x1024xi32> to vector<8x1024xi32>
    %swap3A_75 = vector.shape_cast %select_n3A_69 : vector<8x1024xi32> to vector<1x8x1024xi32>
    tpu.vector_store %arg1[%swap3A_70, %swap3A_71, %swap3A_72], %swap3A_75 {strides = array<i32>} : memref<9x8x1024xi32, #tpu.memory_space<vmem>>, vector<1x8x1024xi32>,
    %add3A_76 = arith.constant 2.000000e+00 : f32
    %add3A_77 = vector.broadcast %add3A_76 : f32 to vector<8x1024xf32>
    %add3A_78 = arith.addf %get3A_3, %add3A_77 : vector<8x1024xf32>
    %add3A_79 = arith.constant 0.000000e+00 : f32
    %add3A_80 = vector.broadcast %add3A_79 : f32 to vector<8x1024xf32>
    %add3A_81 = arith.addf %get3A_13, %add3A_80 : vector<8x1024xf32>
    %le3A_82 = arith.cmpf ole, %add3A_78, %get3A_8 : vector<8x1024xf32>
    %and3A_83 = arith.andi %gt3A_25, %le3A_82 : vector<8x1024xi1>
    %le3A_84 = arith.cmpf ole, %add3A_81, %get3A_18 : vector<8x1024xf32>
    %and3A_85 = arith.andi %and3A_83, %le3A_84 : vector<8x1024xi1>
    %mul3A_86 = arith.constant 8.000000e+00 : f32
    %mul3A_87 = vector.broadcast %mul3A_86 : f32 to vector<8x1024xf32>
    %mul3A_88 = arith.mulf %add3A_81, %mul3A_87 : vector<8x1024xf32>
    %add3A_89 = arith.addf %mul3A_88, %add3A_78 : vector<8x1024xf32>
    %convert_element_type3A_90 = arith.fptosi %add3A_89 : vector<8x1024xf32> to vector<8x1024xi32>
    %shift_left3A_91 = arith.constant 13 : i32
    %shift_left3A_92 = vector.broadcast %shift_left3A_91 : i32 to vector<8x1024xi32>
    %shift_left3A_93 = arith.shli %convert_element_type3A_90, %shift_left3A_92 : vector<8x1024xi32>
    %or3A_94 = arith.ori %shift_left3A_93, %add3A : vector<8x1024xi32>
    %jit3A_95 = arith.constant 524288 : i32
    %broadcast_in_dim3A_96 = vector.broadcast %jit3A_95 : i32 to vector<8x1024xi32>
    %select_n3A_97 = arith.select %and3A_85, %or3A_94, %broadcast_in_dim3A_96 : vector<8x1024xi1>, vector<8x1024xi32>
    %swap3A_98 = arith.constant 2 : index
    %swap3A_99 = arith.constant 0 : index
    %swap3A_100 = arith.constant 0 : index
    %swap3A_101 = vector.load %arg1[%swap3A_98, %swap3A_99, %swap3A_100] : memref<9x8x1024xi32, #tpu.memory_space<vmem>>, vector<1x8x1024xi32>
    %swap3A_102 = vector.shape_cast %swap3A_101 : vector<1x8x1024xi32> to vector<8x1024xi32>
    %swap3A_103 = vector.shape_cast %select_n3A_97 : vector<8x1024xi32> to vector<1x8x1024xi32>
    tpu.vector_store %arg1[%swap3A_98, %swap3A_99, %swap3A_100], %swap3A_103 {strides = array<i32>} : memref<9x8x1024xi32, #tpu.memory_space<vmem>>, vector<1x8x1024xi32>,
    %add3A_104 = arith.constant 0.000000e+00 : f32
    %add3A_105 = vector.broadcast %add3A_104 : f32 to vector<8x1024xf32>
    %add3A_106 = arith.addf %get3A_3, %add3A_105 : vector<8x1024xf32>
    %add3A_107 = arith.constant 1.000000e+00 : f32
    %add3A_108 = vector.broadcast %add3A_107 : f32 to vector<8x1024xf32>
    %add3A_109 = arith.addf %get3A_13, %add3A_108 : vector<8x1024xf32>
    %le3A_110 = arith.cmpf ole, %add3A_106, %get3A_8 : vector<8x1024xf32>
    %and3A_111 = arith.andi %gt3A_25, %le3A_110 : vector<8x1024xi1>
    %le3A_112 = arith.cmpf ole, %add3A_109, %get3A_18 : vector<8x1024xf32>
    %and3A_113 = arith.andi %and3A_111, %le3A_112 : vector<8x1024xi1>
    %mul3A_114 = arith.constant 8.000000e+00 : f32
    %mul3A_115 = vector.broadcast %mul3A_114 : f32 to vector<8x1024xf32>
    %mul3A_116 = arith.mulf %add3A_109, %mul3A_115 : vector<8x1024xf32>
    %add3A_117 = arith.addf %mul3A_116, %add3A_106 : vector<8x1024xf32>
    %convert_element_type3A_118 = arith.fptosi %add3A_117 : vector<8x1024xf32> to vector<8x1024xi32>
    %shift_left3A_119 = arith.constant 13 : i32
    %shift_left3A_120 = vector.broadcast %shift_left3A_119 : i32 to vector<8x1024xi32>
    %shift_left3A_121 = arith.shli %convert_element_type3A_118, %shift_left3A_120 : vector<8x1024xi32>
    %or3A_122 = arith.ori %shift_left3A_121, %add3A : vector<8x1024xi32>
    %jit3A_123 = arith.constant 524288 : i32
    %broadcast_in_dim3A_124 = vector.broadcast %jit3A_123 : i32 to vector<8x1024xi32>
    %select_n3A_125 = arith.select %and3A_113, %or3A_122, %broadcast_in_dim3A_124 : vector<8x1024xi1>, vector<8x1024xi32>
    %swap3A_126 = arith.constant 3 : index
    %swap3A_127 = arith.constant 0 : index
    %swap3A_128 = arith.constant 0 : index
    %swap3A_129 = vector.load %arg1[%swap3A_126, %swap3A_127, %swap3A_128] : memref<9x8x1024xi32, #tpu.memory_space<vmem>>, vector<1x8x1024xi32>
    %swap3A_130 = vector.shape_cast %swap3A_129 : vector<1x8x1024xi32> to vector<8x1024xi32>
    %swap3A_131 = vector.shape_cast %select_n3A_125 : vector<8x1024xi32> to vector<1x8x1024xi32>
    tpu.vector_store %arg1[%swap3A_126, %swap3A_127, %swap3A_128], %swap3A_131 {strides = array<i32>} : memref<9x8x1024xi32, #tpu.memory_space<vmem>>, vector<1x8x1024xi32>,
    %add3A_132 = arith.constant 1.000000e+00 : f32
    %add3A_133 = vector.broadcast %add3A_132 : f32 to vector<8x1024xf32>
    %add3A_134 = arith.addf %get3A_3, %add3A_133 : vector<8x1024xf32>
    %add3A_135 = arith.constant 1.000000e+00 : f32
    %add3A_136 = vector.broadcast %add3A_135 : f32 to vector<8x1024xf32>
    %add3A_137 = arith.addf %get3A_13, %add3A_136 : vector<8x1024xf32>
    %le3A_138 = arith.cmpf ole, %add3A_134, %get3A_8 : vector<8x1024xf32>
    %and3A_139 = arith.andi %gt3A_25, %le3A_138 : vector<8x1024xi1>
    %le3A_140 = arith.cmpf ole, %add3A_137, %get3A_18 : vector<8x1024xf32>
    %and3A_141 = arith.andi %and3A_139, %le3A_140 : vector<8x1024xi1>
    %mul3A_142 = arith.constant 8.000000e+00 : f32
    %mul3A_143 = vector.broadcast %mul3A_142 : f32 to vector<8x1024xf32>
    %mul3A_144 = arith.mulf %add3A_137, %mul3A_143 : vector<8x1024xf32>
    %add3A_145 = arith.addf %mul3A_144, %add3A_134 : vector<8x1024xf32>
    %convert_element_type3A_146 = arith.fptosi %add3A_145 : vector<8x1024xf32> to vector<8x1024xi32>
    %shift_left3A_147 = arith.constant 13 : i32
    %shift_left3A_148 = vector.broadcast %shift_left3A_147 : i32 to vector<8x1024xi32>
    %shift_left3A_149 = arith.shli %convert_element_type3A_146, %shift_left3A_148 : vector<8x1024xi32>
    %or3A_150 = arith.ori %shift_left3A_149, %add3A : vector<8x1024xi32>
    %jit3A_151 = arith.constant 524288 : i32
    %broadcast_in_dim3A_152 = vector.broadcast %jit3A_151 : i32 to vector<8x1024xi32>
    %select_n3A_153 = arith.select %and3A_141, %or3A_150, %broadcast_in_dim3A_152 : vector<8x1024xi1>, vector<8x1024xi32>
    %swap3A_154 = arith.constant 4 : index
    %swap3A_155 = arith.constant 0 : index
    %swap3A_156 = arith.constant 0 : index
    %swap3A_157 = vector.load %arg1[%swap3A_154, %swap3A_155, %swap3A_156] : memref<9x8x1024xi32, #tpu.memory_space<vmem>>, vector<1x8x1024xi32>
    %swap3A_158 = vector.shape_cast %swap3A_157 : vector<1x8x1024xi32> to vector<8x1024xi32>
    %swap3A_159 = vector.shape_cast %select_n3A_153 : vector<8x1024xi32> to vector<1x8x1024xi32>
    tpu.vector_store %arg1[%swap3A_154, %swap3A_155, %swap3A_156], %swap3A_159 {strides = array<i32>} : memref<9x8x1024xi32, #tpu.memory_space<vmem>>, vector<1x8x1024xi32>,
    %add3A_160 = arith.constant 2.000000e+00 : f32
    %add3A_161 = vector.broadcast %add3A_160 : f32 to vector<8x1024xf32>
    %add3A_162 = arith.addf %get3A_3, %add3A_161 : vector<8x1024xf32>
    %add3A_163 = arith.constant 1.000000e+00 : f32
    %add3A_164 = vector.broadcast %add3A_163 : f32 to vector<8x1024xf32>
    %add3A_165 = arith.addf %get3A_13, %add3A_164 : vector<8x1024xf32>
    %le3A_166 = arith.cmpf ole, %add3A_162, %get3A_8 : vector<8x1024xf32>
    %and3A_167 = arith.andi %gt3A_25, %le3A_166 : vector<8x1024xi1>
    %le3A_168 = arith.cmpf ole, %add3A_165, %get3A_18 : vector<8x1024xf32>
    %and3A_169 = arith.andi %and3A_167, %le3A_168 : vector<8x1024xi1>
    %mul3A_170 = arith.constant 8.000000e+00 : f32
    %mul3A_171 = vector.broadcast %mul3A_170 : f32 to vector<8x1024xf32>
    %mul3A_172 = arith.mulf %add3A_165, %mul3A_171 : vector<8x1024xf32>
    %add3A_173 = arith.addf %mul3A_172, %add3A_162 : vector<8x1024xf32>
    %convert_element_type3A_174 = arith.fptosi %add3A_173 : vector<8x1024xf32> to vector<8x1024xi32>
    %shift_left3A_175 = arith.constant 13 : i32
    %shift_left3A_176 = vector.broadcast %shift_left3A_175 : i32 to vector<8x1024xi32>
    %shift_left3A_177 = arith.shli %convert_element_type3A_174, %shift_left3A_176 : vector<8x1024xi32>
    %or3A_178 = arith.ori %shift_left3A_177, %add3A : vector<8x1024xi32>
    %jit3A_179 = arith.constant 524288 : i32
    %broadcast_in_dim3A_180 = vector.broadcast %jit3A_179 : i32 to vector<8x1024xi32>
    %select_n3A_181 = arith.select %and3A_169, %or3A_178, %broadcast_in_dim3A_180 : vector<8x1024xi1>, vector<8x1024xi32>
    %swap3A_182 = arith.constant 5 : index
    %swap3A_183 = arith.constant 0 : index
    %swap3A_184 = arith.constant 0 : index
    %swap3A_185 = vector.load %arg1[%swap3A_182, %swap3A_183, %swap3A_184] : memref<9x8x1024xi32, #tpu.memory_space<vmem>>, vector<1x8x1024xi32>
    %swap3A_186 = vector.shape_cast %swap3A_185 : vector<1x8x1024xi32> to vector<8x1024xi32>
    %swap3A_187 = vector.shape_cast %select_n3A_181 : vector<8x1024xi32> to vector<1x8x1024xi32>
    tpu.vector_store %arg1[%swap3A_182, %swap3A_183, %swap3A_184], %swap3A_187 {strides = array<i32>} : memref<9x8x1024xi32, #tpu.memory_space<vmem>>, vector<1x8x1024xi32>,
    %add3A_188 = arith.constant 0.000000e+00 : f32
    %add3A_189 = vector.broadcast %add3A_188 : f32 to vector<8x1024xf32>
    %add3A_190 = arith.addf %get3A_3, %add3A_189 : vector<8x1024xf32>
    %add3A_191 = arith.constant 2.000000e+00 : f32
    %add3A_192 = vector.broadcast %add3A_191 : f32 to vector<8x1024xf32>
    %add3A_193 = arith.addf %get3A_13, %add3A_192 : vector<8x1024xf32>
    %le3A_194 = arith.cmpf ole, %add3A_190, %get3A_8 : vector<8x1024xf32>
    %and3A_195 = arith.andi %gt3A_25, %le3A_194 : vector<8x1024xi1>
    %le3A_196 = arith.cmpf ole, %add3A_193, %get3A_18 : vector<8x1024xf32>
    %and3A_197 = arith.andi %and3A_195, %le3A_196 : vector<8x1024xi1>
    %mul3A_198 = arith.constant 8.000000e+00 : f32
    %mul3A_199 = vector.broadcast %mul3A_198 : f32 to vector<8x1024xf32>
    %mul3A_200 = arith.mulf %add3A_193, %mul3A_199 : vector<8x1024xf32>
    %add3A_201 = arith.addf %mul3A_200, %add3A_190 : vector<8x1024xf32>
    %convert_element_type3A_202 = arith.fptosi %add3A_201 : vector<8x1024xf32> to vector<8x1024xi32>
    %shift_left3A_203 = arith.constant 13 : i32
    %shift_left3A_204 = vector.broadcast %shift_left3A_203 : i32 to vector<8x1024xi32>
    %shift_left3A_205 = arith.shli %convert_element_type3A_202, %shift_left3A_204 : vector<8x1024xi32>
    %or3A_206 = arith.ori %shift_left3A_205, %add3A : vector<8x1024xi32>
    %jit3A_207 = arith.constant 524288 : i32
    %broadcast_in_dim3A_208 = vector.broadcast %jit3A_207 : i32 to vector<8x1024xi32>
    %select_n3A_209 = arith.select %and3A_197, %or3A_206, %broadcast_in_dim3A_208 : vector<8x1024xi1>, vector<8x1024xi32>
    %swap3A_210 = arith.constant 6 : index
    %swap3A_211 = arith.constant 0 : index
    %swap3A_212 = arith.constant 0 : index
    %swap3A_213 = vector.load %arg1[%swap3A_210, %swap3A_211, %swap3A_212] : memref<9x8x1024xi32, #tpu.memory_space<vmem>>, vector<1x8x1024xi32>
    %swap3A_214 = vector.shape_cast %swap3A_213 : vector<1x8x1024xi32> to vector<8x1024xi32>
    %swap3A_215 = vector.shape_cast %select_n3A_209 : vector<8x1024xi32> to vector<1x8x1024xi32>
    tpu.vector_store %arg1[%swap3A_210, %swap3A_211, %swap3A_212], %swap3A_215 {strides = array<i32>} : memref<9x8x1024xi32, #tpu.memory_space<vmem>>, vector<1x8x1024xi32>,
    %add3A_216 = arith.constant 1.000000e+00 : f32
    %add3A_217 = vector.broadcast %add3A_216 : f32 to vector<8x1024xf32>
    %add3A_218 = arith.addf %get3A_3, %add3A_217 : vector<8x1024xf32>
    %add3A_219 = arith.constant 2.000000e+00 : f32
    %add3A_220 = vector.broadcast %add3A_219 : f32 to vector<8x1024xf32>
    %add3A_221 = arith.addf %get3A_13, %add3A_220 : vector<8x1024xf32>
    %le3A_222 = arith.cmpf ole, %add3A_218, %get3A_8 : vector<8x1024xf32>
    %and3A_223 = arith.andi %gt3A_25, %le3A_222 : vector<8x1024xi1>
    %le3A_224 = arith.cmpf ole, %add3A_221, %get3A_18 : vector<8x1024xf32>
    %and3A_225 = arith.andi %and3A_223, %le3A_224 : vector<8x1024xi1>
    %mul3A_226 = arith.constant 8.000000e+00 : f32
    %mul3A_227 = vector.broadcast %mul3A_226 : f32 to vector<8x1024xf32>
    %mul3A_228 = arith.mulf %add3A_221, %mul3A_227 : vector<8x1024xf32>
    %add3A_229 = arith.addf %mul3A_228, %add3A_218 : vector<8x1024xf32>
    %convert_element_type3A_230 = arith.fptosi %add3A_229 : vector<8x1024xf32> to vector<8x1024xi32>
    %shift_left3A_231 = arith.constant 13 : i32
    %shift_left3A_232 = vector.broadcast %shift_left3A_231 : i32 to vector<8x1024xi32>
    %shift_left3A_233 = arith.shli %convert_element_type3A_230, %shift_left3A_232 : vector<8x1024xi32>
    %or3A_234 = arith.ori %shift_left3A_233, %add3A : vector<8x1024xi32>
    %jit3A_235 = arith.constant 524288 : i32
    %broadcast_in_dim3A_236 = vector.broadcast %jit3A_235 : i32 to vector<8x1024xi32>
    %select_n3A_237 = arith.select %and3A_225, %or3A_234, %broadcast_in_dim3A_236 : vector<8x1024xi1>, vector<8x1024xi32>
    %swap3A_238 = arith.constant 7 : index
    %swap3A_239 = arith.constant 0 : index
    %swap3A_240 = arith.constant 0 : index
    %swap3A_241 = vector.load %arg1[%swap3A_238, %swap3A_239, %swap3A_240] : memref<9x8x1024xi32, #tpu.memory_space<vmem>>, vector<1x8x1024xi32>
    %swap3A_242 = vector.shape_cast %swap3A_241 : vector<1x8x1024xi32> to vector<8x1024xi32>
    %swap3A_243 = vector.shape_cast %select_n3A_237 : vector<8x1024xi32> to vector<1x8x1024xi32>
    tpu.vector_store %arg1[%swap3A_238, %swap3A_239, %swap3A_240], %swap3A_243 {strides = array<i32>} : memref<9x8x1024xi32, #tpu.memory_space<vmem>>, vector<1x8x1024xi32>,
    %add3A_244 = arith.constant 2.000000e+00 : f32
    %add3A_245 = vector.broadcast %add3A_244 : f32 to vector<8x1024xf32>
    %add3A_246 = arith.addf %get3A_3, %add3A_245 : vector<8x1024xf32>
    %add3A_247 = arith.constant 2.000000e+00 : f32
    %add3A_248 = vector.broadcast %add3A_247 : f32 to vector<8x1024xf32>
    %add3A_249 = arith.addf %get3A_13, %add3A_248 : vector<8x1024xf32>
    %le3A_250 = arith.cmpf ole, %add3A_246, %get3A_8 : vector<8x1024xf32>
    %and3A_251 = arith.andi %gt3A_25, %le3A_250 : vector<8x1024xi1>
    %le3A_252 = arith.cmpf ole, %add3A_249, %get3A_18 : vector<8x1024xf32>
    %and3A_253 = arith.andi %and3A_251, %le3A_252 : vector<8x1024xi1>
    %mul3A_254 = arith.constant 8.000000e+00 : f32
    %mul3A_255 = vector.broadcast %mul3A_254 : f32 to vector<8x1024xf32>
    %mul3A_256 = arith.mulf %add3A_249, %mul3A_255 : vector<8x1024xf32>
    %add3A_257 = arith.addf %mul3A_256, %add3A_246 : vector<8x1024xf32>
    %convert_element_type3A_258 = arith.fptosi %add3A_257 : vector<8x1024xf32> to vector<8x1024xi32>
    %shift_left3A_259 = arith.constant 13 : i32
    %shift_left3A_260 = vector.broadcast %shift_left3A_259 : i32 to vector<8x1024xi32>
    %shift_left3A_261 = arith.shli %convert_element_type3A_258, %shift_left3A_260 : vector<8x1024xi32>
    %or3A_262 = arith.ori %shift_left3A_261, %add3A : vector<8x1024xi32>
    %jit3A_263 = arith.constant 524288 : i32
    %broadcast_in_dim3A_264 = vector.broadcast %jit3A_263 : i32 to vector<8x1024xi32>
    %select_n3A_265 = arith.select %and3A_253, %or3A_262, %broadcast_in_dim3A_264 : vector<8x1024xi1>, vector<8x1024xi32>
    %swap3A_266 = arith.constant 8 : index
    %swap3A_267 = arith.constant 0 : index
    %swap3A_268 = arith.constant 0 : index
    %swap3A_269 = vector.load %arg1[%swap3A_266, %swap3A_267, %swap3A_268] : memref<9x8x1024xi32, #tpu.memory_space<vmem>>, vector<1x8x1024xi32>
    %swap3A_270 = vector.shape_cast %swap3A_269 : vector<1x8x1024xi32> to vector<8x1024xi32>
    %swap3A_271 = vector.shape_cast %select_n3A_265 : vector<8x1024xi32> to vector<1x8x1024xi32>
    tpu.vector_store %arg1[%swap3A_266, %swap3A_267, %swap3A_268], %swap3A_271 {strides = array<i32>} : memref<9x8x1024xi32, #tpu.memory_space<vmem>>, vector<1x8x1024xi32>,
    return
  }
}

module attributes {stable_mosaic.version = 14 : i64} {
  func.func @_composite_body(%arg0: i32, %arg1: memref<8x8192xf32, #tpu.memory_space<vmem>>, %arg2: memref<8192x8xf32, #tpu.memory_space<vmem>>, %arg3: memref<512x8xf32, #tpu.memory_space<vmem>>) attributes {dimension_semantics = [#tpu.dimension_semantics<arbitrary>], iteration_bounds = array<i64: 32>, scalar_prefetch = 0 : i64, scratch_operands = 0 : i64, tpu.core_type = #tpu.core_type<tc>, window_params = [{pipeline_mode = #tpu.pipeline_mode<synchronous>, transform_indices = @transform_0, window_bounds = array<i64: 8, 8192>}, {pipeline_mode = #tpu.pipeline_mode<synchronous>, transform_indices = @transform_1, window_bounds = array<i64: 8192, 8>}, {transform_indices = @transform_2, window_bounds = array<i64: 512, 8>}]} {
    %mul3A = arith.constant 512 : i32
    %mul3A_0 = arith.muli %arg0, %mul3A : i32
    %iota3A = tpu.iota {dimensions = array<i32: 0>} : vector<512x1xi32>
    %add3A = vector.broadcast %mul3A_0 : i32 to vector<512x1xi32>
    %add3A_1 = arith.addi %add3A, %iota3A : vector<512x1xi32>
    %jit3A = arith.constant 128 : i32
    %div3A = vector.broadcast %jit3A : i32 to vector<512x1xi32>
    %div3A_2 = arith.divsi %add3A_1, %div3A : vector<512x1xi32>
    %sign3A = arith.constant 0 : i32
    %sign3A_3 = vector.broadcast %sign3A : i32 to vector<512x1xi32>
    %sign3A_4 = arith.cmpi sgt, %add3A_1, %sign3A_3 : vector<512x1xi32>
    %sign3A_5 = arith.extui %sign3A_4 : vector<512x1xi1> to vector<512x1xi32>
    %sign3A_6 = arith.constant 0 : i32
    %sign3A_7 = vector.broadcast %sign3A_6 : i32 to vector<512x1xi32>
    %sign3A_8 = arith.cmpi slt, %add3A_1, %sign3A_7 : vector<512x1xi32>
    %sign3A_9 = arith.extui %sign3A_8 : vector<512x1xi1> to vector<512x1xi32>
    %sign3A_10 = arith.subi %sign3A_5, %sign3A_9 : vector<512x1xi32>
    %sign3A_11 = arith.constant 0 : i32
    %sign3A_12 = arith.cmpi sgt, %jit3A, %sign3A_11 : i32
    %sign3A_13 = arith.extui %sign3A_12 : i1 to i32
    %sign3A_14 = arith.constant 0 : i32
    %sign3A_15 = arith.cmpi slt, %jit3A, %sign3A_14 : i32
    %sign3A_16 = arith.extui %sign3A_15 : i1 to i32
    %sign3A_17 = arith.subi %sign3A_13, %sign3A_16 : i32
    %ne3A = vector.broadcast %sign3A_17 : i32 to vector<512x1xi32>
    %ne3A_18 = arith.cmpi ne, %sign3A_10, %ne3A : vector<512x1xi32>
    %rem3A = vector.broadcast %jit3A : i32 to vector<512x1xi32>
    %rem3A_19 = arith.remsi %add3A_1, %rem3A : vector<512x1xi32>
    %ne3A_20 = arith.constant 0 : i32
    %ne3A_21 = vector.broadcast %ne3A_20 : i32 to vector<512x1xi32>
    %ne3A_22 = arith.cmpi ne, %rem3A_19, %ne3A_21 : vector<512x1xi32>
    %and3A = arith.andi %ne3A_18, %ne3A_22 : vector<512x1xi1>
    %sub3A = arith.constant 1 : i32
    %sub3A_23 = vector.broadcast %sub3A : i32 to vector<512x1xi32>
    %sub3A_24 = arith.subi %div3A_2, %sub3A_23 : vector<512x1xi32>
    %select_n3A = arith.select %and3A, %sub3A_24, %div3A_2 : vector<512x1xi1>, vector<512x1xi32>
    %convert_element_type3A = arith.sitofp %select_n3A : vector<512x1xi32> to vector<512x1xf32>
    %jit3A_25 = arith.constant 128 : i32
    %eq3A = arith.constant 0 : i32
    %eq3A_26 = arith.cmpi eq, %jit3A_25, %eq3A : i32
    %jit3A_27 = arith.constant 1 : i32
    %select_n3A_28 = arith.select %eq3A_26, %jit3A_27, %jit3A_25 : i32
    %rem3A_29 = vector.broadcast %select_n3A_28 : i32 to vector<512x1xi32>
    %rem3A_30 = arith.remsi %add3A_1, %rem3A_29 : vector<512x1xi32>
    %ne3A_31 = arith.constant 0 : i32
    %ne3A_32 = vector.broadcast %ne3A_31 : i32 to vector<512x1xi32>
    %ne3A_33 = arith.cmpi ne, %rem3A_30, %ne3A_32 : vector<512x1xi32>
    %lt3A = arith.constant 0 : i32
    %lt3A_34 = vector.broadcast %lt3A : i32 to vector<512x1xi32>
    %lt3A_35 = arith.cmpi slt, %rem3A_30, %lt3A_34 : vector<512x1xi32>
    %lt3A_36 = arith.constant 0 : i32
    %lt3A_37 = arith.cmpi slt, %select_n3A_28, %lt3A_36 : i32
    %ne3A_38 = vector.broadcast %lt3A_37 : i1 to vector<512x1xi1>
    %ne3A_39 = vector.broadcast %ne3A_38 : vector<512x1xi1> to vector<512x1xi1>
    %ne3A_40 = arith.xori %lt3A_35, %ne3A_39 : vector<512x1xi1>
    %and3A_41 = arith.andi %ne3A_40, %ne3A_33 : vector<512x1xi1>
    %add3A_42 = vector.broadcast %select_n3A_28 : i32 to vector<512x1xi32>
    %add3A_43 = arith.addi %rem3A_30, %add3A_42 : vector<512x1xi32>
    %select_n3A_44 = arith.select %and3A_41, %add3A_43, %rem3A_30 : vector<512x1xi1>, vector<512x1xi32>
    %convert_element_type3A_45 = arith.sitofp %select_n3A_44 : vector<512x1xi32> to vector<512x1xf32>
    %broadcast_in_dim3A = arith.constant 1.000000e+00 : f32
    %broadcast_in_dim3A_46 = vector.broadcast %broadcast_in_dim3A : f32 to vector<512x1xf32>
    %broadcast_in_dim3A_47 = arith.constant 0.000000e+00 : f32
    %broadcast_in_dim3A_48 = vector.broadcast %broadcast_in_dim3A_47 : f32 to vector<512x8xf32>
    %scan3A = arith.constant 0 : i32
    %scan3A_49 = arith.constant 32 : i32
    %scan3A_50 = arith.addi %scan3A, %scan3A_49 : i32
    %scan3A_51 = arith.constant 1 : i32
    %scan3A_52:2 = scf.for %scan3A_56 = %scan3A to %scan3A_50 step %scan3A_51 iter_args(%scan3A_57 = %broadcast_in_dim3A_46, %scan3A_58 = %broadcast_in_dim3A_48) -> (vector<512x1xf32>, vector<512x8xf32>)  : i32 {
      %mul3A_59 = arith.constant 256 : i32
      %mul3A_60 = arith.muli %scan3A_56, %mul3A_59 : i32
      %get3A = arith.constant 0 : index
      %get3A_61 = arith.index_cast %mul3A_60 : i32 to index
      %get3A_62 = vector.load %arg1[%get3A, %get3A_61] : memref<8x8192xf32, #tpu.memory_space<vmem>>, vector<8x256xf32>
      %slice3A = vector.extract_strided_slice %get3A_62 {offsets = [0, 0], sizes = [1, 256], strides = [1, 1]} : vector<8x256xf32> to vector<1x256xf32>
      %slice3A_63 = vector.extract_strided_slice %get3A_62 {offsets = [1, 0], sizes = [1, 256], strides = [1, 1]} : vector<8x256xf32> to vector<1x256xf32>
      %slice3A_64 = vector.extract_strided_slice %get3A_62 {offsets = [2, 0], sizes = [1, 256], strides = [1, 1]} : vector<8x256xf32> to vector<1x256xf32>
      %slice3A_65 = vector.extract_strided_slice %get3A_62 {offsets = [3, 0], sizes = [1, 256], strides = [1, 1]} : vector<8x256xf32> to vector<1x256xf32>
      %slice3A_66 = vector.extract_strided_slice %get3A_62 {offsets = [4, 0], sizes = [1, 256], strides = [1, 1]} : vector<8x256xf32> to vector<1x256xf32>
      %slice3A_67 = vector.extract_strided_slice %get3A_62 {offsets = [5, 0], sizes = [1, 256], strides = [1, 1]} : vector<8x256xf32> to vector<1x256xf32>
      %sub3A_68 = vector.broadcast %slice3A : vector<1x256xf32> to vector<512x256xf32>
      %sub3A_69 = vector.broadcast %convert_element_type3A : vector<512x1xf32> to vector<512x256xf32>
      %sub3A_70 = arith.subf %sub3A_68, %sub3A_69 : vector<512x256xf32>
      %sub3A_71 = vector.broadcast %slice3A_63 : vector<1x256xf32> to vector<512x256xf32>
      %sub3A_72 = vector.broadcast %convert_element_type3A_45 : vector<512x1xf32> to vector<512x256xf32>
      %sub3A_73 = arith.subf %sub3A_71, %sub3A_72 : vector<512x256xf32>
      %mul3A_74 = vector.broadcast %slice3A_64 : vector<1x256xf32> to vector<512x256xf32>
      %mul3A_75 = arith.mulf %mul3A_74, %sub3A_70 : vector<512x256xf32>
      %mul3A_76 = arith.mulf %mul3A_75, %sub3A_70 : vector<512x256xf32>
      %mul3A_77 = vector.broadcast %slice3A_66 : vector<1x256xf32> to vector<512x256xf32>
      %mul3A_78 = arith.mulf %mul3A_77, %sub3A_73 : vector<512x256xf32>
      %mul3A_79 = arith.mulf %mul3A_78, %sub3A_73 : vector<512x256xf32>
      %add3A_80 = arith.addf %mul3A_76, %mul3A_79 : vector<512x256xf32>
      %mul3A_81 = arith.constant -5.000000e-01 : f32
      %mul3A_82 = vector.broadcast %mul3A_81 : f32 to vector<512x256xf32>
      %mul3A_83 = arith.mulf %mul3A_82, %add3A_80 : vector<512x256xf32>
      %mul3A_84 = vector.broadcast %slice3A_65 : vector<1x256xf32> to vector<512x256xf32>
      %mul3A_85 = arith.mulf %mul3A_84, %sub3A_70 : vector<512x256xf32>
      %mul3A_86 = arith.mulf %mul3A_85, %sub3A_73 : vector<512x256xf32>
      %sub3A_87 = arith.subf %mul3A_83, %mul3A_86 : vector<512x256xf32>
      %min3A = arith.constant 0.000000e+00 : f32
      %min3A_88 = vector.broadcast %min3A : f32 to vector<512x256xf32>
      %min3A_89 = arith.minimumf %sub3A_87, %min3A_88 : vector<512x256xf32>
      %exp3A = math.exp %min3A_89 : vector<512x256xf32>
      %mul3A_90 = vector.broadcast %slice3A_67 : vector<1x256xf32> to vector<512x256xf32>
      %mul3A_91 = arith.mulf %mul3A_90, %exp3A : vector<512x256xf32>
      %min3A_92 = arith.constant 9.900000e-01 : f32
      %min3A_93 = vector.broadcast %min3A_92 : f32 to vector<512x256xf32>
      %min3A_94 = arith.minimumf %mul3A_91, %min3A_93 : vector<512x256xf32>
      %gt3A = arith.constant 0.000000e+00 : f32
      %gt3A_95 = vector.broadcast %gt3A : f32 to vector<512x256xf32>
      %gt3A_96 = arith.cmpf ogt, %sub3A_87, %gt3A_95 : vector<512x256xf32>
      %lt3A_97 = arith.constant 0.00392156886 : f32
      %lt3A_98 = vector.broadcast %lt3A_97 : f32 to vector<512x256xf32>
      %lt3A_99 = arith.cmpf olt, %min3A_94, %lt3A_98 : vector<512x256xf32>
      %or3A = arith.ori %gt3A_96, %lt3A_99 : vector<512x256xi1>
      %jit3A_100 = arith.constant 0.000000e+00 : f32
      %broadcast_in_dim3A_101 = vector.broadcast %jit3A_100 : f32 to vector<512x256xf32>
      %select_n3A_102 = arith.select %or3A, %broadcast_in_dim3A_101, %min3A_94 : vector<512x256xi1>, vector<512x256xf32>
      %sub3A_103 = arith.constant 1.000000e+00 : f32
      %sub3A_104 = vector.broadcast %sub3A_103 : f32 to vector<512x256xf32>
      %sub3A_105 = arith.subf %sub3A_104, %select_n3A_102 : vector<512x256xf32>
      %broadcast_in_dim3A_106 = arith.constant 1.000000e+00 : f32
      %broadcast_in_dim3A_107 = vector.broadcast %broadcast_in_dim3A_106 : f32 to vector<512x1xf32>
      %slice3A_108 = vector.extract_strided_slice %sub3A_105 {offsets = [0, 0], sizes = [512, 255], strides = [1, 1]} : vector<512x256xf32> to vector<512x255xf32>
      %concatenate3A = tpu.concatenate %broadcast_in_dim3A_107, %slice3A_108 in 1 : vector<512x1xf32>, vector<512x255xf32> -> vector<512x256xf32>
      %mul3A_109 = arith.mulf %sub3A_105, %concatenate3A : vector<512x256xf32>
      %broadcast_in_dim3A_110 = arith.constant 1.000000e+00 : f32
      %broadcast_in_dim3A_111 = vector.broadcast %broadcast_in_dim3A_110 : f32 to vector<512x2xf32>
      %slice3A_112 = vector.extract_strided_slice %mul3A_109 {offsets = [0, 0], sizes = [512, 254], strides = [1, 1]} : vector<512x256xf32> to vector<512x254xf32>
      %concatenate3A_113 = tpu.concatenate %broadcast_in_dim3A_111, %slice3A_112 in 1 : vector<512x2xf32>, vector<512x254xf32> -> vector<512x256xf32>
      %mul3A_114 = arith.mulf %mul3A_109, %concatenate3A_113 : vector<512x256xf32>
      %broadcast_in_dim3A_115 = arith.constant 1.000000e+00 : f32
      %broadcast_in_dim3A_116 = vector.broadcast %broadcast_in_dim3A_115 : f32 to vector<512x4xf32>
      %slice3A_117 = vector.extract_strided_slice %mul3A_114 {offsets = [0, 0], sizes = [512, 252], strides = [1, 1]} : vector<512x256xf32> to vector<512x252xf32>
      %concatenate3A_118 = tpu.concatenate %broadcast_in_dim3A_116, %slice3A_117 in 1 : vector<512x4xf32>, vector<512x252xf32> -> vector<512x256xf32>
      %mul3A_119 = arith.mulf %mul3A_114, %concatenate3A_118 : vector<512x256xf32>
      %broadcast_in_dim3A_120 = arith.constant 1.000000e+00 : f32
      %broadcast_in_dim3A_121 = vector.broadcast %broadcast_in_dim3A_120 : f32 to vector<512x8xf32>
      %slice3A_122 = vector.extract_strided_slice %mul3A_119 {offsets = [0, 0], sizes = [512, 248], strides = [1, 1]} : vector<512x256xf32> to vector<512x248xf32>
      %concatenate3A_123 = tpu.concatenate %broadcast_in_dim3A_121, %slice3A_122 in 1 : vector<512x8xf32>, vector<512x248xf32> -> vector<512x256xf32>
      %mul3A_124 = arith.mulf %mul3A_119, %concatenate3A_123 : vector<512x256xf32>
      %broadcast_in_dim3A_125 = arith.constant 1.000000e+00 : f32
      %broadcast_in_dim3A_126 = vector.broadcast %broadcast_in_dim3A_125 : f32 to vector<512x16xf32>
      %slice3A_127 = vector.extract_strided_slice %mul3A_124 {offsets = [0, 0], sizes = [512, 240], strides = [1, 1]} : vector<512x256xf32> to vector<512x240xf32>
      %concatenate3A_128 = tpu.concatenate %broadcast_in_dim3A_126, %slice3A_127 in 1 : vector<512x16xf32>, vector<512x240xf32> -> vector<512x256xf32>
      %mul3A_129 = arith.mulf %mul3A_124, %concatenate3A_128 : vector<512x256xf32>
      %broadcast_in_dim3A_130 = arith.constant 1.000000e+00 : f32
      %broadcast_in_dim3A_131 = vector.broadcast %broadcast_in_dim3A_130 : f32 to vector<512x32xf32>
      %slice3A_132 = vector.extract_strided_slice %mul3A_129 {offsets = [0, 0], sizes = [512, 224], strides = [1, 1]} : vector<512x256xf32> to vector<512x224xf32>
      %concatenate3A_133 = tpu.concatenate %broadcast_in_dim3A_131, %slice3A_132 in 1 : vector<512x32xf32>, vector<512x224xf32> -> vector<512x256xf32>
      %mul3A_134 = arith.mulf %mul3A_129, %concatenate3A_133 : vector<512x256xf32>
      %broadcast_in_dim3A_135 = arith.constant 1.000000e+00 : f32
      %broadcast_in_dim3A_136 = vector.broadcast %broadcast_in_dim3A_135 : f32 to vector<512x64xf32>
      %slice3A_137 = vector.extract_strided_slice %mul3A_134 {offsets = [0, 0], sizes = [512, 192], strides = [1, 1]} : vector<512x256xf32> to vector<512x192xf32>
      %concatenate3A_138 = tpu.concatenate %broadcast_in_dim3A_136, %slice3A_137 in 1 : vector<512x64xf32>, vector<512x192xf32> -> vector<512x256xf32>
      %mul3A_139 = arith.mulf %mul3A_134, %concatenate3A_138 : vector<512x256xf32>
      %broadcast_in_dim3A_140 = arith.constant 1.000000e+00 : f32
      %broadcast_in_dim3A_141 = vector.broadcast %broadcast_in_dim3A_140 : f32 to vector<512x128xf32>
      %slice3A_142 = vector.extract_strided_slice %mul3A_139 {offsets = [0, 0], sizes = [512, 128], strides = [1, 1]} : vector<512x256xf32> to vector<512x128xf32>
      %concatenate3A_143 = tpu.concatenate %broadcast_in_dim3A_141, %slice3A_142 in 1 : vector<512x128xf32>, vector<512x128xf32> -> vector<512x256xf32>
      %mul3A_144 = arith.mulf %mul3A_139, %concatenate3A_143 : vector<512x256xf32>
      %broadcast_in_dim3A_145 = arith.constant 1.000000e+00 : f32
      %broadcast_in_dim3A_146 = vector.broadcast %broadcast_in_dim3A_145 : f32 to vector<512x1xf32>
      %slice3A_147 = vector.extract_strided_slice %mul3A_144 {offsets = [0, 0], sizes = [512, 255], strides = [1, 1]} : vector<512x256xf32> to vector<512x255xf32>
      %concatenate3A_148 = tpu.concatenate %broadcast_in_dim3A_146, %slice3A_147 in 1 : vector<512x1xf32>, vector<512x255xf32> -> vector<512x256xf32>
      %mul3A_149 = vector.broadcast %scan3A_57 : vector<512x1xf32> to vector<512x256xf32>
      %mul3A_150 = arith.mulf %mul3A_149, %concatenate3A_148 : vector<512x256xf32>
      %lt3A_151 = arith.constant 9.99999974E-5 : f32
      %lt3A_152 = vector.broadcast %lt3A_151 : f32 to vector<512x256xf32>
      %lt3A_153 = arith.cmpf olt, %mul3A_150, %lt3A_152 : vector<512x256xf32>
      %mul3A_154 = arith.mulf %select_n3A_102, %mul3A_150 : vector<512x256xf32>
      %jit3A_155 = arith.constant 0.000000e+00 : f32
      %broadcast_in_dim3A_156 = vector.broadcast %jit3A_155 : f32 to vector<512x256xf32>
      %select_n3A_157 = arith.select %lt3A_153, %broadcast_in_dim3A_156, %mul3A_154 : vector<512x256xi1>, vector<512x256xf32>
      %mul3A_158 = arith.constant 256 : i32
      %mul3A_159 = arith.muli %scan3A_56, %mul3A_158 : i32
      %get3A_160 = arith.index_cast %mul3A_159 : i32 to index
      %get3A_161 = arith.constant 0 : index
      %get3A_162 = vector.load %arg2[%get3A_160, %get3A_161] : memref<8192x8xf32, #tpu.memory_space<vmem>>, vector<256x8xf32>
      %dot_general3A = arith.constant dense<0.000000e+00> : vector<512x8xf32>
      %dot_general3A_163 = tpu.matmul %select_n3A_157, %get3A_162, %dot_general3A {dimension_numbers = #tpu.dot_dimension_numbers<[1], [0], [0], [1], [0, 0, 1, 1], [], []>, precision = #tpu.contract_precision<fp32>, transpose_lhs_hint = false} : vector<512x256xf32>, vector<256x8xf32>, vector<512x8xf32> -> vector<512x8xf32>
      %add3A_164 = arith.addf %scan3A_58, %dot_general3A_163 : vector<512x8xf32>
      %slice3A_165 = vector.extract_strided_slice %mul3A_144 {offsets = [0, 255], sizes = [512, 1], strides = [1, 1]} : vector<512x256xf32> to vector<512x1xf32>
      %mul3A_166 = arith.mulf %scan3A_57, %slice3A_165 : vector<512x1xf32>
      scf.yield %mul3A_166, %add3A_164 : vector<512x1xf32>, vector<512x8xf32>
    }
    %scan3A_53 = arith.constant 32 : i32
    %swap3A = arith.constant 0 : index
    %swap3A_54 = arith.constant 0 : index
    %swap3A_55 = vector.load %arg3[%swap3A, %swap3A_54] : memref<512x8xf32, #tpu.memory_space<vmem>>, vector<512x8xf32>
    tpu.vector_store %arg3[%swap3A, %swap3A_54], %scan3A_52#1 {strides = array<i32>} : memref<512x8xf32, #tpu.memory_space<vmem>>, vector<512x8xf32>,
    return
  }
  func.func @transform_0(%arg0: i32) -> (i32, i32) {
    %c0_i32 = arith.constant 0 : i32
    %c0_i32_0 = arith.constant 0 : i32
    %c0_i32_1 = arith.constant 0 : i32
    return %c0_i32, %c0_i32_0 : i32, i32
  }
  func.func @transform_1(%arg0: i32) -> (i32, i32) {
    %c0_i32 = arith.constant 0 : i32
    %c0_i32_0 = arith.constant 0 : i32
    %c0_i32_1 = arith.constant 0 : i32
    return %c0_i32, %c0_i32_0 : i32, i32
  }
  func.func @transform_2(%arg0: i32) -> (i32, i32) {
    %c0_i32 = arith.constant 0 : i32
    %c0_i32_0 = arith.constant 0 : i32
    return %arg0, %c0_i32 : i32, i32
  }
}

module attributes {stable_mosaic.version = 14 : i64} {
  func.func @_tile_composite_body(%arg0: i32, %arg1: memref<65xi32, #tpu.memory_space<smem>>, %arg2: memref<288x16x256xf32, #tpu.memory_space<vmem>>, %arg3: memref<1x256x8xf32, #tpu.memory_space<vmem>>) attributes {dimension_semantics = [#tpu.dimension_semantics<arbitrary>], iteration_bounds = array<i64: 64>, scalar_prefetch = 1 : i64, scratch_operands = 0 : i64, tpu.core_type = #tpu.core_type<tc>, window_params = [{pipeline_mode = #tpu.pipeline_mode<synchronous>, transform_indices = @transform_0, window_bounds = array<i64: 288, 16, 256>}, {transform_indices = @transform_1, window_bounds = array<i64: 1, 256, 8>}]} {
    %get3A = arith.index_cast %arg0 : i32 to index
    %get3A_0 = memref.load %arg1[%get3A] : memref<65xi32, #tpu.memory_space<smem>>
    %add3A = arith.constant 1 : i32
    %add3A_1 = arith.addi %arg0, %add3A : i32
    %get3A_2 = arith.index_cast %add3A_1 : i32 to index
    %get3A_3 = memref.load %arg1[%get3A_2] : memref<65xi32, #tpu.memory_space<smem>>
    %iota3A = tpu.iota {dimensions = array<i32: 0>} : vector<256x1xi32>
    %jit3A = arith.constant 8 : i32
    %eq3A = arith.constant 0 : i32
    %eq3A_4 = arith.cmpi eq, %jit3A, %eq3A : i32
    %jit3A_5 = arith.constant 1 : i32
    %select_n3A = arith.select %eq3A_4, %jit3A_5, %jit3A : i32
    %rem3A = arith.remsi %arg0, %select_n3A : i32
    %ne3A = arith.constant 0 : i32
    %ne3A_6 = arith.cmpi ne, %rem3A, %ne3A : i32
    %lt3A = arith.constant 0 : i32
    %lt3A_7 = arith.cmpi slt, %rem3A, %lt3A : i32
    %lt3A_8 = arith.constant 0 : i32
    %lt3A_9 = arith.cmpi slt, %select_n3A, %lt3A_8 : i32
    %ne3A_10 = arith.xori %lt3A_7, %lt3A_9 : i1
    %and3A = arith.andi %ne3A_10, %ne3A_6 : i1
    %add3A_11 = arith.addi %rem3A, %select_n3A : i32
    %select_n3A_12 = arith.select %and3A, %add3A_11, %rem3A : i32
    %mul3A = arith.constant 16 : i32
    %mul3A_13 = arith.muli %select_n3A_12, %mul3A : i32
    %jit3A_14 = arith.constant 16 : i32
    %div3A = vector.broadcast %jit3A_14 : i32 to vector<256x1xi32>
    %div3A_15 = arith.divsi %iota3A, %div3A : vector<256x1xi32>
    %sign3A = arith.constant 0 : i32
    %sign3A_16 = vector.broadcast %sign3A : i32 to vector<256x1xi32>
    %sign3A_17 = arith.cmpi sgt, %iota3A, %sign3A_16 : vector<256x1xi32>
    %sign3A_18 = arith.extui %sign3A_17 : vector<256x1xi1> to vector<256x1xi32>
    %sign3A_19 = arith.constant 0 : i32
    %sign3A_20 = vector.broadcast %sign3A_19 : i32 to vector<256x1xi32>
    %sign3A_21 = arith.cmpi slt, %iota3A, %sign3A_20 : vector<256x1xi32>
    %sign3A_22 = arith.extui %sign3A_21 : vector<256x1xi1> to vector<256x1xi32>
    %sign3A_23 = arith.subi %sign3A_18, %sign3A_22 : vector<256x1xi32>
    %sign3A_24 = arith.constant 0 : i32
    %sign3A_25 = arith.cmpi sgt, %jit3A_14, %sign3A_24 : i32
    %sign3A_26 = arith.extui %sign3A_25 : i1 to i32
    %sign3A_27 = arith.constant 0 : i32
    %sign3A_28 = arith.cmpi slt, %jit3A_14, %sign3A_27 : i32
    %sign3A_29 = arith.extui %sign3A_28 : i1 to i32
    %sign3A_30 = arith.subi %sign3A_26, %sign3A_29 : i32
    %ne3A_31 = vector.broadcast %sign3A_30 : i32 to vector<256x1xi32>
    %ne3A_32 = arith.cmpi ne, %sign3A_23, %ne3A_31 : vector<256x1xi32>
    %rem3A_33 = vector.broadcast %jit3A_14 : i32 to vector<256x1xi32>
    %rem3A_34 = arith.remsi %iota3A, %rem3A_33 : vector<256x1xi32>
    %ne3A_35 = arith.constant 0 : i32
    %ne3A_36 = vector.broadcast %ne3A_35 : i32 to vector<256x1xi32>
    %ne3A_37 = arith.cmpi ne, %rem3A_34, %ne3A_36 : vector<256x1xi32>
    %and3A_38 = arith.andi %ne3A_32, %ne3A_37 : vector<256x1xi1>
    %sub3A = arith.constant 1 : i32
    %sub3A_39 = vector.broadcast %sub3A : i32 to vector<256x1xi32>
    %sub3A_40 = arith.subi %div3A_15, %sub3A_39 : vector<256x1xi32>
    %select_n3A_41 = arith.select %and3A_38, %sub3A_40, %div3A_15 : vector<256x1xi1>, vector<256x1xi32>
    %add3A_42 = vector.broadcast %mul3A_13 : i32 to vector<256x1xi32>
    %add3A_43 = arith.addi %add3A_42, %select_n3A_41 : vector<256x1xi32>
    %convert_element_type3A = arith.sitofp %add3A_43 : vector<256x1xi32> to vector<256x1xf32>
    %jit3A_44 = arith.constant 8 : i32
    %div3A_45 = arith.divsi %arg0, %jit3A_44 : i32
    %sign3A_46 = arith.constant 0 : i32
    %sign3A_47 = arith.cmpi sgt, %arg0, %sign3A_46 : i32
    %sign3A_48 = arith.extui %sign3A_47 : i1 to i32
    %sign3A_49 = arith.constant 0 : i32
    %sign3A_50 = arith.cmpi slt, %arg0, %sign3A_49 : i32
    %sign3A_51 = arith.extui %sign3A_50 : i1 to i32
    %sign3A_52 = arith.subi %sign3A_48, %sign3A_51 : i32
    %sign3A_53 = arith.constant 0 : i32
    %sign3A_54 = arith.cmpi sgt, %jit3A_44, %sign3A_53 : i32
    %sign3A_55 = arith.extui %sign3A_54 : i1 to i32
    %sign3A_56 = arith.constant 0 : i32
    %sign3A_57 = arith.cmpi slt, %jit3A_44, %sign3A_56 : i32
    %sign3A_58 = arith.extui %sign3A_57 : i1 to i32
    %sign3A_59 = arith.subi %sign3A_55, %sign3A_58 : i32
    %ne3A_60 = arith.cmpi ne, %sign3A_52, %sign3A_59 : i32
    %rem3A_61 = arith.remsi %arg0, %jit3A_44 : i32
    %ne3A_62 = arith.constant 0 : i32
    %ne3A_63 = arith.cmpi ne, %rem3A_61, %ne3A_62 : i32
    %and3A_64 = arith.andi %ne3A_60, %ne3A_63 : i1
    %sub3A_65 = arith.constant 1 : i32
    %sub3A_66 = arith.subi %div3A_45, %sub3A_65 : i32
    %select_n3A_67 = arith.select %and3A_64, %sub3A_66, %div3A_45 : i32
    %mul3A_68 = arith.constant 16 : i32
    %mul3A_69 = arith.muli %select_n3A_67, %mul3A_68 : i32
    %jit3A_70 = arith.constant 16 : i32
    %eq3A_71 = arith.constant 0 : i32
    %eq3A_72 = arith.cmpi eq, %jit3A_70, %eq3A_71 : i32
    %jit3A_73 = arith.constant 1 : i32
    %select_n3A_74 = arith.select %eq3A_72, %jit3A_73, %jit3A_70 : i32
    %rem3A_75 = vector.broadcast %select_n3A_74 : i32 to vector<256x1xi32>
    %rem3A_76 = arith.remsi %iota3A, %rem3A_75 : vector<256x1xi32>
    %ne3A_77 = arith.constant 0 : i32
    %ne3A_78 = vector.broadcast %ne3A_77 : i32 to vector<256x1xi32>
    %ne3A_79 = arith.cmpi ne, %rem3A_76, %ne3A_78 : vector<256x1xi32>
    %lt3A_80 = arith.constant 0 : i32
    %lt3A_81 = vector.broadcast %lt3A_80 : i32 to vector<256x1xi32>
    %lt3A_82 = arith.cmpi slt, %rem3A_76, %lt3A_81 : vector<256x1xi32>
    %lt3A_83 = arith.constant 0 : i32
    %lt3A_84 = arith.cmpi slt, %select_n3A_74, %lt3A_83 : i32
    %ne3A_85 = vector.broadcast %lt3A_84 : i1 to vector<256x1xi1>
    %ne3A_86 = vector.broadcast %ne3A_85 : vector<256x1xi1> to vector<256x1xi1>
    %ne3A_87 = arith.xori %lt3A_82, %ne3A_86 : vector<256x1xi1>
    %and3A_88 = arith.andi %ne3A_87, %ne3A_79 : vector<256x1xi1>
    %add3A_89 = vector.broadcast %select_n3A_74 : i32 to vector<256x1xi32>
    %add3A_90 = arith.addi %rem3A_76, %add3A_89 : vector<256x1xi32>
    %select_n3A_91 = arith.select %and3A_88, %add3A_90, %rem3A_76 : vector<256x1xi1>, vector<256x1xi32>
    %add3A_92 = vector.broadcast %mul3A_69 : i32 to vector<256x1xi32>
    %add3A_93 = arith.addi %add3A_92, %select_n3A_91 : vector<256x1xi32>
    %convert_element_type3A_94 = arith.sitofp %add3A_93 : vector<256x1xi32> to vector<256x1xf32>
    %iota3A_95 = tpu.iota {dimensions = array<i32: 1>} : vector<1x256xi32>
    %jit3A_96 = arith.constant 256 : i32
    %div3A_97 = arith.divsi %get3A_0, %jit3A_96 : i32
    %sign3A_98 = arith.constant 0 : i32
    %sign3A_99 = arith.cmpi sgt, %get3A_0, %sign3A_98 : i32
    %sign3A_100 = arith.extui %sign3A_99 : i1 to i32
    %sign3A_101 = arith.constant 0 : i32
    %sign3A_102 = arith.cmpi slt, %get3A_0, %sign3A_101 : i32
    %sign3A_103 = arith.extui %sign3A_102 : i1 to i32
    %sign3A_104 = arith.subi %sign3A_100, %sign3A_103 : i32
    %sign3A_105 = arith.constant 0 : i32
    %sign3A_106 = arith.cmpi sgt, %jit3A_96, %sign3A_105 : i32
    %sign3A_107 = arith.extui %sign3A_106 : i1 to i32
    %sign3A_108 = arith.constant 0 : i32
    %sign3A_109 = arith.cmpi slt, %jit3A_96, %sign3A_108 : i32
    %sign3A_110 = arith.extui %sign3A_109 : i1 to i32
    %sign3A_111 = arith.subi %sign3A_107, %sign3A_110 : i32
    %ne3A_112 = arith.cmpi ne, %sign3A_104, %sign3A_111 : i32
    %rem3A_113 = arith.remsi %get3A_0, %jit3A_96 : i32
    %ne3A_114 = arith.constant 0 : i32
    %ne3A_115 = arith.cmpi ne, %rem3A_113, %ne3A_114 : i32
    %and3A_116 = arith.andi %ne3A_112, %ne3A_115 : i1
    %sub3A_117 = arith.constant 1 : i32
    %sub3A_118 = arith.subi %div3A_97, %sub3A_117 : i32
    %select_n3A_119 = arith.select %and3A_116, %sub3A_118, %div3A_97 : i32
    %add3A_120 = arith.constant 256 : i32
    %add3A_121 = arith.addi %get3A_3, %add3A_120 : i32
    %sub3A_122 = arith.constant 1 : i32
    %sub3A_123 = arith.subi %add3A_121, %sub3A_122 : i32
    %jit3A_124 = arith.constant 256 : i32
    %div3A_125 = arith.divsi %sub3A_123, %jit3A_124 : i32
    %sign3A_126 = arith.constant 0 : i32
    %sign3A_127 = arith.cmpi sgt, %sub3A_123, %sign3A_126 : i32
    %sign3A_128 = arith.extui %sign3A_127 : i1 to i32
    %sign3A_129 = arith.constant 0 : i32
    %sign3A_130 = arith.cmpi slt, %sub3A_123, %sign3A_129 : i32
    %sign3A_131 = arith.extui %sign3A_130 : i1 to i32
    %sign3A_132 = arith.subi %sign3A_128, %sign3A_131 : i32
    %sign3A_133 = arith.constant 0 : i32
    %sign3A_134 = arith.cmpi sgt, %jit3A_124, %sign3A_133 : i32
    %sign3A_135 = arith.extui %sign3A_134 : i1 to i32
    %sign3A_136 = arith.constant 0 : i32
    %sign3A_137 = arith.cmpi slt, %jit3A_124, %sign3A_136 : i32
    %sign3A_138 = arith.extui %sign3A_137 : i1 to i32
    %sign3A_139 = arith.subi %sign3A_135, %sign3A_138 : i32
    %ne3A_140 = arith.cmpi ne, %sign3A_132, %sign3A_139 : i32
    %rem3A_141 = arith.remsi %sub3A_123, %jit3A_124 : i32
    %ne3A_142 = arith.constant 0 : i32
    %ne3A_143 = arith.cmpi ne, %rem3A_141, %ne3A_142 : i32
    %and3A_144 = arith.andi %ne3A_140, %ne3A_143 : i1
    %sub3A_145 = arith.constant 1 : i32
    %sub3A_146 = arith.subi %div3A_125, %sub3A_145 : i32
    %select_n3A_147 = arith.select %and3A_144, %sub3A_146, %div3A_125 : i32
    %broadcast_in_dim3A = arith.constant 1.000000e+00 : f32
    %broadcast_in_dim3A_148 = vector.broadcast %broadcast_in_dim3A : f32 to vector<256x1xf32>
    %broadcast_in_dim3A_149 = arith.constant 0.000000e+00 : f32
    %broadcast_in_dim3A_150 = vector.broadcast %broadcast_in_dim3A_149 : f32 to vector<256x8xf32>
    %while3A = arith.subi %select_n3A_147, %select_n3A_119 : i32
    %while3A_151 = arith.addi %select_n3A_119, %while3A : i32
    %while3A_152 = arith.constant 1 : i32
    %while3A_153 = arith.divsi %while3A, %while3A_152 : i32
    %while3A_154 = arith.muli %while3A_153, %while3A_152 : i32
    %while3A_155 = arith.addi %select_n3A_119, %while3A_154 : i32
    %while3A_156 = arith.constant 1 : i32
    %while3A_157:2 = scf.for %while3A_165 = %select_n3A_119 to %while3A_155 step %while3A_156 iter_args(%while3A_166 = %broadcast_in_dim3A_148, %while3A_167 = %broadcast_in_dim3A_150) -> (vector<256x1xf32>, vector<256x8xf32>)  : i32 {
      %get3A_168 = arith.index_cast %while3A_165 : i32 to index
      %get3A_169 = arith.constant 0 : index
      %get3A_170 = arith.constant 0 : index
      %get3A_171 = vector.load %arg2[%get3A_168, %get3A_169, %get3A_170] : memref<288x16x256xf32, #tpu.memory_space<vmem>>, vector<1x16x256xf32>
      %get3A_172 = vector.shape_cast %get3A_171 : vector<1x16x256xf32> to vector<16x256xf32>
      %mul3A_173 = arith.constant 256 : i32
      %mul3A_174 = arith.muli %while3A_165, %mul3A_173 : i32
      %add3A_175 = vector.broadcast %mul3A_174 : i32 to vector<1x256xi32>
      %add3A_176 = arith.addi %add3A_175, %iota3A_95 : vector<1x256xi32>
      %ge3A = vector.broadcast %get3A_0 : i32 to vector<1x256xi32>
      %ge3A_177 = arith.cmpi sge, %add3A_176, %ge3A : vector<1x256xi32>
      %lt3A_178 = vector.broadcast %get3A_3 : i32 to vector<1x256xi32>
      %lt3A_179 = arith.cmpi slt, %add3A_176, %lt3A_178 : vector<1x256xi32>
      %and3A_180 = arith.andi %ge3A_177, %lt3A_179 : vector<1x256xi1>
      %slice3A = vector.extract_strided_slice %get3A_172 {offsets = [0, 0], sizes = [1, 256], strides = [1, 1]} : vector<16x256xf32> to vector<1x256xf32>
      %slice3A_181 = vector.extract_strided_slice %get3A_172 {offsets = [1, 0], sizes = [1, 256], strides = [1, 1]} : vector<16x256xf32> to vector<1x256xf32>
      %slice3A_182 = vector.extract_strided_slice %get3A_172 {offsets = [2, 0], sizes = [1, 256], strides = [1, 1]} : vector<16x256xf32> to vector<1x256xf32>
      %slice3A_183 = vector.extract_strided_slice %get3A_172 {offsets = [3, 0], sizes = [1, 256], strides = [1, 1]} : vector<16x256xf32> to vector<1x256xf32>
      %slice3A_184 = vector.extract_strided_slice %get3A_172 {offsets = [4, 0], sizes = [1, 256], strides = [1, 1]} : vector<16x256xf32> to vector<1x256xf32>
      %slice3A_185 = vector.extract_strided_slice %get3A_172 {offsets = [5, 0], sizes = [1, 256], strides = [1, 1]} : vector<16x256xf32> to vector<1x256xf32>
      %sub3A_186 = vector.broadcast %slice3A : vector<1x256xf32> to vector<256x256xf32>
      %sub3A_187 = vector.broadcast %convert_element_type3A : vector<256x1xf32> to vector<256x256xf32>
      %sub3A_188 = arith.subf %sub3A_186, %sub3A_187 : vector<256x256xf32>
      %sub3A_189 = vector.broadcast %slice3A_181 : vector<1x256xf32> to vector<256x256xf32>
      %sub3A_190 = vector.broadcast %convert_element_type3A_94 : vector<256x1xf32> to vector<256x256xf32>
      %sub3A_191 = arith.subf %sub3A_189, %sub3A_190 : vector<256x256xf32>
      %mul3A_192 = vector.broadcast %slice3A_182 : vector<1x256xf32> to vector<256x256xf32>
      %mul3A_193 = arith.mulf %mul3A_192, %sub3A_188 : vector<256x256xf32>
      %mul3A_194 = arith.mulf %mul3A_193, %sub3A_188 : vector<256x256xf32>
      %mul3A_195 = vector.broadcast %slice3A_184 : vector<1x256xf32> to vector<256x256xf32>
      %mul3A_196 = arith.mulf %mul3A_195, %sub3A_191 : vector<256x256xf32>
      %mul3A_197 = arith.mulf %mul3A_196, %sub3A_191 : vector<256x256xf32>
      %add3A_198 = arith.addf %mul3A_194, %mul3A_197 : vector<256x256xf32>
      %mul3A_199 = arith.constant -5.000000e-01 : f32
      %mul3A_200 = vector.broadcast %mul3A_199 : f32 to vector<256x256xf32>
      %mul3A_201 = arith.mulf %mul3A_200, %add3A_198 : vector<256x256xf32>
      %mul3A_202 = vector.broadcast %slice3A_183 : vector<1x256xf32> to vector<256x256xf32>
      %mul3A_203 = arith.mulf %mul3A_202, %sub3A_188 : vector<256x256xf32>
      %mul3A_204 = arith.mulf %mul3A_203, %sub3A_191 : vector<256x256xf32>
      %sub3A_205 = arith.subf %mul3A_201, %mul3A_204 : vector<256x256xf32>
      %min3A = arith.constant 0.000000e+00 : f32
      %min3A_206 = vector.broadcast %min3A : f32 to vector<256x256xf32>
      %min3A_207 = arith.minimumf %sub3A_205, %min3A_206 : vector<256x256xf32>
      %exp3A = math.exp %min3A_207 : vector<256x256xf32>
      %mul3A_208 = vector.broadcast %slice3A_185 : vector<1x256xf32> to vector<256x256xf32>
      %mul3A_209 = arith.mulf %mul3A_208, %exp3A : vector<256x256xf32>
      %min3A_210 = arith.constant 9.900000e-01 : f32
      %min3A_211 = vector.broadcast %min3A_210 : f32 to vector<256x256xf32>
      %min3A_212 = arith.minimumf %mul3A_209, %min3A_211 : vector<256x256xf32>
      %gt3A = arith.constant 0.000000e+00 : f32
      %gt3A_213 = vector.broadcast %gt3A : f32 to vector<256x256xf32>
      %gt3A_214 = arith.cmpf ogt, %sub3A_205, %gt3A_213 : vector<256x256xf32>
      %lt3A_215 = arith.constant 0.00392156886 : f32
      %lt3A_216 = vector.broadcast %lt3A_215 : f32 to vector<256x256xf32>
      %lt3A_217 = arith.cmpf olt, %min3A_212, %lt3A_216 : vector<256x256xf32>
      %or3A = arith.ori %gt3A_214, %lt3A_217 : vector<256x256xi1>
      %not3A = arith.constant dense<true> : vector<1x256xi1>
      %not3A_218 = arith.xori %and3A_180, %not3A : vector<1x256xi1>
      %or3A_219 = vector.broadcast %not3A_218 : vector<1x256xi1> to vector<256x256xi1>
      %or3A_220 = arith.ori %or3A, %or3A_219 : vector<256x256xi1>
      %jit3A_221 = arith.constant 0.000000e+00 : f32
      %broadcast_in_dim3A_222 = vector.broadcast %jit3A_221 : f32 to vector<256x256xf32>
      %select_n3A_223 = arith.select %or3A_220, %broadcast_in_dim3A_222, %min3A_212 : vector<256x256xi1>, vector<256x256xf32>
      %sub3A_224 = arith.constant 1.000000e+00 : f32
      %sub3A_225 = vector.broadcast %sub3A_224 : f32 to vector<256x256xf32>
      %sub3A_226 = arith.subf %sub3A_225, %select_n3A_223 : vector<256x256xf32>
      %broadcast_in_dim3A_227 = arith.constant 1.000000e+00 : f32
      %broadcast_in_dim3A_228 = vector.broadcast %broadcast_in_dim3A_227 : f32 to vector<256x1xf32>
      %slice3A_229 = vector.extract_strided_slice %sub3A_226 {offsets = [0, 0], sizes = [256, 255], strides = [1, 1]} : vector<256x256xf32> to vector<256x255xf32>
      %concatenate3A = tpu.concatenate %broadcast_in_dim3A_228, %slice3A_229 in 1 : vector<256x1xf32>, vector<256x255xf32> -> vector<256x256xf32>
      %mul3A_230 = arith.mulf %sub3A_226, %concatenate3A : vector<256x256xf32>
      %broadcast_in_dim3A_231 = arith.constant 1.000000e+00 : f32
      %broadcast_in_dim3A_232 = vector.broadcast %broadcast_in_dim3A_231 : f32 to vector<256x2xf32>
      %slice3A_233 = vector.extract_strided_slice %mul3A_230 {offsets = [0, 0], sizes = [256, 254], strides = [1, 1]} : vector<256x256xf32> to vector<256x254xf32>
      %concatenate3A_234 = tpu.concatenate %broadcast_in_dim3A_232, %slice3A_233 in 1 : vector<256x2xf32>, vector<256x254xf32> -> vector<256x256xf32>
      %mul3A_235 = arith.mulf %mul3A_230, %concatenate3A_234 : vector<256x256xf32>
      %broadcast_in_dim3A_236 = arith.constant 1.000000e+00 : f32
      %broadcast_in_dim3A_237 = vector.broadcast %broadcast_in_dim3A_236 : f32 to vector<256x4xf32>
      %slice3A_238 = vector.extract_strided_slice %mul3A_235 {offsets = [0, 0], sizes = [256, 252], strides = [1, 1]} : vector<256x256xf32> to vector<256x252xf32>
      %concatenate3A_239 = tpu.concatenate %broadcast_in_dim3A_237, %slice3A_238 in 1 : vector<256x4xf32>, vector<256x252xf32> -> vector<256x256xf32>
      %mul3A_240 = arith.mulf %mul3A_235, %concatenate3A_239 : vector<256x256xf32>
      %broadcast_in_dim3A_241 = arith.constant 1.000000e+00 : f32
      %broadcast_in_dim3A_242 = vector.broadcast %broadcast_in_dim3A_241 : f32 to vector<256x8xf32>
      %slice3A_243 = vector.extract_strided_slice %mul3A_240 {offsets = [0, 0], sizes = [256, 248], strides = [1, 1]} : vector<256x256xf32> to vector<256x248xf32>
      %concatenate3A_244 = tpu.concatenate %broadcast_in_dim3A_242, %slice3A_243 in 1 : vector<256x8xf32>, vector<256x248xf32> -> vector<256x256xf32>
      %mul3A_245 = arith.mulf %mul3A_240, %concatenate3A_244 : vector<256x256xf32>
      %broadcast_in_dim3A_246 = arith.constant 1.000000e+00 : f32
      %broadcast_in_dim3A_247 = vector.broadcast %broadcast_in_dim3A_246 : f32 to vector<256x16xf32>
      %slice3A_248 = vector.extract_strided_slice %mul3A_245 {offsets = [0, 0], sizes = [256, 240], strides = [1, 1]} : vector<256x256xf32> to vector<256x240xf32>
      %concatenate3A_249 = tpu.concatenate %broadcast_in_dim3A_247, %slice3A_248 in 1 : vector<256x16xf32>, vector<256x240xf32> -> vector<256x256xf32>
      %mul3A_250 = arith.mulf %mul3A_245, %concatenate3A_249 : vector<256x256xf32>
      %broadcast_in_dim3A_251 = arith.constant 1.000000e+00 : f32
      %broadcast_in_dim3A_252 = vector.broadcast %broadcast_in_dim3A_251 : f32 to vector<256x32xf32>
      %slice3A_253 = vector.extract_strided_slice %mul3A_250 {offsets = [0, 0], sizes = [256, 224], strides = [1, 1]} : vector<256x256xf32> to vector<256x224xf32>
      %concatenate3A_254 = tpu.concatenate %broadcast_in_dim3A_252, %slice3A_253 in 1 : vector<256x32xf32>, vector<256x224xf32> -> vector<256x256xf32>
      %mul3A_255 = arith.mulf %mul3A_250, %concatenate3A_254 : vector<256x256xf32>
      %broadcast_in_dim3A_256 = arith.constant 1.000000e+00 : f32
      %broadcast_in_dim3A_257 = vector.broadcast %broadcast_in_dim3A_256 : f32 to vector<256x64xf32>
      %slice3A_258 = vector.extract_strided_slice %mul3A_255 {offsets = [0, 0], sizes = [256, 192], strides = [1, 1]} : vector<256x256xf32> to vector<256x192xf32>
      %concatenate3A_259 = tpu.concatenate %broadcast_in_dim3A_257, %slice3A_258 in 1 : vector<256x64xf32>, vector<256x192xf32> -> vector<256x256xf32>
      %mul3A_260 = arith.mulf %mul3A_255, %concatenate3A_259 : vector<256x256xf32>
      %broadcast_in_dim3A_261 = arith.constant 1.000000e+00 : f32
      %broadcast_in_dim3A_262 = vector.broadcast %broadcast_in_dim3A_261 : f32 to vector<256x128xf32>
      %slice3A_263 = vector.extract_strided_slice %mul3A_260 {offsets = [0, 0], sizes = [256, 128], strides = [1, 1]} : vector<256x256xf32> to vector<256x128xf32>
      %concatenate3A_264 = tpu.concatenate %broadcast_in_dim3A_262, %slice3A_263 in 1 : vector<256x128xf32>, vector<256x128xf32> -> vector<256x256xf32>
      %mul3A_265 = arith.mulf %mul3A_260, %concatenate3A_264 : vector<256x256xf32>
      %broadcast_in_dim3A_266 = arith.constant 1.000000e+00 : f32
      %broadcast_in_dim3A_267 = vector.broadcast %broadcast_in_dim3A_266 : f32 to vector<256x1xf32>
      %slice3A_268 = vector.extract_strided_slice %mul3A_265 {offsets = [0, 0], sizes = [256, 255], strides = [1, 1]} : vector<256x256xf32> to vector<256x255xf32>
      %concatenate3A_269 = tpu.concatenate %broadcast_in_dim3A_267, %slice3A_268 in 1 : vector<256x1xf32>, vector<256x255xf32> -> vector<256x256xf32>
      %mul3A_270 = vector.broadcast %while3A_166 : vector<256x1xf32> to vector<256x256xf32>
      %mul3A_271 = arith.mulf %mul3A_270, %concatenate3A_269 : vector<256x256xf32>
      %lt3A_272 = arith.constant 9.99999974E-5 : f32
      %lt3A_273 = vector.broadcast %lt3A_272 : f32 to vector<256x256xf32>
      %lt3A_274 = arith.cmpf olt, %mul3A_271, %lt3A_273 : vector<256x256xf32>
      %mul3A_275 = arith.mulf %select_n3A_223, %mul3A_271 : vector<256x256xf32>
      %jit3A_276 = arith.constant 0.000000e+00 : f32
      %broadcast_in_dim3A_277 = vector.broadcast %jit3A_276 : f32 to vector<256x256xf32>
      %select_n3A_278 = arith.select %lt3A_274, %broadcast_in_dim3A_277, %mul3A_275 : vector<256x256xi1>, vector<256x256xf32>
      %slice3A_279 = vector.extract_strided_slice %get3A_172 {offsets = [6, 0], sizes = [8, 256], strides = [1, 1]} : vector<16x256xf32> to vector<8x256xf32>
      %dot_general3A = arith.constant dense<0.000000e+00> : vector<256x8xf32>
      %dot_general3A_280 = tpu.matmul %select_n3A_278, %slice3A_279, %dot_general3A {dimension_numbers = #tpu.dot_dimension_numbers<[1], [1], [0], [0], [0, 0, 1, 0], [], []>, precision = #tpu.contract_precision<fp32>, transpose_lhs_hint = false} : vector<256x256xf32>, vector<8x256xf32>, vector<256x8xf32> -> vector<256x8xf32>
      %add3A_281 = arith.addf %while3A_167, %dot_general3A_280 : vector<256x8xf32>
      %slice3A_282 = vector.extract_strided_slice %mul3A_265 {offsets = [0, 255], sizes = [256, 1], strides = [1, 1]} : vector<256x256xf32> to vector<256x1xf32>
      %mul3A_283 = arith.mulf %while3A_166, %slice3A_282 : vector<256x1xf32>
      scf.yield %mul3A_283, %add3A_281 : vector<256x1xf32>, vector<256x8xf32>
    }
    %while3A_158 = arith.constant 1 : i32
    %while3A_159:2 = scf.for %while3A_165 = %while3A_155 to %while3A_151 step %while3A_158 iter_args(%while3A_166 = %while3A_157#0, %while3A_167 = %while3A_157#1) -> (vector<256x1xf32>, vector<256x8xf32>)  : i32 {
      %get3A_168 = arith.index_cast %while3A_165 : i32 to index
      %get3A_169 = arith.constant 0 : index
      %get3A_170 = arith.constant 0 : index
      %get3A_171 = vector.load %arg2[%get3A_168, %get3A_169, %get3A_170] : memref<288x16x256xf32, #tpu.memory_space<vmem>>, vector<1x16x256xf32>
      %get3A_172 = vector.shape_cast %get3A_171 : vector<1x16x256xf32> to vector<16x256xf32>
      %mul3A_173 = arith.constant 256 : i32
      %mul3A_174 = arith.muli %while3A_165, %mul3A_173 : i32
      %add3A_175 = vector.broadcast %mul3A_174 : i32 to vector<1x256xi32>
      %add3A_176 = arith.addi %add3A_175, %iota3A_95 : vector<1x256xi32>
      %ge3A = vector.broadcast %get3A_0 : i32 to vector<1x256xi32>
      %ge3A_177 = arith.cmpi sge, %add3A_176, %ge3A : vector<1x256xi32>
      %lt3A_178 = vector.broadcast %get3A_3 : i32 to vector<1x256xi32>
      %lt3A_179 = arith.cmpi slt, %add3A_176, %lt3A_178 : vector<1x256xi32>
      %and3A_180 = arith.andi %ge3A_177, %lt3A_179 : vector<1x256xi1>
      %slice3A = vector.extract_strided_slice %get3A_172 {offsets = [0, 0], sizes = [1, 256], strides = [1, 1]} : vector<16x256xf32> to vector<1x256xf32>
      %slice3A_181 = vector.extract_strided_slice %get3A_172 {offsets = [1, 0], sizes = [1, 256], strides = [1, 1]} : vector<16x256xf32> to vector<1x256xf32>
      %slice3A_182 = vector.extract_strided_slice %get3A_172 {offsets = [2, 0], sizes = [1, 256], strides = [1, 1]} : vector<16x256xf32> to vector<1x256xf32>
      %slice3A_183 = vector.extract_strided_slice %get3A_172 {offsets = [3, 0], sizes = [1, 256], strides = [1, 1]} : vector<16x256xf32> to vector<1x256xf32>
      %slice3A_184 = vector.extract_strided_slice %get3A_172 {offsets = [4, 0], sizes = [1, 256], strides = [1, 1]} : vector<16x256xf32> to vector<1x256xf32>
      %slice3A_185 = vector.extract_strided_slice %get3A_172 {offsets = [5, 0], sizes = [1, 256], strides = [1, 1]} : vector<16x256xf32> to vector<1x256xf32>
      %sub3A_186 = vector.broadcast %slice3A : vector<1x256xf32> to vector<256x256xf32>
      %sub3A_187 = vector.broadcast %convert_element_type3A : vector<256x1xf32> to vector<256x256xf32>
      %sub3A_188 = arith.subf %sub3A_186, %sub3A_187 : vector<256x256xf32>
      %sub3A_189 = vector.broadcast %slice3A_181 : vector<1x256xf32> to vector<256x256xf32>
      %sub3A_190 = vector.broadcast %convert_element_type3A_94 : vector<256x1xf32> to vector<256x256xf32>
      %sub3A_191 = arith.subf %sub3A_189, %sub3A_190 : vector<256x256xf32>
      %mul3A_192 = vector.broadcast %slice3A_182 : vector<1x256xf32> to vector<256x256xf32>
      %mul3A_193 = arith.mulf %mul3A_192, %sub3A_188 : vector<256x256xf32>
      %mul3A_194 = arith.mulf %mul3A_193, %sub3A_188 : vector<256x256xf32>
      %mul3A_195 = vector.broadcast %slice3A_184 : vector<1x256xf32> to vector<256x256xf32>
      %mul3A_196 = arith.mulf %mul3A_195, %sub3A_191 : vector<256x256xf32>
      %mul3A_197 = arith.mulf %mul3A_196, %sub3A_191 : vector<256x256xf32>
      %add3A_198 = arith.addf %mul3A_194, %mul3A_197 : vector<256x256xf32>
      %mul3A_199 = arith.constant -5.000000e-01 : f32
      %mul3A_200 = vector.broadcast %mul3A_199 : f32 to vector<256x256xf32>
      %mul3A_201 = arith.mulf %mul3A_200, %add3A_198 : vector<256x256xf32>
      %mul3A_202 = vector.broadcast %slice3A_183 : vector<1x256xf32> to vector<256x256xf32>
      %mul3A_203 = arith.mulf %mul3A_202, %sub3A_188 : vector<256x256xf32>
      %mul3A_204 = arith.mulf %mul3A_203, %sub3A_191 : vector<256x256xf32>
      %sub3A_205 = arith.subf %mul3A_201, %mul3A_204 : vector<256x256xf32>
      %min3A = arith.constant 0.000000e+00 : f32
      %min3A_206 = vector.broadcast %min3A : f32 to vector<256x256xf32>
      %min3A_207 = arith.minimumf %sub3A_205, %min3A_206 : vector<256x256xf32>
      %exp3A = math.exp %min3A_207 : vector<256x256xf32>
      %mul3A_208 = vector.broadcast %slice3A_185 : vector<1x256xf32> to vector<256x256xf32>
      %mul3A_209 = arith.mulf %mul3A_208, %exp3A : vector<256x256xf32>
      %min3A_210 = arith.constant 9.900000e-01 : f32
      %min3A_211 = vector.broadcast %min3A_210 : f32 to vector<256x256xf32>
      %min3A_212 = arith.minimumf %mul3A_209, %min3A_211 : vector<256x256xf32>
      %gt3A = arith.constant 0.000000e+00 : f32
      %gt3A_213 = vector.broadcast %gt3A : f32 to vector<256x256xf32>
      %gt3A_214 = arith.cmpf ogt, %sub3A_205, %gt3A_213 : vector<256x256xf32>
      %lt3A_215 = arith.constant 0.00392156886 : f32
      %lt3A_216 = vector.broadcast %lt3A_215 : f32 to vector<256x256xf32>
      %lt3A_217 = arith.cmpf olt, %min3A_212, %lt3A_216 : vector<256x256xf32>
      %or3A = arith.ori %gt3A_214, %lt3A_217 : vector<256x256xi1>
      %not3A = arith.constant dense<true> : vector<1x256xi1>
      %not3A_218 = arith.xori %and3A_180, %not3A : vector<1x256xi1>
      %or3A_219 = vector.broadcast %not3A_218 : vector<1x256xi1> to vector<256x256xi1>
      %or3A_220 = arith.ori %or3A, %or3A_219 : vector<256x256xi1>
      %jit3A_221 = arith.constant 0.000000e+00 : f32
      %broadcast_in_dim3A_222 = vector.broadcast %jit3A_221 : f32 to vector<256x256xf32>
      %select_n3A_223 = arith.select %or3A_220, %broadcast_in_dim3A_222, %min3A_212 : vector<256x256xi1>, vector<256x256xf32>
      %sub3A_224 = arith.constant 1.000000e+00 : f32
      %sub3A_225 = vector.broadcast %sub3A_224 : f32 to vector<256x256xf32>
      %sub3A_226 = arith.subf %sub3A_225, %select_n3A_223 : vector<256x256xf32>
      %broadcast_in_dim3A_227 = arith.constant 1.000000e+00 : f32
      %broadcast_in_dim3A_228 = vector.broadcast %broadcast_in_dim3A_227 : f32 to vector<256x1xf32>
      %slice3A_229 = vector.extract_strided_slice %sub3A_226 {offsets = [0, 0], sizes = [256, 255], strides = [1, 1]} : vector<256x256xf32> to vector<256x255xf32>
      %concatenate3A = tpu.concatenate %broadcast_in_dim3A_228, %slice3A_229 in 1 : vector<256x1xf32>, vector<256x255xf32> -> vector<256x256xf32>
      %mul3A_230 = arith.mulf %sub3A_226, %concatenate3A : vector<256x256xf32>
      %broadcast_in_dim3A_231 = arith.constant 1.000000e+00 : f32
      %broadcast_in_dim3A_232 = vector.broadcast %broadcast_in_dim3A_231 : f32 to vector<256x2xf32>
      %slice3A_233 = vector.extract_strided_slice %mul3A_230 {offsets = [0, 0], sizes = [256, 254], strides = [1, 1]} : vector<256x256xf32> to vector<256x254xf32>
      %concatenate3A_234 = tpu.concatenate %broadcast_in_dim3A_232, %slice3A_233 in 1 : vector<256x2xf32>, vector<256x254xf32> -> vector<256x256xf32>
      %mul3A_235 = arith.mulf %mul3A_230, %concatenate3A_234 : vector<256x256xf32>
      %broadcast_in_dim3A_236 = arith.constant 1.000000e+00 : f32
      %broadcast_in_dim3A_237 = vector.broadcast %broadcast_in_dim3A_236 : f32 to vector<256x4xf32>
      %slice3A_238 = vector.extract_strided_slice %mul3A_235 {offsets = [0, 0], sizes = [256, 252], strides = [1, 1]} : vector<256x256xf32> to vector<256x252xf32>
      %concatenate3A_239 = tpu.concatenate %broadcast_in_dim3A_237, %slice3A_238 in 1 : vector<256x4xf32>, vector<256x252xf32> -> vector<256x256xf32>
      %mul3A_240 = arith.mulf %mul3A_235, %concatenate3A_239 : vector<256x256xf32>
      %broadcast_in_dim3A_241 = arith.constant 1.000000e+00 : f32
      %broadcast_in_dim3A_242 = vector.broadcast %broadcast_in_dim3A_241 : f32 to vector<256x8xf32>
      %slice3A_243 = vector.extract_strided_slice %mul3A_240 {offsets = [0, 0], sizes = [256, 248], strides = [1, 1]} : vector<256x256xf32> to vector<256x248xf32>
      %concatenate3A_244 = tpu.concatenate %broadcast_in_dim3A_242, %slice3A_243 in 1 : vector<256x8xf32>, vector<256x248xf32> -> vector<256x256xf32>
      %mul3A_245 = arith.mulf %mul3A_240, %concatenate3A_244 : vector<256x256xf32>
      %broadcast_in_dim3A_246 = arith.constant 1.000000e+00 : f32
      %broadcast_in_dim3A_247 = vector.broadcast %broadcast_in_dim3A_246 : f32 to vector<256x16xf32>
      %slice3A_248 = vector.extract_strided_slice %mul3A_245 {offsets = [0, 0], sizes = [256, 240], strides = [1, 1]} : vector<256x256xf32> to vector<256x240xf32>
      %concatenate3A_249 = tpu.concatenate %broadcast_in_dim3A_247, %slice3A_248 in 1 : vector<256x16xf32>, vector<256x240xf32> -> vector<256x256xf32>
      %mul3A_250 = arith.mulf %mul3A_245, %concatenate3A_249 : vector<256x256xf32>
      %broadcast_in_dim3A_251 = arith.constant 1.000000e+00 : f32
      %broadcast_in_dim3A_252 = vector.broadcast %broadcast_in_dim3A_251 : f32 to vector<256x32xf32>
      %slice3A_253 = vector.extract_strided_slice %mul3A_250 {offsets = [0, 0], sizes = [256, 224], strides = [1, 1]} : vector<256x256xf32> to vector<256x224xf32>
      %concatenate3A_254 = tpu.concatenate %broadcast_in_dim3A_252, %slice3A_253 in 1 : vector<256x32xf32>, vector<256x224xf32> -> vector<256x256xf32>
      %mul3A_255 = arith.mulf %mul3A_250, %concatenate3A_254 : vector<256x256xf32>
      %broadcast_in_dim3A_256 = arith.constant 1.000000e+00 : f32
      %broadcast_in_dim3A_257 = vector.broadcast %broadcast_in_dim3A_256 : f32 to vector<256x64xf32>
      %slice3A_258 = vector.extract_strided_slice %mul3A_255 {offsets = [0, 0], sizes = [256, 192], strides = [1, 1]} : vector<256x256xf32> to vector<256x192xf32>
      %concatenate3A_259 = tpu.concatenate %broadcast_in_dim3A_257, %slice3A_258 in 1 : vector<256x64xf32>, vector<256x192xf32> -> vector<256x256xf32>
      %mul3A_260 = arith.mulf %mul3A_255, %concatenate3A_259 : vector<256x256xf32>
      %broadcast_in_dim3A_261 = arith.constant 1.000000e+00 : f32
      %broadcast_in_dim3A_262 = vector.broadcast %broadcast_in_dim3A_261 : f32 to vector<256x128xf32>
      %slice3A_263 = vector.extract_strided_slice %mul3A_260 {offsets = [0, 0], sizes = [256, 128], strides = [1, 1]} : vector<256x256xf32> to vector<256x128xf32>
      %concatenate3A_264 = tpu.concatenate %broadcast_in_dim3A_262, %slice3A_263 in 1 : vector<256x128xf32>, vector<256x128xf32> -> vector<256x256xf32>
      %mul3A_265 = arith.mulf %mul3A_260, %concatenate3A_264 : vector<256x256xf32>
      %broadcast_in_dim3A_266 = arith.constant 1.000000e+00 : f32
      %broadcast_in_dim3A_267 = vector.broadcast %broadcast_in_dim3A_266 : f32 to vector<256x1xf32>
      %slice3A_268 = vector.extract_strided_slice %mul3A_265 {offsets = [0, 0], sizes = [256, 255], strides = [1, 1]} : vector<256x256xf32> to vector<256x255xf32>
      %concatenate3A_269 = tpu.concatenate %broadcast_in_dim3A_267, %slice3A_268 in 1 : vector<256x1xf32>, vector<256x255xf32> -> vector<256x256xf32>
      %mul3A_270 = vector.broadcast %while3A_166 : vector<256x1xf32> to vector<256x256xf32>
      %mul3A_271 = arith.mulf %mul3A_270, %concatenate3A_269 : vector<256x256xf32>
      %lt3A_272 = arith.constant 9.99999974E-5 : f32
      %lt3A_273 = vector.broadcast %lt3A_272 : f32 to vector<256x256xf32>
      %lt3A_274 = arith.cmpf olt, %mul3A_271, %lt3A_273 : vector<256x256xf32>
      %mul3A_275 = arith.mulf %select_n3A_223, %mul3A_271 : vector<256x256xf32>
      %jit3A_276 = arith.constant 0.000000e+00 : f32
      %broadcast_in_dim3A_277 = vector.broadcast %jit3A_276 : f32 to vector<256x256xf32>
      %select_n3A_278 = arith.select %lt3A_274, %broadcast_in_dim3A_277, %mul3A_275 : vector<256x256xi1>, vector<256x256xf32>
      %slice3A_279 = vector.extract_strided_slice %get3A_172 {offsets = [6, 0], sizes = [8, 256], strides = [1, 1]} : vector<16x256xf32> to vector<8x256xf32>
      %dot_general3A = arith.constant dense<0.000000e+00> : vector<256x8xf32>
      %dot_general3A_280 = tpu.matmul %select_n3A_278, %slice3A_279, %dot_general3A {dimension_numbers = #tpu.dot_dimension_numbers<[1], [1], [0], [0], [0, 0, 1, 0], [], []>, precision = #tpu.contract_precision<fp32>, transpose_lhs_hint = false} : vector<256x256xf32>, vector<8x256xf32>, vector<256x8xf32> -> vector<256x8xf32>
      %add3A_281 = arith.addf %while3A_167, %dot_general3A_280 : vector<256x8xf32>
      %slice3A_282 = vector.extract_strided_slice %mul3A_265 {offsets = [0, 255], sizes = [256, 1], strides = [1, 1]} : vector<256x256xf32> to vector<256x1xf32>
      %mul3A_283 = arith.mulf %while3A_166, %slice3A_282 : vector<256x1xf32>
      scf.yield %mul3A_283, %add3A_281 : vector<256x1xf32>, vector<256x8xf32>
    }
    %swap3A = arith.constant 0 : index
    %swap3A_160 = arith.constant 0 : index
    %swap3A_161 = arith.constant 0 : index
    %swap3A_162 = vector.load %arg3[%swap3A, %swap3A_160, %swap3A_161] : memref<1x256x8xf32, #tpu.memory_space<vmem>>, vector<1x256x8xf32>
    %swap3A_163 = vector.shape_cast %swap3A_162 : vector<1x256x8xf32> to vector<256x8xf32>
    %swap3A_164 = vector.shape_cast %while3A_159#1 : vector<256x8xf32> to vector<1x256x8xf32>
    tpu.vector_store %arg3[%swap3A, %swap3A_160, %swap3A_161], %swap3A_164 {strides = array<i32>} : memref<1x256x8xf32, #tpu.memory_space<vmem>>, vector<1x256x8xf32>,
    return
  }
  func.func @transform_0(%arg0: i32, %arg1: memref<65xi32, #tpu.memory_space<smem>>) -> (i32, i32, i32) {
    %c0_i32 = arith.constant 0 : i32
    %c0_i32_0 = arith.constant 0 : i32
    %c0_i32_1 = arith.constant 0 : i32
    %c0_i32_2 = arith.constant 0 : i32
    return %c0_i32, %c0_i32_0, %c0_i32_1 : i32, i32, i32
  }
  func.func @transform_1(%arg0: i32, %arg1: memref<65xi32, #tpu.memory_space<smem>>) -> (i32, i32, i32) {
    %c0_i32 = arith.constant 0 : i32
    %c0_i32_0 = arith.constant 0 : i32
    %c0_i32_1 = arith.constant 0 : i32
    return %arg0, %c0_i32, %c0_i32_0 : i32, i32, i32
  }
}

</mosaic_0001>

<sc_bundles>
// kernel: gather_offload_async_start
scs
__scs_entry_jumppad:
0x0: {  	(pc) =	sbr.rel $0x88, $3  }
0x1: {  	(tag) =	ssettag $0x0;
	lr =	simm.s32 $0x1  }
0x2: {  	[smem:$0x3F93] =	sst lr;
	_ =	strace $0xD0000000  }
0x3: {  	_ = 	snop  }
0x4: {  	_ = 	snop  }
0x5: {  	_ = 	snop  }
0x6: {  	_ = 	snop  }
0x7: {  	_ = 	snop  }
__scs_overlays_trampoline_lowered:
0x8: {  	[smem:$0x3FA2] =	sst s0  }
0x9: {  	[smem:$0x3FA3] =	sst s1  }
0xa: {  	[smem:$0x3FA4] =	sst s2  }
0xb: {  	[smem:$0x3FA5] =	sst s3  }
0xc: {  	[smem:$0x3FA6] =	sst s4  }
0xd: {  	[smem:$0x3FA7] =	sst s5  }
0xe: {  	[smem:$0x3FA8] =	sst s6  }
0xf: {  	[smem:$0x3FA9] =	sst s7  }
0x10: {  	[smem:$0x3FAA] =	sst s8  }
0x11: {  	[smem:$0x3FAB] =	sst s9;
	s0 =	simm.s32 @!p0 $0x0  }
0x12: {  	s1 =	sld [smem:$0x3F91];
	s0 =	simm.s32 @p0 $0x1  }
0x13: {  	[smem:$0x3FAC] =	sst s0;
	s0 =	simm.s32 @!p1 $0x0  }
0x14: {  	s2 =	sld [smem:$0x3F90];
	s0 =	simm.s32 @p1 $0x1  }
0x15: {  	[smem:$0x3FAD] =	sst s0;
	s0 =	simm.s32 @!p2 $0x0  }
0x16: {  	s3 =	sld [smem:$0x3FDB];
	s0 =	simm.s32 @p2 $0x1  }
0x17: {  	s4 =	simm.s32 $0x1BF5;
	[smem:$0x3FAF] =	sst s0  }
0x18: {  	s0 =	sld [smem:$0x3F92];
	_ =	swait.ge [sflag:s4], $0x0  }
0x19: {  	s7 =	sld [smem:$0x3F93]  }
0x1a: {  	s8 =	sadd.s32 $0xFFFFE003, lr  }
0x1b: {  	s9 =	sadd.s32 $0xFFFFFEF7, lr;
	s5 =	simm.s32 $0xFFFFFFFF;
	p2 =	slt.u32 s8, $0xFFFFF086  }
0x1c: {  	p1 =	slt.u32 s9, $0xF7A;
	s5 =	simm.s32 @!p2 $0x0  }
0x1d: {  	s5 =	simm.s32 @p1 $0x1;
	p0 =	seq.s32 s7, s2  }
0x1e: {  	s7 =	smul.u32 @!p0 $0xF7A, s2;
	p2 =	seq.s32 @!p0 s5, $0x0  }
0x1f: {  	s9 =	smul.u32 $0xF7A, s1;
	s8 =	simm.s32 @!p0 $0x1BF5;
	p2 =	por !p2, p0  }
0x20: {  	[sflag:s8] =	ssyncset.s32 @!p0 $0xFFFFF086;
	s6 =	sadd.s32 @!p0 s3, s7;
	s7 =	simm.s32 @!p0 $0x108  }
0x21: {  	s3 =	sadd.s32 s3, s9;
	s6 =	sadd.s32 @!p0 $0x88, s6;
	s7 =	simm.s32 @p2 $0x1082  }
0x22: {  	[simem:s7], [sflag:s8] =	dma.local @!p0 [hbm:s6], $0xF7A  }
0x23: {  	s9 =	sor.u32 $0xD0000000, s2;
	s6 =	simm.s32 $0x108;
	_ =	swait.ge @!p0 [sflag:s8], $0x0  }
0x24: {  	s3 =	sadd.s32 $0x88, s3;
	s6 =	simm.s32 @!p1 $0x1082;
	[sflag:s4] =	ssyncset.s32 $0xFFFFF086  }
0x25: {  	[simem:s6], [sflag:s4] =	dma.local [hbm:s3], $0xF7A  }
0x26: {  	[smem:$0x3F93] =	sst s1;
	(tag) =	ssettag s2;
	_ =	strace s9  }
0x27: {  	s1 =	sld [smem:$0x3FA3]  }
0x28: {  	s2 =	sld [smem:$0x3FA4]  }
0x29: {  	s4 =	sld [smem:$0x3FA6]  }
0x2a: {  	p0 =	seq.s32 s5, $0x0;
	s5 =	sld [smem:$0x3FA7]  }
0x2b: {  	s6 =	sld [smem:$0x3FA8]  }
0x2c: {  	s7 =	sld [smem:$0x3FA9]  }
0x2d: {  	s3 =	simm.s32 $0x108;
	s8 =	sld [smem:$0x3FAA]  }
0x2e: {  	s3 =	simm.s32 @!p0 $0x1082;
	s9 =	sld [smem:$0x3FAB]  }
0x2f: {  	lr =	sadd.s32 s0, s3;
	s0 =	sld [smem:$0x3FA2]  }
0x30: {  	s3 =	sld [smem:$0x3FA5]  }
0x31: {  	[smem:$0x3FAE] =	sst s10  }
0x32: {  	s10 =	sld [smem:$0x3FAC];
	_ =	sdelay $0x3  }
0x33: {  	p0 =	seq.s32 s10, $0x1;
	s10 =	sld [smem:$0x3FAE];
	_ =	sdelay $0x3  }
0x34: {  	[smem:$0x3FAE] =	sst s10  }
0x35: {  	s10 =	sld [smem:$0x3FAD];
	_ =	sdelay $0x3  }
0x36: {  	p1 =	seq.s32 s10, $0x1;
	s10 =	sld [smem:$0x3FAE];
	_ =	sdelay $0x3  }
0x37: {  	[smem:$0x3FAE] =	sst s10  }
0x38: {  	s10 =	sld [smem:$0x3FAF]  }
0x39: {  	_ = 	snop;
	(pc) =	sbr.ind lr, $3  }
0x3a: {  	_ = 	snop  }
0x3b: {  	_ = 	snop  }
0x3c: {  	p2 =	seq.s32 s10, $0x1;
	s10 =	sld [smem:$0x3FAE]  }
0x3d: {  	_ =	shalt  }
0x3e: {  	_ =	shalt  }
0x3f: {  	_ =	shalt  }
0x40: {  	_ =	shalt  }
0x41: {  	_ =	shalt  }
0x42: {  	_ =	shalt  }
0x43: {  	_ =	shalt  }
0x44: {  	_ =	shalt  }
0x45: {  	_ =	shalt  }
0x46: {  	_ =	shalt  }
0x47: {  	_ =	shalt  }
0x48: {  	_ =	shalt  }
0x49: {  	_ =	shalt  }
0x4a: {  	_ =	shalt  }
0x4b: {  	_ =	shalt  }
0x4c: {  	_ =	shalt  }
0x4d: {  	_ =	shalt  }
0x4e: {  	_ =	shalt  }
0x4f: {  	_ =	shalt  }
0x50: {  	_ =	shalt  }
0x51: {  	_ =	shalt  }
0x52: {  	_ =	shalt  }
0x53: {  	_ =	shalt  }
0x54: {  	_ =	shalt  }
0x55: {  	_ =	shalt  }
0x56: {  	_ =	shalt  }
0x57: {  	_ =	shalt  }
0x58: {  	_ =	shalt  }
0x59: {  	_ =	shalt  }
0x5a: {  	_ =	shalt  }
0x5b: {  	_ =	shalt  }
0x5c: {  	_ =	shalt  }
0x5d: {  	_ =	shalt  }
0x5e: {  	_ =	shalt  }
0x5f: {  	_ =	shalt  }
0x60: {  	_ =	shalt  }
0x61: {  	_ =	shalt  }
0x62: {  	_ =	shalt  }
0x63: {  	_ =	shalt  }
0x64: {  	_ =	shalt  }
0x65: {  	_ =	shalt  }
0x66: {  	_ =	shalt  }
0x67: {  	_ =	shalt  }
0x68: {  	_ =	shalt  }
0x69: {  	_ =	shalt  }
0x6a: {  	_ =	shalt  }
0x6b: {  	_ =	shalt  }
0x6c: {  	_ =	shalt  }
0x6d: {  	_ =	shalt  }
0x6e: {  	_ =	shalt  }
0x6f: {  	_ =	shalt  }
0x70: {  	_ =	shalt  }
0x71: {  	_ =	shalt  }
0x72: {  	_ =	shalt  }
0x73: {  	_ =	shalt  }
0x74: {  	_ =	shalt  }
0x75: {  	_ =	shalt  }
0x76: {  	_ =	shalt  }
0x77: {  	_ =	shalt  }
0x78: {  	_ =	shalt  }
0x79: {  	_ =	shalt  }
0x7a: {  	_ =	shalt  }
0x7b: {  	_ =	shalt  }
0x7c: {  	_ =	shalt  }
0x7d: {  	_ =	shalt  }
0x7e: {  	_ =	shalt  }
0x7f: {  	_ =	shalt  }
0x80: {  	_ =	shalt  }
0x81: {  	_ =	shalt  }
0x82: {  	_ =	shalt  }
0x83: {  	_ =	shalt  }
0x84: {  	_ =	shalt  }
0x85: {  	_ =	shalt  }
0x86: {  	_ =	shalt  }
0x87: {  	_ =	shalt  }
.Lfunc_end0:
.L_simem_size_0:
called_computation_lowered:
.L_overlay_start_0:
0x88: {  	s2 =	sld [smem:$0x3FD9]  }
0x89: {  	s3 =	sld [smem:$0x3FFE];
	_ =	sdelay $0x1  }
0x8a: {  	s1 =	srdreg.scid  }
0x8b: {  	s0 =	sand.u32 $0x1, s1  }
0x8c: {  	s14 =	sshll.u32 s0, $0xA;
	s2 =	sadd.s32 s3, s2  }
0x8d: {  	s2 =	sadd.s32 s2, s14  }
0x8e: {  	[smem:$0x3FBA] =	sst s2  }
0x8f: {  	_ = 	snop  }
0x90: {  	s2 =	sld [smem:$0x3FD0];
	_ =	sdelay $0x2  }
0x91: {  	s15 =	simm.s32 $0xA;
	s4 =	simm.s32 $0x10  }
0x92: {  	[smem:s4], [sflag:s15] =	dma.local [hbm:s2], $0x1  }
0x93: {  	_ =	swait.eq [sflag:s15], $0x1  }
0x94: {  	[sflag:s15] =	ssyncset.done $0x0  }
0x95: {  	[sflag:s15] =	ssyncadd.s32 $0xFFFFFFFF  }
0x96: {  	s16 =	sld [smem:$0x12];
	(tm) =	ssettm $0x1  }
0x97: {  	s17 =	sld [smem:$0x3FFB];
	_ =	sdelay $0x3  }
0x98: {  	_ =	strace s17  }
0x99: {  	s3 =	sld [smem:$0x3FFC];
	_ =	sdelay $0x3  }
0x9a: {  	_ =	strace s3  }
0x9b: {  	s3 =	sld [smem:$0x3FFD];
	_ =	sdelay $0x3  }
0x9c: {  	_ =	strace s3  }
0x9d: {  	_ =	strace $0x8FFFFFFF  }
0x9e: {  	s18 =	sld [smem:$0x3FDB];
	_ =	sdelay $0x1  }
0x9f: {  	s19 =	simm.s32 $_scs_section_size  }
0xa0: {  	s5 =	simm.s32 $_size__tile_overlayer_lowered;
	s6 =	simm.s32 $_tile_overlayer_lowered  }
0xa1: {  	s22 =	simm.s32 $0x1BFF;
	s21 =	sshll.u32 s6, $0x1;
	s3 =	sadd.s32 s19, s18  }
0xa2: {  	s7 =	simm.s32 $0x0;
	s20 =	sshll.u32 s5, $0x1;
	s5 =	sadd.s32 s21, s3  }
0xa3: {  	[timem:s7], [sflag:s22] =	dma.local [hbm:s5], s20  }
0xa4: {  	_ =	swait.ge [sflag:s22], s20  }
0xa5: {  	s4 =	ssub.s32 $0x0, s20;
	[sflag:s22] =	ssyncset.done $0x0  }
0xa6: {  	[sflag:s22] =	ssyncadd.s32 s4;
	_ =	sdelay $0x1  }
0xa7: {  	s23 =	simm.s32 $0x1B8B  }
0xa8: {  	_ =	swait.ge [sflag:s23], $0x1  }
0xa9: {  	[sflag:s23] =	ssyncset.done $0x0  }
0xaa: {  	s25 =	simm.s32 $0x1B8E;
	s24 =	sld [smem:$0x3FFE];
	[sflag:s23] =	ssyncadd.s32 $0xFFFFFFFF  }
0xab: {  	s26 =	simm.s32 $execute0_lowered;
	[smem:$0x3FD2] =	sst s25  }
0xac: {  	s5 =	sshll.u32 s26, $0x1;
	_ =	strace $0x80000046;
	[dreg:$0x1] =	wrdreg $0xFFFFFFFF  }
0xad: {  	s28 =	simm.s32 $_size_execute0_lowered;
	s3 =	sadd.s32 s3, s5;
	[dreg:$0x0] =	wrdreg $0x0  }
0xae: {  	s5 =	sshll.u32 s28, $0x1;
	[dreg:$0x2] =	wrdreg s3  }
0xaf: {  	[dreg:$0x3] =	wrdreg s5  }
0xb0: {  	[dreg:$0x4] =	wrdreg $0xC0  }
0xb1: {  	_ =	task [dreg:s7], $0x5FFFF  }
0xb2: {  	[dreg:$0x1] =	wrdreg $0xFFFFFFFF  }
0xb3: {  	[dreg:$0x0] =	wrdreg $0x60  }
0xb4: {  	[dreg:$0x2] =	wrdreg s24  }
0xb5: {  	[dreg:$0x3] =	wrdreg s16  }
0xb6: {  	[dreg:$0x4] =	wrdreg $0x9  }
0xb7: {  	_ =	task.clear_ibuf [dreg:s7], $0x5FFFF;
	_ =	strace $0x90000046  }
0xb8: {  	s29 =	simm.s32 $0x9;
	_ =	strace $0x80000048  }
0xb9: {  	_ =	swait.ge [sflag:s29], $0x1  }
0xba: {  	[sflag:s29] =	ssyncadd.s32 $0xFFFFFFFF  }
0xbb: {  	_ =	strace $0x90000048  }
0xbc: {  	_ =	sfence  }
0xbd: {  	s30 =	sld [smem:$0x0];
	_ =	sdelay $0x2  }
0xbe: {  	s31 =	sshll.u32 s1, $0xD;
	s1 =	sshrl.u32 s1, $0x2  }
0xbf: {  	s3 =	sand.u32 $0x4000, s31;
	s1 =	sadd.s32 s1, s30  }
0xc0: {  	s0 =	sor.u32 s3, s0;
	s1 =	sshll.u32 s1, $0x11  }
0xc1: {  	s0 =	sor.u32 s1, s0  }
0xc2: {  	s0 =	sadd.s32 $0x8F2B, s0  }
0xc3: {  	[sflag:s0] =	ssyncadd.remote.s32 $0x1  }
0xc4: {  	_ =	sfence.sel $0xFFFF  }
0xc5: {  	[dreg:$0x0] =	wrdreg $0xFFFFFFFF;
	(pc) =	sbr.abs _section_cstart, $3  }
0xc6: {  	[dreg:$0x1] =	wrdreg $0xFFFFFFFF  }
0xc7: {  	_ =	task.clear_ibuf [dreg:s7], $0x2FFFF;
	_ =	strace $0x9FFFFFFF  }
0xc8: {  	(tm) =	ssettm $0x7FFFFFFF  }
0xc9: {  	_ =	shalt  }
tec
execute0_lowered:
.L_overlay_start_1:
0x0: {  	(tag) =	ssettag $0x1  }
0x1: {  	s2 =	rddreg [dreg:$0x0]  }
0x2: {  	s3 =	rddreg [dreg:$0x1]  }
0x3: {  	s0 =	rddreg [dreg:$0x2];
	s1 =	srdreg.scid;
	_ =	strace $0x80000047  }
0x4: {  	s4 =	simm.s32 $0x1;
	s9 =	simm.s32 $0x3;
	s5 =	sshll.u32 s1, $0x4  }
.Ltmp0:
0x5: {  	s1 =	stileid.u32;
	s5 =	sand.u32 $0x10, s5;
	(pc) =	sbr.rel .LBB2_1-.Ltmp0, $4  }
0x6: {  	s12 =	simm.s32 $0x0;
	s10 =	simm.s32 $0x0;
	s6 =	sor.u32 s1, s5  }
0x7: {  	[sflag:s4] =	ssyncpa.u1 $0x0;
	s5 =	simm.s32 $0x2;
	s6 =	sshll.u32 s6, $0x8  }
0x8: {  	s7 =	sadd.s32 $0x20000, s2;
	[sflag:s5] =	ssyncpa.u1 $0x0;
	s8 =	sadd.s32 $0x100, s6  }
0x9: {  	vm0 =	vmmov $0xff;
	vm1 =	vcmask $0x3F20;
	[sflag:s9] =	ssyncpa.u1 $0x0;
	s9 =	simm.s32 $0x100;
	s11 =	smov.u32 s6  }
.LBB2_9:
0xa: {  	p0 =	seq.s32 s10, $0x2  }
.Ltmp1:
0xb: {  	_ = 	snop;
	(pc) =	sbr.rel @p0 .LBB2_11-.Ltmp1, $1  }
0xc: {  	_ =	sdelay $0x3  }
.LBB2_10:
0xd: {  	s12 =	sadd.s32 $0x100, s11  }
0xe: {  	s13 =	smov.u32 s6;
	p0 =	slt.s32 s12, s8  }
0xf: {  	s13 =	smov.u32 @p0 s12  }
0x10: {  	s10 =	sadd.s32 $0x1, s10;
	s12 =	smov.u32 s11;
	s11 =	smov.u32 s13  }
.LBB2_1:
0x11: {  	p0 =	sne.s32 s10, $0x0  }
.Ltmp2:
0x12: {  	_ = 	snop;
	(pc) =	sbr.rel @!p0 .LBB2_2-.Ltmp2, $1  }
0x13: {  	_ =	sdelay $0x3  }
0x14: {  	s13 =	sand.u32 $0x1, s10  }
0x15: {  	p0 =	seq.s32 s13, $0x0  }
.Ltmp3:
0x16: {  	_ = 	snop;
	(pc) =	sbr.rel @p0 .LBB2_9-.Ltmp3, $1  }
0x17: {  	_ =	sdelay $0x3  }
0x18: {  	_ =	swait.ge [sflag:s5], $0x100  }
0x19: {  	[sflag:s5] =	ssyncset.done $0x0  }
0x1a: {  	s13 =	simm.s32 $0x0;
	[sflag:s5] =	ssyncadd.s32 $0xFFFFFF00  }
0x1b: {  	v0 =	vld.msk [tilespmem:s13+$0x100 ss:$0x1], $0xffff;
	_ =	sdelay $0x4  }
0x1c: {  	vm2 =	vgt.s32 v0, $0x0  }
0x1d: {  	v0 =	vnsel vm2, $0x0, v0  }
0x1e: {  	v0 =	vmin.u32 v0, $0x1FFF  }
0x1f: {  	v0 =	vshll.u32 v0, $0x4;
	_ =	sdelay $0x3  }
0x20: {  	s13 =	simm.s32 $0x8200  }
0x21: {  	[tilespmem:s13], [sflag:$0x1] =	stream.indirect_vreg.gather [hbm:s2], $0x80, v0, vm0, $0x38;
	[tilespmem:$0x10200] =	vst v63  }
0x22: {  	s14 =	simm.s32 $0x8600;
	s31 =	simm.s32 $0x10  }
0x23: {  	[tilespmem:s14], [sflag:$0x1] =	stream.indirect_vreg.gather [hbm:s2], $0x80, v0, vm1, $0x38;
	[tilespmem:$0x10200] =	vst v63  }
0x24: {  	s14 =	simm.s32 $0x80;
	v0 =	vld.msk [tilespmem:s31+$0x100 ss:$0x1], $0xffff  }
.LBB2_5:
0x25: {  	p0 =	sne.s32 s14, $0x3C0;
	_ =	sdelay $0x4  }
0x26: {  	vm2 =	vgt.s32 v0, $0x0  }
0x27: {  	v0 =	vnsel vm2, $0x0, v0  }
0x28: {  	v0 =	vmin.u32 v0, $0x1FFF  }
0x29: {  	v0 =	vshll.u32 v0, $0x4;
	_ =	sdelay $0x3  }
.Ltmp4:
0x2a: {  	s13 =	sadd.s32 $0x800, s13;
	(pc) =	sbr.rel @p0 .LBB2_5-.Ltmp4, $4  }
0x2b: {  	[tilespmem:s13], [sflag:$0x1] =	stream.indirect_vreg.gather [hbm:s2], $0x80, v0, vm0, $0x38;
	[tilespmem:$0x10200] =	vst v63  }
0x2c: {  	s15 =	sshra.s32 s14, $0x2;
	s16 =	sadd.s32 $0x400, s13  }
0x2d: {  	[tilespmem:s16], [sflag:$0x1] =	stream.indirect_vreg.gather [hbm:s2], $0x80, v0, vm1, $0x38;
	[tilespmem:$0x10200] =	vst v63  }
0x2e: {  	s14 =	sadd.s32 $0x40, s14;
	v0 =	vld.msk [tilespmem:s15+$0x100 ss:$0x1], $0xffff  }
0x2f: {  	_ =	sdelay $0x3  }
0x30: {  	vm2 =	vgt.s32 v0, $0x0  }
0x31: {  	v0 =	vnsel vm2, $0x0, v0  }
0x32: {  	v0 =	vmin.u32 v0, $0x1FFF  }
0x33: {  	v0 =	vshll.u32 v0, $0x4;
	_ =	sdelay $0x3  }
0x34: {  	s13 =	sadd.s32 $0x800, s13  }
0x35: {  	[tilespmem:s13], [sflag:$0x1] =	stream.indirect_vreg.gather [hbm:s2], $0x80, v0, vm0, $0x38;
	[tilespmem:$0x10200] =	vst v63  }
0x36: {  	s13 =	sadd.s32 $0x400, s13  }
0x37: {  	[tilespmem:s13], [sflag:$0x1] =	stream.indirect_vreg.gather [hbm:s2], $0x80, v0, vm1, $0x38;
	[tilespmem:$0x10200] =	vst v63  }
0x38: {  	s12 =	sshll.u32 s12, $0x4;
	s14 =	simm.s32 $0x80;
	_ =	swait.ge [sflag:s4], $0x8000  }
0x39: {  	s15 =	simm.s32 $0x8600;
	s12 =	sadd.s32 s12, s7;
	[sflag:s4] =	ssyncset.done $0x0  }
0x3a: {  	s16 =	sadd.s32 $0x0, s12;
	s13 =	simm.s32 $0x8200;
	[sflag:s4] =	ssyncadd.s32 $0xFFFF8000  }
.LBB2_7:
0x3b: {  	[hbm:s16] =	stream.linear.scatter [tilespmem:s13], [sflag:$0x3], $0x400, $0x38;
	[tilespmem:$0x10200] =	vst v63  }
0x3c: {  	s16 =	smov.u32 s14;
	s13 =	smov.u32 s15;
	p0 =	sne.s32 s14, $0xF80  }
.Ltmp5:
0x3d: {  	s14 =	sadd.s32 $0x80, s14;
	(pc) =	sbr.rel @p0 .LBB2_7-.Ltmp5, $2  }
0x3e: {  	_ =	sdelay $0x2  }
0x3f: {  	s15 =	sadd.s32 $0x400, s15;
	s16 =	sadd.s32 s16, s12  }
.Ltmp6:
0x40: {  	(pc) =	sbr.rel .LBB2_9-.Ltmp6, $2  }
0x41: {  	_ =	sdelay $0x2  }
0x42: {  	[hbm:s16] =	stream.linear.scatter [tilespmem:s13], [sflag:$0x3], $0x400, $0x38;
	[tilespmem:$0x10200] =	vst v63  }
.LBB2_2:
.Ltmp7:
0x43: {  	(pc) =	sbr.rel .LBB2_10-.Ltmp7, $4  }
0x44: {  	_ = 	snop  }
0x45: {  	s12 =	sshrl.u32 s11, $0x3  }
0x46: {  	s13 =	sand.u32 $0x7, s11;
	s12 =	sadd.s32 s3, s12  }
0x47: {  	[tilespmem:s9], [sflag:$0x2] =	stream.linear.gather [hbm4b:s12+s13], $0x100, $0x38;
	[tilespmem:$0x10200] =	vst v63  }
.LBB2_11:
0x48: {  	s2 =	simm.s32 $0x3  }
0x49: {  	_ =	swait.ge [sflag:s2], $0x8000  }
0x4a: {  	[sflag:s2] =	ssyncset.done $0x0  }
0x4b: {  	[sflag:s2] =	ssyncadd.s32 $0xFFFF8000  }
0x4c: {  	_ =	sfence.sel $0x180000  }
0x4d: {  	s3 =	simm.s32 $0x2;
	[bflag:$0x0] =	sbarrier.arrive $0xFFFF  }
0x4e: {  	[sflag:s3] =	ssyncpa.u1 $0x1  }
0x4f: {  	s31 =	simm.s32 $0x1;
	[sflag:s2] =	ssyncpa.u1 $0x1  }
0x50: {  	[sflag:s31] =	ssyncpa.u1 $0x1  }
0x51: {  	p0 =	sne.s32 s1, $0x0;
	_ =	strace $0x90000047  }
0x52: {  	s0 =	sadd.s32 @!p0 $0x100000, s0;
	[bflag:$0x2] =	sbarrier.arrive $0xFFFF  }
0x53: {  	[sflag:s0] =	ssyncadd.tile.s32 @!p0 $0x1;
	_ =	shalt  }
.Lfunc_end2:
_tile_overlayer_lowered:
.L_overlay_start_2:
0x54: {  	(tag) =	ssettag $0x2  }
0x55: {  	s0 =	rddreg [dreg:$0x0];
	s2 =	stileid.u32  }
0x56: {  	s1 =	rddreg [dreg:$0x1];
	p0 =	sne.s32 s2, $0x0  }
0x57: {  	s3 =	rddreg [dreg:$0x2];
	[bflag:$0x3] =	sbarrier.arrive $0xFFFF;
	s2 =	simm.s32 @!p0 $0x1C01  }
0x58: {  	[timem:s3], [sflag:s2] =	dma.local @!p0 [hbm:s0], s1  }
0x59: {  	s0 =	simm.s32 @!p0 $0x1  }
0x5a: {  	_ =	swait.ge @!p0 [sflag:s0], s1  }
0x5b: {  	s1 =	ssub.s32 @!p0 $0x0, s1;
	[sflag:s0] =	ssyncset.done @!p0 $0x0  }
0x5c: {  	[sflag:s0] =	ssyncadd.s32 @!p0 s1  }
0x5d: {  	[bflag:$0x3] =	sbarrier.arrive $0xFFFF  }
0x5e: {  	_ =	shalt  }

// kernel: kernel.5.cloned.1.call-start
scs
__scs_entry_jumppad:
0x0: {  	(pc) =	sbr.rel $0x88, $3  }
0x1: {  	(tag) =	ssettag $0x0;
	lr =	simm.s32 $0x1  }
0x2: {  	[smem:$0x3F93] =	sst lr;
	_ =	strace $0xD0000000  }
0x3: {  	_ = 	snop  }
0x4: {  	_ = 	snop  }
0x5: {  	_ = 	snop  }
0x6: {  	_ = 	snop  }
0x7: {  	_ = 	snop  }
__scs_overlays_trampoline_lowered:
0x8: {  	[smem:$0x3FA2] =	sst s0  }
0x9: {  	[smem:$0x3FA3] =	sst s1  }
0xa: {  	[smem:$0x3FA4] =	sst s2  }
0xb: {  	[smem:$0x3FA5] =	sst s3  }
0xc: {  	[smem:$0x3FA6] =	sst s4  }
0xd: {  	[smem:$0x3FA7] =	sst s5  }
0xe: {  	[smem:$0x3FA8] =	sst s6  }
0xf: {  	[smem:$0x3FA9] =	sst s7  }
0x10: {  	[smem:$0x3FAA] =	sst s8  }
0x11: {  	[smem:$0x3FAB] =	sst s9;
	s0 =	simm.s32 @!p0 $0x0  }
0x12: {  	s1 =	sld [smem:$0x3F91];
	s0 =	simm.s32 @p0 $0x1  }
0x13: {  	[smem:$0x3FAC] =	sst s0;
	s0 =	simm.s32 @!p1 $0x0  }
0x14: {  	s2 =	sld [smem:$0x3F90];
	s0 =	simm.s32 @p1 $0x1  }
0x15: {  	[smem:$0x3FAD] =	sst s0;
	s0 =	simm.s32 @!p2 $0x0  }
0x16: {  	s3 =	sld [smem:$0x3FDB];
	s0 =	simm.s32 @p2 $0x1  }
0x17: {  	s4 =	simm.s32 $0x1BF5;
	[smem:$0x3FAF] =	sst s0  }
0x18: {  	s0 =	sld [smem:$0x3F92];
	_ =	swait.ge [sflag:s4], $0x0  }
0x19: {  	s7 =	sld [smem:$0x3F93]  }
0x1a: {  	s8 =	sadd.s32 $0xFFFFE003, lr  }
0x1b: {  	s9 =	sadd.s32 $0xFFFFFEF7, lr;
	s5 =	simm.s32 $0xFFFFFFFF;
	p2 =	slt.u32 s8, $0xFFFFF086  }
0x1c: {  	p1 =	slt.u32 s9, $0xF7A;
	s5 =	simm.s32 @!p2 $0x0  }
0x1d: {  	s5 =	simm.s32 @p1 $0x1;
	p0 =	seq.s32 s7, s2  }
0x1e: {  	s7 =	smul.u32 @!p0 $0xF7A, s2;
	p2 =	seq.s32 @!p0 s5, $0x0  }
0x1f: {  	s9 =	smul.u32 $0xF7A, s1;
	s8 =	simm.s32 @!p0 $0x1BF5;
	p2 =	por !p2, p0  }
0x20: {  	[sflag:s8] =	ssyncset.s32 @!p0 $0xFFFFF086;
	s6 =	sadd.s32 @!p0 s3, s7;
	s7 =	simm.s32 @!p0 $0x108  }
0x21: {  	s3 =	sadd.s32 s3, s9;
	s6 =	sadd.s32 @!p0 $0x88, s6;
	s7 =	simm.s32 @p2 $0x1082  }
0x22: {  	[simem:s7], [sflag:s8] =	dma.local @!p0 [hbm:s6], $0xF7A  }
0x23: {  	s9 =	sor.u32 $0xD0000000, s2;
	s6 =	simm.s32 $0x108;
	_ =	swait.ge @!p0 [sflag:s8], $0x0  }
0x24: {  	s3 =	sadd.s32 $0x88, s3;
	s6 =	simm.s32 @!p1 $0x1082;
	[sflag:s4] =	ssyncset.s32 $0xFFFFF086  }
0x25: {  	[simem:s6], [sflag:s4] =	dma.local [hbm:s3], $0xF7A  }
0x26: {  	[smem:$0x3F93] =	sst s1;
	(tag) =	ssettag s2;
	_ =	strace s9  }
0x27: {  	s1 =	sld [smem:$0x3FA3]  }
0x28: {  	s2 =	sld [smem:$0x3FA4]  }
0x29: {  	s4 =	sld [smem:$0x3FA6]  }
0x2a: {  	p0 =	seq.s32 s5, $0x0;
	s5 =	sld [smem:$0x3FA7]  }
0x2b: {  	s6 =	sld [smem:$0x3FA8]  }
0x2c: {  	s7 =	sld [smem:$0x3FA9]  }
0x2d: {  	s3 =	simm.s32 $0x108;
	s8 =	sld [smem:$0x3FAA]  }
0x2e: {  	s3 =	simm.s32 @!p0 $0x1082;
	s9 =	sld [smem:$0x3FAB]  }
0x2f: {  	lr =	sadd.s32 s0, s3;
	s0 =	sld [smem:$0x3FA2]  }
0x30: {  	s3 =	sld [smem:$0x3FA5]  }
0x31: {  	[smem:$0x3FAE] =	sst s10  }
0x32: {  	s10 =	sld [smem:$0x3FAC];
	_ =	sdelay $0x3  }
0x33: {  	p0 =	seq.s32 s10, $0x1;
	s10 =	sld [smem:$0x3FAE];
	_ =	sdelay $0x3  }
0x34: {  	[smem:$0x3FAE] =	sst s10  }
0x35: {  	s10 =	sld [smem:$0x3FAD];
	_ =	sdelay $0x3  }
0x36: {  	p1 =	seq.s32 s10, $0x1;
	s10 =	sld [smem:$0x3FAE];
	_ =	sdelay $0x3  }
0x37: {  	[smem:$0x3FAE] =	sst s10  }
0x38: {  	s10 =	sld [smem:$0x3FAF]  }
0x39: {  	_ = 	snop;
	(pc) =	sbr.ind lr, $3  }
0x3a: {  	_ = 	snop  }
0x3b: {  	_ = 	snop  }
0x3c: {  	p2 =	seq.s32 s10, $0x1;
	s10 =	sld [smem:$0x3FAE]  }
0x3d: {  	_ =	shalt  }
0x3e: {  	_ =	shalt  }
0x3f: {  	_ =	shalt  }
0x40: {  	_ =	shalt  }
0x41: {  	_ =	shalt  }
0x42: {  	_ =	shalt  }
0x43: {  	_ =	shalt  }
0x44: {  	_ =	shalt  }
0x45: {  	_ =	shalt  }
0x46: {  	_ =	shalt  }
0x47: {  	_ =	shalt  }
0x48: {  	_ =	shalt  }
0x49: {  	_ =	shalt  }
0x4a: {  	_ =	shalt  }
0x4b: {  	_ =	shalt  }
0x4c: {  	_ =	shalt  }
0x4d: {  	_ =	shalt  }
0x4e: {  	_ =	shalt  }
0x4f: {  	_ =	shalt  }
0x50: {  	_ =	shalt  }
0x51: {  	_ =	shalt  }
0x52: {  	_ =	shalt  }
0x53: {  	_ =	shalt  }
0x54: {  	_ =	shalt  }
0x55: {  	_ =	shalt  }
0x56: {  	_ =	shalt  }
0x57: {  	_ =	shalt  }
0x58: {  	_ =	shalt  }
0x59: {  	_ =	shalt  }
0x5a: {  	_ =	shalt  }
0x5b: {  	_ =	shalt  }
0x5c: {  	_ =	shalt  }
0x5d: {  	_ =	shalt  }
0x5e: {  	_ =	shalt  }
0x5f: {  	_ =	shalt  }
0x60: {  	_ =	shalt  }
0x61: {  	_ =	shalt  }
0x62: {  	_ =	shalt  }
0x63: {  	_ =	shalt  }
0x64: {  	_ =	shalt  }
0x65: {  	_ =	shalt  }
0x66: {  	_ =	shalt  }
0x67: {  	_ =	shalt  }
0x68: {  	_ =	shalt  }
0x69: {  	_ =	shalt  }
0x6a: {  	_ =	shalt  }
0x6b: {  	_ =	shalt  }
0x6c: {  	_ =	shalt  }
0x6d: {  	_ =	shalt  }
0x6e: {  	_ =	shalt  }
0x6f: {  	_ =	shalt  }
0x70: {  	_ =	shalt  }
0x71: {  	_ =	shalt  }
0x72: {  	_ =	shalt  }
0x73: {  	_ =	shalt  }
0x74: {  	_ =	shalt  }
0x75: {  	_ =	shalt  }
0x76: {  	_ =	shalt  }
0x77: {  	_ =	shalt  }
0x78: {  	_ =	shalt  }
0x79: {  	_ =	shalt  }
0x7a: {  	_ =	shalt  }
0x7b: {  	_ =	shalt  }
0x7c: {  	_ =	shalt  }
0x7d: {  	_ =	shalt  }
0x7e: {  	_ =	shalt  }
0x7f: {  	_ =	shalt  }
0x80: {  	_ =	shalt  }
0x81: {  	_ =	shalt  }
0x82: {  	_ =	shalt  }
0x83: {  	_ =	shalt  }
0x84: {  	_ =	shalt  }
0x85: {  	_ =	shalt  }
0x86: {  	_ =	shalt  }
0x87: {  	_ =	shalt  }
.Lfunc_end0:
.L_simem_size_0:
called_computation.1_lowered:
.L_overlay_start_0:
0x88: {  	s2 =	sld [smem:$0x3FD9]  }
0x89: {  	s3 =	sld [smem:$0x3FFE];
	_ =	sdelay $0x1  }
0x8a: {  	s1 =	srdreg.scid  }
0x8b: {  	s0 =	sand.u32 $0x1, s1  }
0x8c: {  	s16 =	sshll.u32 s0, $0xA;
	s2 =	sadd.s32 s3, s2  }
0x8d: {  	s2 =	sadd.s32 s2, s16  }
0x8e: {  	[smem:$0x3FBA] =	sst s2  }
0x8f: {  	_ = 	snop  }
0x90: {  	(tm) =	ssettm $0x1  }
0x91: {  	s17 =	sld [smem:$0x3FFB];
	_ =	sdelay $0x3  }
0x92: {  	_ =	strace s17  }
0x93: {  	s2 =	sld [smem:$0x3FFC];
	_ =	sdelay $0x3  }
0x94: {  	_ =	strace s2  }
0x95: {  	s2 =	sld [smem:$0x3FFD];
	_ =	sdelay $0x3  }
0x96: {  	_ =	strace s2  }
0x97: {  	_ =	strace $0x8FFFFFFF  }
0x98: {  	s18 =	sld [smem:$0x3FDB];
	_ =	sdelay $0x1  }
0x99: {  	s19 =	simm.s32 $_scs_section_size  }
0x9a: {  	s4 =	simm.s32 $_size__tile_overlayer_lowered;
	s5 =	simm.s32 $_tile_overlayer_lowered  }
0x9b: {  	s22 =	simm.s32 $0x1BFF;
	s21 =	sshll.u32 s5, $0x1;
	s2 =	sadd.s32 s19, s18  }
0x9c: {  	s6 =	simm.s32 $0x0;
	s20 =	sshll.u32 s4, $0x1;
	s4 =	sadd.s32 s21, s2  }
0x9d: {  	[timem:s6], [sflag:s22] =	dma.local [hbm:s4], s20  }
0x9e: {  	_ =	swait.ge [sflag:s22], s20  }
0x9f: {  	s3 =	ssub.s32 $0x0, s20;
	[sflag:s22] =	ssyncset.done $0x0  }
0xa0: {  	[sflag:s22] =	ssyncadd.s32 s3;
	_ =	sdelay $0x1  }
0xa1: {  	s23 =	simm.s32 $0x1B8B  }
0xa2: {  	_ =	swait.ge [sflag:s23], $0x1  }
0xa3: {  	[sflag:s23] =	ssyncset.done $0x0  }
0xa4: {  	s25 =	simm.s32 $0x1B8E;
	s24 =	sld [smem:$0x3FFE];
	[sflag:s23] =	ssyncadd.s32 $0xFFFFFFFF  }
0xa5: {  	s26 =	simm.s32 $execute0_lowered;
	[smem:$0x3FD2] =	sst s25  }
0xa6: {  	s4 =	sshll.u32 s26, $0x1;
	_ =	strace $0x80000049;
	[dreg:$0x1] =	wrdreg $0xFFFFFFFF  }
0xa7: {  	s28 =	simm.s32 $_size_execute0_lowered;
	s2 =	sadd.s32 s2, s4;
	[dreg:$0x0] =	wrdreg $0x0  }
0xa8: {  	s4 =	sshll.u32 s28, $0x1;
	[dreg:$0x2] =	wrdreg s2  }
0xa9: {  	[dreg:$0x3] =	wrdreg s4  }
0xaa: {  	[dreg:$0x4] =	wrdreg $0xC0  }
0xab: {  	_ =	task [dreg:s6], $0x5FFFF  }
0xac: {  	[dreg:$0x1] =	wrdreg $0xFFFFFFFF  }
0xad: {  	[dreg:$0x0] =	wrdreg $0x60  }
0xae: {  	[dreg:$0x2] =	wrdreg s24  }
0xaf: {  	[dreg:$0x3] =	wrdreg $0x9  }
0xb0: {  	_ =	task.clear_ibuf [dreg:s6], $0x4FFFF;
	_ =	strace $0x90000049  }
0xb1: {  	s29 =	simm.s32 $0x9;
	_ =	strace $0x8000004B  }
0xb2: {  	_ =	swait.ge [sflag:s29], $0x1  }
0xb3: {  	[sflag:s29] =	ssyncadd.s32 $0xFFFFFFFF  }
0xb4: {  	_ =	strace $0x9000004B  }
0xb5: {  	_ =	sfence  }
0xb6: {  	s30 =	sld [smem:$0x0];
	_ =	sdelay $0x2  }
0xb7: {  	s31 =	sshll.u32 s1, $0xD;
	s1 =	sshrl.u32 s1, $0x2  }
0xb8: {  	s3 =	sand.u32 $0x4000, s31;
	s1 =	sadd.s32 s1, s30  }
0xb9: {  	s0 =	sor.u32 s3, s0;
	s1 =	sshll.u32 s1, $0x11  }
0xba: {  	s0 =	sor.u32 s1, s0  }
0xbb: {  	s0 =	sadd.s32 $0x8F2B, s0  }
0xbc: {  	[sflag:s0] =	ssyncadd.remote.s32 $0x1  }
0xbd: {  	_ =	sfence.sel $0xFFFF  }
0xbe: {  	[dreg:$0x0] =	wrdreg $0xFFFFFFFF;
	(pc) =	sbr.abs _section_cstart, $3  }
0xbf: {  	[dreg:$0x1] =	wrdreg $0xFFFFFFFF  }
0xc0: {  	_ =	task.clear_ibuf [dreg:s6], $0x2FFFF;
	_ =	strace $0x9FFFFFFF  }
0xc1: {  	(tm) =	ssettm $0x7FFFFFFF  }
tec
execute0_lowered:
.L_overlay_start_1:
0x0: {  	(tag) =	ssettag $0x1  }
0x1: {  	s2 =	stileid.u32  }
0x2: {  	s4 =	rddreg [dreg:$0x0];
	s9 =	sshll.u32 s2, $0x1;
	s2 =	simm.s32 $0x0  }
0x3: {  	s11 =	simm.s32 $0x1100;
	[smem:$0x7FF] =	sst s2  }
0x4: {  	s12 =	simm.s32 $0x100;
	_ =	strace $0x8000004A;
	[dreg:$0x4] =	wrdreg s11  }
0x5: {  	s13 =	simm.s32 $0x1900;
	[dreg:$0x5] =	wrdreg s12  }
0x6: {  	s14 =	simm.s32 $0x180;
	[dreg:$0x6] =	wrdreg s13  }
0x7: {  	s0 =	srdreg.scid;
	s15 =	simm.s32 $0x2100;
	[dreg:$0x7] =	wrdreg s14  }
0x8: {  	s16 =	simm.s32 $0x200;
	s1 =	sand.u32 $0x1, s0;
	[dreg:$0x8] =	wrdreg s15  }
0x9: {  	s17 =	simm.s32 $0x2900;
	s0 =	sor.u32 s1, s9;
	[dreg:$0x9] =	wrdreg s16  }
0xa: {  	s18 =	simm.s32 $0x280;
	s3 =	smul.u32 $0x1200, s0;
	[dreg:$0xa] =	wrdreg s17  }
0xb: {  	s19 =	simm.s32 $0x3100;
	s0 =	smul.u32 $0x120, s0;
	[dreg:$0xb] =	wrdreg s18  }
0xc: {  	s20 =	simm.s32 $0x300;
	[dreg:$0xc] =	wrdreg s19  }
0xd: {  	[dreg:$0xd] =	wrdreg s20;
	s3 =	sadd.s32 s3, s4;
	s0 =	sadd.s32 s4, s0  }
0xe: {  	[dreg:$0x2] =	wrdreg s0;
	s10 =	sadd.s32 $0x6400, s3  }
0xf: {  	[dreg:$0x3] =	wrdreg s10  }
0x10: {  	s3 =	simm.s32 $0x2;
	s5 =	rddreg [dreg:$0x2]  }
0x11: {  	[tilespmem:s2], [sflag:$0x2] =	stream.linear.gather [hbm4b:s5+s2], $0x900, $0x38;
	[tilespmem:$0x9900] =	vst v63  }
0x12: {  	_ =	swait.ge [sflag:s3], $0x900  }
0x13: {  	s21 =	rddreg [dreg:$0xc]  }
0x14: {  	s6 =	simm.s32 $0x900;
	s7 =	rddreg [dreg:$0xa]  }
0x15: {  	s4 =	sadd.s32 $0x2400, s4;
	s8 =	rddreg [dreg:$0x5];
	[sflag:s3] =	ssyncset.done $0x0  }
0x16: {  	s5 =	simm.s32 $0x80;
	s9 =	rddreg [dreg:$0x4];
	[sflag:s3] =	ssyncadd.s32 $0xFFFFF700  }
0x17: {  	[tilespmem:s6], [sflag:$0x1] =	stream.indirect.gather [hbm4b:s4+s5], $0x10, s2, s5, $0xb8;
	[tilespmem:$0x9900] =	vst v63  }
0x18: {  	s10 =	rddreg [dreg:$0x6]  }
0x19: {  	[tilespmem:s9], [sflag:$0x1] =	stream.indirect.gather [hbm4b:s4+s5], $0x10, s5, s5, $0xb8;
	[tilespmem:$0x9900] =	vst v63  }
0x1a: {  	s11 =	rddreg [dreg:$0x8]  }
0x1b: {  	[tilespmem:s10], [sflag:$0x1] =	stream.indirect.gather [hbm4b:s4+s5], $0x10, s8, s5, $0xb8;
	[tilespmem:$0x9900] =	vst v63  }
0x1c: {  	s22 =	rddreg [dreg:$0x7]  }
0x1d: {  	[tilespmem:s11], [sflag:$0x1] =	stream.indirect.gather [hbm4b:s4+s5], $0x10, s22, s5, $0xb8;
	[tilespmem:$0x9900] =	vst v63  }
0x1e: {  	s23 =	rddreg [dreg:$0x9]  }
0x1f: {  	[tilespmem:s7], [sflag:$0x1] =	stream.indirect.gather [hbm4b:s4+s5], $0x10, s23, s5, $0xb8;
	[tilespmem:$0x9900] =	vst v63  }
0x20: {  	s24 =	rddreg [dreg:$0xb]  }
0x21: {  	[tilespmem:s21], [sflag:$0x1] =	stream.indirect.gather [hbm4b:s4+s5], $0x10, s24, s5, $0xb8;
	[tilespmem:$0x9900] =	vst v63  }
0x22: {  	s26 =	simm.s32 $0x3900;
	s25 =	rddreg [dreg:$0xd]  }
0x23: {  	[tilespmem:s26], [sflag:$0x1] =	stream.indirect.gather [hbm4b:s4+s5], $0x10, s25, s5, $0xb8;
	[tilespmem:$0x9900] =	vst v63  }
0x24: {  	s8 =	simm.s32 $0x4100;
	s7 =	simm.s32 $0x380  }
0x25: {  	[tilespmem:s8], [sflag:$0x1] =	stream.indirect.gather [hbm4b:s4+s5], $0x10, s7, s5, $0xb8;
	[tilespmem:$0x9900] =	vst v63  }
0x26: {  	s9 =	simm.s32 $0x400;
	s10 =	simm.s32 $0x4900  }
0x27: {  	[tilespmem:s10], [sflag:$0x1] =	stream.indirect.gather [hbm4b:s4+s5], $0x10, s9, s5, $0xb8;
	[tilespmem:$0x9900] =	vst v63  }
0x28: {  	s12 =	simm.s32 $0x480;
	s13 =	simm.s32 $0x5100  }
0x29: {  	[tilespmem:s13], [sflag:$0x1] =	stream.indirect.gather [hbm4b:s4+s5], $0x10, s12, s5, $0xb8;
	[tilespmem:$0x9900] =	vst v63  }
0x2a: {  	s14 =	simm.s32 $0x500;
	s15 =	simm.s32 $0x5900  }
0x2b: {  	[tilespmem:s15], [sflag:$0x1] =	stream.indirect.gather [hbm4b:s4+s5], $0x10, s14, s5, $0xb8;
	[tilespmem:$0x9900] =	vst v63  }
0x2c: {  	s16 =	simm.s32 $0x580;
	s17 =	simm.s32 $0x6100  }
0x2d: {  	[tilespmem:s17], [sflag:$0x1] =	stream.indirect.gather [hbm4b:s4+s5], $0x10, s16, s5, $0xb8;
	[tilespmem:$0x9900] =	vst v63  }
0x2e: {  	s18 =	simm.s32 $0x600;
	s19 =	simm.s32 $0x6900  }
0x2f: {  	[tilespmem:s19], [sflag:$0x1] =	stream.indirect.gather [hbm4b:s4+s5], $0x10, s18, s5, $0xb8;
	[tilespmem:$0x9900] =	vst v63  }
0x30: {  	s20 =	simm.s32 $0x680;
	s21 =	simm.s32 $0x7100  }
0x31: {  	[tilespmem:s21], [sflag:$0x1] =	stream.indirect.gather [hbm4b:s4+s5], $0x10, s20, s5, $0xb8;
	[tilespmem:$0x9900] =	vst v63  }
0x32: {  	s22 =	simm.s32 $0x700;
	s23 =	simm.s32 $0x7900  }
0x33: {  	[tilespmem:s23], [sflag:$0x1] =	stream.indirect.gather [hbm4b:s4+s5], $0x10, s22, s5, $0xb8;
	[tilespmem:$0x9900] =	vst v63  }
0x34: {  	s24 =	simm.s32 $0x780;
	s25 =	simm.s32 $0x8100  }
0x35: {  	[tilespmem:s25], [sflag:$0x1] =	stream.indirect.gather [hbm4b:s4+s5], $0x10, s24, s5, $0xb8;
	[tilespmem:$0x9900] =	vst v63  }
0x36: {  	s28 =	simm.s32 $0x8900;
	s26 =	simm.s32 $0x800  }
0x37: {  	[tilespmem:s28], [sflag:$0x1] =	stream.indirect.gather [hbm4b:s4+s5], $0x10, s26, s5, $0xb8;
	[tilespmem:$0x9900] =	vst v63  }
0x38: {  	s29 =	simm.s32 $0x880;
	s30 =	simm.s32 $0x9100;
	s31 =	simm.s32 $0x1  }
0x39: {  	[tilespmem:s30], [sflag:$0x1] =	stream.indirect.gather [hbm4b:s4+s5], $0x10, s29, s5, $0xb8;
	[tilespmem:$0x9900] =	vst v63  }
0x3a: {  	_ =	swait.ge [sflag:s31], $0x800  }
0x3b: {  	[sflag:s31] =	ssyncset.done $0x0  }
0x3c: {  	[sflag:s31] =	ssyncadd.s32 $0xFFFFF800  }
0x3d: {  	_ =	swait.ge [sflag:s31], $0x800  }
0x3e: {  	[sflag:s31] =	ssyncset.done $0x0  }
0x3f: {  	[sflag:s31] =	ssyncadd.s32 $0xFFFFF800  }
0x40: {  	_ =	swait.ge [sflag:s31], $0x800  }
0x41: {  	[sflag:s31] =	ssyncset.done $0x0  }
0x42: {  	[sflag:s31] =	ssyncadd.s32 $0xFFFFF800  }
0x43: {  	_ =	swait.ge [sflag:s31], $0x800  }
0x44: {  	[sflag:s31] =	ssyncset.done $0x0  }
0x45: {  	[sflag:s31] =	ssyncadd.s32 $0xFFFFF800  }
0x46: {  	_ =	swait.ge [sflag:s31], $0x800  }
0x47: {  	[sflag:s31] =	ssyncset.done $0x0  }
0x48: {  	[sflag:s31] =	ssyncadd.s32 $0xFFFFF800  }
0x49: {  	_ =	swait.ge [sflag:s31], $0x800  }
0x4a: {  	[sflag:s31] =	ssyncset.done $0x0  }
0x4b: {  	[sflag:s31] =	ssyncadd.s32 $0xFFFFF800  }
0x4c: {  	_ =	swait.ge [sflag:s31], $0x800  }
0x4d: {  	[sflag:s31] =	ssyncset.done $0x0  }
0x4e: {  	[sflag:s31] =	ssyncadd.s32 $0xFFFFF800  }
0x4f: {  	_ =	swait.ge [sflag:s31], $0x800  }
0x50: {  	[sflag:s31] =	ssyncset.done $0x0  }
0x51: {  	[sflag:s31] =	ssyncadd.s32 $0xFFFFF800  }
0x52: {  	_ =	swait.ge [sflag:s31], $0x800  }
0x53: {  	[sflag:s31] =	ssyncset.done $0x0  }
0x54: {  	[sflag:s31] =	ssyncadd.s32 $0xFFFFF800  }
0x55: {  	_ =	swait.ge [sflag:s31], $0x800  }
0x56: {  	[sflag:s31] =	ssyncset.done $0x0  }
0x57: {  	[sflag:s31] =	ssyncadd.s32 $0xFFFFF800  }
0x58: {  	_ =	swait.ge [sflag:s31], $0x800  }
0x59: {  	[sflag:s31] =	ssyncset.done $0x0  }
0x5a: {  	[sflag:s31] =	ssyncadd.s32 $0xFFFFF800  }
0x5b: {  	_ =	swait.ge [sflag:s31], $0x800  }
0x5c: {  	[sflag:s31] =	ssyncset.done $0x0  }
0x5d: {  	[sflag:s31] =	ssyncadd.s32 $0xFFFFF800  }
0x5e: {  	_ =	swait.ge [sflag:s31], $0x800  }
0x5f: {  	[sflag:s31] =	ssyncset.done $0x0  }
0x60: {  	[sflag:s31] =	ssyncadd.s32 $0xFFFFF800  }
0x61: {  	_ =	swait.ge [sflag:s31], $0x800  }
0x62: {  	[sflag:s31] =	ssyncset.done $0x0  }
0x63: {  	[sflag:s31] =	ssyncadd.s32 $0xFFFFF800  }
0x64: {  	_ =	swait.ge [sflag:s31], $0x800  }
0x65: {  	[sflag:s31] =	ssyncset.done $0x0  }
0x66: {  	s11 =	ssub.s32 $0x2, s1;
	[sflag:s31] =	ssyncadd.s32 $0xFFFFF800  }
0x67: {  	s1 =	sshrl.u32 s11, $0x1;
	_ =	swait.ge [sflag:s31], $0x800  }
0x68: {  	s0 =	ssub.s32 s11, s1;
	[sflag:s31] =	ssyncset.done $0x0  }
0x69: {  	s0 =	smax.u32 s0, $0x1;
	[sflag:s31] =	ssyncadd.s32 $0xFFFFF800  }
0x6a: {  	p0 =	sne.s32 s0, $0x1;
	_ =	swait.ge [sflag:s31], $0x800  }
.Ltmp0:
0x6b: {  	[sflag:s31] =	ssyncset.done $0x0;
	(pc) =	sbr.rel @!p0 .LBB2_2-.Ltmp0, $4  }
0x6c: {  	[sflag:s31] =	ssyncadd.s32 $0xFFFFF800  }
0x6d: {  	_ =	swait.ge [sflag:s31], $0x800  }
0x6e: {  	[sflag:s31] =	ssyncset.done $0x0  }
0x6f: {  	s1 =	sadd.s32 $0xFFFFFFFF, s0;
	s0 =	rddreg [dreg:$0x3];
	[sflag:s31] =	ssyncadd.s32 $0xFFFFF800  }
.LBB2_1:
0x70: {  	[hbm4b:s0+s2] =	stream.linear.scatter [tilespmem:s6], [sflag:$0x2], $0x9000, $0x38;
	[tilespmem:$0x9900] =	vst v63  }
0x71: {  	_ =	swait.ge [sflag:s3], $0x9000  }
0x72: {  	[sflag:s3] =	ssyncset.done $0x0  }
0x73: {  	s9 =	rddreg [dreg:$0x2];
	[sflag:s3] =	ssyncadd.s32 $0xFFFF7000  }
0x74: {  	[tilespmem:s2], [sflag:$0x2] =	stream.linear.gather [hbm4b:s9+s2], $0x900, $0x38;
	[tilespmem:$0x9900] =	vst v63  }
0x75: {  	_ =	swait.ge [sflag:s3], $0x900  }
0x76: {  	s0 =	rddreg [dreg:$0xc]  }
0x77: {  	s7 =	rddreg [dreg:$0xa]  }
0x78: {  	s8 =	rddreg [dreg:$0x5];
	[sflag:s3] =	ssyncset.done $0x0  }
0x79: {  	s9 =	rddreg [dreg:$0x4];
	[sflag:s3] =	ssyncadd.s32 $0xFFFFF700  }
0x7a: {  	[tilespmem:s6], [sflag:$0x1] =	stream.indirect.gather [hbm4b:s4+s5], $0x10, s2, s5, $0xb8;
	[tilespmem:$0x9900] =	vst v63  }
0x7b: {  	s10 =	rddreg [dreg:$0x6]  }
0x7c: {  	[tilespmem:s9], [sflag:$0x1] =	stream.indirect.gather [hbm4b:s4+s5], $0x10, s5, s5, $0xb8;
	[tilespmem:$0x9900] =	vst v63  }
0x7d: {  	s11 =	rddreg [dreg:$0x8]  }
0x7e: {  	[tilespmem:s10], [sflag:$0x1] =	stream.indirect.gather [hbm4b:s4+s5], $0x10, s8, s5, $0xb8;
	[tilespmem:$0x9900] =	vst v63  }
0x7f: {  	s9 =	rddreg [dreg:$0x7]  }
0x80: {  	[tilespmem:s11], [sflag:$0x1] =	stream.indirect.gather [hbm4b:s4+s5], $0x10, s9, s5, $0xb8;
	[tilespmem:$0x9900] =	vst v63  }
0x81: {  	s10 =	rddreg [dreg:$0x9]  }
0x82: {  	[tilespmem:s7], [sflag:$0x1] =	stream.indirect.gather [hbm4b:s4+s5], $0x10, s10, s5, $0xb8;
	[tilespmem:$0x9900] =	vst v63  }
0x83: {  	s11 =	rddreg [dreg:$0xb]  }
0x84: {  	[tilespmem:s0], [sflag:$0x1] =	stream.indirect.gather [hbm4b:s4+s5], $0x10, s11, s5, $0xb8;
	[tilespmem:$0x9900] =	vst v63  }
0x85: {  	s10 =	rddreg [dreg:$0xd];
	s11 =	simm.s32 $0x3900  }
0x86: {  	[tilespmem:s11], [sflag:$0x1] =	stream.indirect.gather [hbm4b:s4+s5], $0x10, s10, s5, $0xb8;
	[tilespmem:$0x9900] =	vst v63  }
0x87: {  	s8 =	simm.s32 $0x380;
	s9 =	simm.s32 $0x4100  }
0x88: {  	[tilespmem:s9], [sflag:$0x1] =	stream.indirect.gather [hbm4b:s4+s5], $0x10, s8, s5, $0xb8;
	[tilespmem:$0x9900] =	vst v63  }
0x89: {  	s10 =	simm.s32 $0x400;
	s11 =	simm.s32 $0x4900  }
0x8a: {  	[tilespmem:s11], [sflag:$0x1] =	stream.indirect.gather [hbm4b:s4+s5], $0x10, s10, s5, $0xb8;
	[tilespmem:$0x9900] =	vst v63  }
0x8b: {  	_ = 	snop  }
0x8c: {  	[tilespmem:s13], [sflag:$0x1] =	stream.indirect.gather [hbm4b:s4+s5], $0x10, s12, s5, $0xb8;
	[tilespmem:$0x9900] =	vst v63  }
0x8d: {  	_ = 	snop  }
0x8e: {  	[tilespmem:s15], [sflag:$0x1] =	stream.indirect.gather [hbm4b:s4+s5], $0x10, s14, s5, $0xb8;
	[tilespmem:$0x9900] =	vst v63  }
0x8f: {  	_ = 	snop  }
0x90: {  	[tilespmem:s17], [sflag:$0x1] =	stream.indirect.gather [hbm4b:s4+s5], $0x10, s16, s5, $0xb8;
	[tilespmem:$0x9900] =	vst v63  }
0x91: {  	_ = 	snop  }
0x92: {  	[tilespmem:s19], [sflag:$0x1] =	stream.indirect.gather [hbm4b:s4+s5], $0x10, s18, s5, $0xb8;
	[tilespmem:$0x9900] =	vst v63  }
0x93: {  	_ = 	snop  }
0x94: {  	[tilespmem:s21], [sflag:$0x1] =	stream.indirect.gather [hbm4b:s4+s5], $0x10, s20, s5, $0xb8;
	[tilespmem:$0x9900] =	vst v63  }
0x95: {  	_ = 	snop  }
0x96: {  	[tilespmem:s23], [sflag:$0x1] =	stream.indirect.gather [hbm4b:s4+s5], $0x10, s22, s5, $0xb8;
	[tilespmem:$0x9900] =	vst v63  }
0x97: {  	_ = 	snop  }
0x98: {  	[tilespmem:s25], [sflag:$0x1] =	stream.indirect.gather [hbm4b:s4+s5], $0x10, s24, s5, $0xb8;
	[tilespmem:$0x9900] =	vst v63  }
0x99: {  	_ = 	snop  }
0x9a: {  	[tilespmem:s28], [sflag:$0x1] =	stream.indirect.gather [hbm4b:s4+s5], $0x10, s26, s5, $0xb8;
	[tilespmem:$0x9900] =	vst v63  }
0x9b: {  	_ = 	snop  }
0x9c: {  	[tilespmem:s30], [sflag:$0x1] =	stream.indirect.gather [hbm4b:s4+s5], $0x10, s29, s5, $0xb8;
	[tilespmem:$0x9900] =	vst v63  }
0x9d: {  	_ =	swait.ge [sflag:s31], $0x800  }
0x9e: {  	[sflag:s31] =	ssyncset.done $0x0  }
0x9f: {  	[sflag:s31] =	ssyncadd.s32 $0xFFFFF800  }
0xa0: {  	_ =	swait.ge [sflag:s31], $0x800  }
0xa1: {  	[sflag:s31] =	ssyncset.done $0x0  }
0xa2: {  	[sflag:s31] =	ssyncadd.s32 $0xFFFFF800  }
0xa3: {  	_ =	swait.ge [sflag:s31], $0x800  }
0xa4: {  	[sflag:s31] =	ssyncset.done $0x0  }
0xa5: {  	[sflag:s31] =	ssyncadd.s32 $0xFFFFF800  }
0xa6: {  	_ =	swait.ge [sflag:s31], $0x800  }
0xa7: {  	[sflag:s31] =	ssyncset.done $0x0  }
0xa8: {  	[sflag:s31] =	ssyncadd.s32 $0xFFFFF800  }
0xa9: {  	_ =	swait.ge [sflag:s31], $0x800  }
0xaa: {  	[sflag:s31] =	ssyncset.done $0x0  }
0xab: {  	[sflag:s31] =	ssyncadd.s32 $0xFFFFF800  }
0xac: {  	_ =	swait.ge [sflag:s31], $0x800  }
0xad: {  	[sflag:s31] =	ssyncset.done $0x0  }
0xae: {  	[sflag:s31] =	ssyncadd.s32 $0xFFFFF800  }
0xaf: {  	_ =	swait.ge [sflag:s31], $0x800  }
0xb0: {  	[sflag:s31] =	ssyncset.done $0x0  }
0xb1: {  	[sflag:s31] =	ssyncadd.s32 $0xFFFFF800  }
0xb2: {  	_ =	swait.ge [sflag:s31], $0x800  }
0xb3: {  	[sflag:s31] =	ssyncset.done $0x0  }
0xb4: {  	[sflag:s31] =	ssyncadd.s32 $0xFFFFF800  }
0xb5: {  	_ =	swait.ge [sflag:s31], $0x800  }
0xb6: {  	[sflag:s31] =	ssyncset.done $0x0  }
0xb7: {  	[sflag:s31] =	ssyncadd.s32 $0xFFFFF800  }
0xb8: {  	_ =	swait.ge [sflag:s31], $0x800  }
0xb9: {  	[sflag:s31] =	ssyncset.done $0x0  }
0xba: {  	[sflag:s31] =	ssyncadd.s32 $0xFFFFF800  }
0xbb: {  	_ =	swait.ge [sflag:s31], $0x800  }
0xbc: {  	[sflag:s31] =	ssyncset.done $0x0  }
0xbd: {  	[sflag:s31] =	ssyncadd.s32 $0xFFFFF800  }
0xbe: {  	_ =	swait.ge [sflag:s31], $0x800  }
0xbf: {  	[sflag:s31] =	ssyncset.done $0x0  }
0xc0: {  	[sflag:s31] =	ssyncadd.s32 $0xFFFFF800  }
0xc1: {  	_ =	swait.ge [sflag:s31], $0x800  }
0xc2: {  	[sflag:s31] =	ssyncset.done $0x0  }
0xc3: {  	[sflag:s31] =	ssyncadd.s32 $0xFFFFF800  }
0xc4: {  	_ =	swait.ge [sflag:s31], $0x800  }
0xc5: {  	[sflag:s31] =	ssyncset.done $0x0  }
0xc6: {  	[sflag:s31] =	ssyncadd.s32 $0xFFFFF800  }
0xc7: {  	_ =	swait.ge [sflag:s31], $0x800  }
0xc8: {  	[sflag:s31] =	ssyncset.done $0x0  }
0xc9: {  	[sflag:s31] =	ssyncadd.s32 $0xFFFFF800  }
0xca: {  	_ =	swait.ge [sflag:s31], $0x800  }
0xcb: {  	[sflag:s31] =	ssyncset.done $0x0  }
0xcc: {  	[sflag:s31] =	ssyncadd.s32 $0xFFFFF800  }
0xcd: {  	p0 =	sne.s32 s1, $0x1;
	_ =	swait.ge [sflag:s31], $0x800  }
.Ltmp1:
0xce: {  	[sflag:s31] =	ssyncset.done $0x0;
	(pc) =	sbr.rel @p0 .LBB2_1-.Ltmp1, $4  }
0xcf: {  	[sflag:s31] =	ssyncadd.s32 $0xFFFFF800  }
0xd0: {  	_ =	swait.ge [sflag:s31], $0x800  }
0xd1: {  	[sflag:s31] =	ssyncset.done $0x0  }
0xd2: {  	s1 =	sadd.s32 $0xFFFFFFFF, s1;
	s0 =	rddreg [dreg:$0x3];
	[sflag:s31] =	ssyncadd.s32 $0xFFFFF800  }
.LBB2_2:
0xd3: {  	[hbm4b:s0+s2] =	stream.linear.scatter [tilespmem:s6], [sflag:$0x2], $0x9000, $0x38;
	[tilespmem:$0x9900] =	vst v63  }
0xd4: {  	_ =	swait.ge [sflag:s3], $0x9000  }
0xd5: {  	[sflag:s3] =	ssyncset.done $0x0  }
0xd6: {  	[sflag:s3] =	ssyncadd.s32 $0xFFFF7000  }
0xd7: {  	_ =	sfence.sel $0x180000  }
0xd8: {  	[bflag:$0x0] =	sbarrier.arrive $0xFFFF  }
0xd9: {  	_ =	strace $0x9000004A  }
0xda: {  	s31 =	stileid.u32;
	[bflag:$0x2] =	sbarrier.arrive $0xFFFF  }
0xdb: {  	p0 =	sne.s32 s31, $0x0;
	s0 =	rddreg [dreg:$0x1]  }
0xdc: {  	s0 =	sadd.s32 @!p0 $0x100000, s0  }
0xdd: {  	[sflag:s0] =	ssyncadd.tile.s32 @!p0 $0x1;
	_ =	shalt  }
.Lfunc_end2:
_tile_overlayer_lowered:
.L_overlay_start_2:
0xde: {  	(tag) =	ssettag $0x2  }
0xdf: {  	s0 =	rddreg [dreg:$0x0];
	s2 =	stileid.u32  }
0xe0: {  	s1 =	rddreg [dreg:$0x1];
	p0 =	sne.s32 s2, $0x0  }
0xe1: {  	s3 =	rddreg [dreg:$0x2];
	[bflag:$0x3] =	sbarrier.arrive $0xFFFF;
	s2 =	simm.s32 @!p0 $0x1C02  }
0xe2: {  	[timem:s3], [sflag:s2] =	dma.local @!p0 [hbm:s0], s1  }
0xe3: {  	s0 =	simm.s32 @!p0 $0x2  }
0xe4: {  	_ =	swait.ge @!p0 [sflag:s0], s1  }
0xe5: {  	s1 =	ssub.s32 @!p0 $0x0, s1;
	[sflag:s0] =	ssyncset.done @!p0 $0x0  }
0xe6: {  	[sflag:s0] =	ssyncadd.s32 @!p0 s1  }
0xe7: {  	[bflag:$0x3] =	sbarrier.arrive $0xFFFF  }
0xe8: {  	_ =	shalt  }

</sc_bundles>
